<compile_context>
chip_gen: v7x
topology: tpu7x:2x2x1
jax: 0.10.2.dev20260603
libtpu: 0.0.44.dev20260713+nightly
codegen_flags: <defaults>
</compile_context>

<pallas_src>
import functools

import jax
import jax.numpy as jnp
from jax import lax
from jax.experimental import pallas as pl
from jax.experimental.pallas import tpu as pltpu
from jax.experimental.pallas import tpu_sc as plsc

N = 10000
E = 320000
D = 128

NC = 2
NS = 16
NW = NC * NS
CHUNK = 128
CPT = 80
EPAD = NW * CPT * CHUNK
NPAD = 10240
RPT = NPAD // NS
HW = 128


def _deg_body(dst_hbm, out_hbm, dst_v, ones_v, acc_sh, sa, sb):
    cid = lax.axis_index("c")
    sid = lax.axis_index("s")
    wid = cid * NS + sid
    pltpu.sync_copy(dst_hbm.at[wid], dst_v)

    def fill(val):
        def body(i, _):
            for j in range(HW // 16):
                ones_v[i, pl.ds(j * 16, 16)] = jnp.full((16,), val, jnp.float32)
            return 0
        lax.fori_loop(0, CHUNK, body, 0)

    fill(0.0)
    base = sid * RPT
    for k in range(RPT // CHUNK):
        pltpu.sync_copy(ones_v, acc_sh.at[pl.ds(base + k * CHUNK, CHUNK)])
    plsc.subcore_barrier()

    fill(1.0)

    def body(t, _):
        d0 = pltpu.async_copy(ones_v, acc_sh.at[dst_v.at[2 * t]], sa,
                              add=True)
        d1 = pltpu.async_copy(ones_v, acc_sh.at[dst_v.at[2 * t + 1]], sb,
                              add=True)
        d0.wait()
        d1.wait()
        return 0
    lax.fori_loop(0, CPT // 2, body, 0)
    plsc.subcore_barrier()
    pltpu.sync_copy(acc_sh.at[pl.ds(base, RPT)],
                    out_hbm.at[cid, pl.ds(base, RPT)])


_PH = 2
_PC = CPT // _PH


def _agg_body(hp_hbm, src_hbm, dst_hbm, out_hbm, src_v, dst_v,
              r0, r1, acc_sh, g0, g1, s0, s1):
    cid = lax.axis_index("c")
    sid = lax.axis_index("s")
    wid = cid * NS + sid

    def zrow(i, _):
        for j in range(D // 16):
            r0[i, pl.ds(j * 16, 16)] = jnp.zeros((16,), jnp.float32)
        return 0
    lax.fori_loop(0, CHUNK, zrow, 0)
    base = sid * RPT
    for k in range(RPT // CHUNK):
        pltpu.sync_copy(r0, acc_sh.at[pl.ds(base + k * CHUNK, CHUNK)])
    plsc.subcore_barrier()

    def gissue(c, buf, sem):
        pltpu.async_copy(hp_hbm.at[src_v.at[c]], buf, sem)

    def sissue(c, buf, sem):
        pltpu.async_copy(buf, acc_sh.at[dst_v.at[c]], sem, add=True)

    def gwait(buf, sem):
        pltpu.make_async_copy(hp_hbm.at[src_v.at[0]], buf, sem).wait()

    def swait(buf, sem):
        pltpu.make_async_copy(buf, acc_sh.at[dst_v.at[0]], sem).wait()

    for ph in range(_PH):
        pltpu.sync_copy(src_hbm.at[wid, pl.ds(ph * _PC, _PC)], src_v)
        pltpu.sync_copy(dst_hbm.at[wid, pl.ds(ph * _PC, _PC)], dst_v)
        gissue(0, r0, g0)
        gissue(1, r1, g1)
        gwait(r0, g0)
        sissue(0, r0, s0)
        gwait(r1, g1)
        sissue(1, r1, s1)

        def body(t, _):
            swait(r0, s0)
            gissue(2 * t, r0, g0)
            swait(r1, s1)
            gissue(2 * t + 1, r1, g1)
            gwait(r0, g0)
            sissue(2 * t, r0, s0)
            gwait(r1, g1)
            sissue(2 * t + 1, r1, s1)
            return 0
        lax.fori_loop(1, _PC // 2, body, 0)
        swait(r0, s0)
        swait(r1, s1)
    plsc.subcore_barrier()
    pltpu.sync_copy(acc_sh.at[pl.ds(base, RPT)],
                    out_hbm.at[cid, pl.ds(base, RPT)])


@functools.cache
def _sc_kernels():
    mesh = plsc.VectorSubcoreMesh(core_axis_name="c", subcore_axis_name="s",
                                  num_cores=NC, num_subcores=NS)
    deg = pl.kernel(
        _deg_body,
        out_type=jax.ShapeDtypeStruct((NC, NPAD, HW), jnp.float32),
        mesh=mesh,
        scratch_types=[
            pltpu.VMEM((CPT, CHUNK), jnp.int32),
            pltpu.VMEM((CHUNK, HW), jnp.float32),
            pltpu.VMEM_SHARED((NPAD, HW), jnp.float32),
            pltpu.SemaphoreType.DMA,
            pltpu.SemaphoreType.DMA,
        ],
    )
    agg = pl.kernel(
        _agg_body,
        out_type=jax.ShapeDtypeStruct((NC, NPAD, D), jnp.float32),
        mesh=mesh,
        scratch_types=[
            pltpu.VMEM((_PC, CHUNK), jnp.int32),
            pltpu.VMEM((_PC, CHUNK), jnp.int32),
            pltpu.VMEM((CHUNK, D), jnp.float32),
            pltpu.VMEM((CHUNK, D), jnp.float32),
            pltpu.VMEM_SHARED((NPAD, D), jnp.float32),
        ] + [pltpu.SemaphoreType.DMA] * 4,
    )
    return deg, agg



_BLK = 256
_GRID = NPAD // _BLK


def _dis(h0_ref, h1_ref):
    deg = h0_ref[...] + h1_ref[...] + 1.0
    return lax.rsqrt(deg)


def _mm_body(x_ref, w_ref, o_ref):
    o_ref[...] = jnp.dot(x_ref[...], w_ref[...],
                         preferred_element_type=jnp.float32)


def _scale_body(h0_ref, h1_ref, h_ref, o_ref):
    o_ref[...] = h_ref[...] * _dis(h0_ref, h1_ref)


def _mid_body(h0_ref, h1_ref, p0_ref, p1_ref, hp_ref, b_ref, w_ref, o_ref):
    dis = _dis(h0_ref, h1_ref)
    z = (p0_ref[...] + p1_ref[...] + hp_ref[...]) * dis + b_ref[...]
    h = jnp.maximum(z, 0.0)
    o_ref[...] = jnp.dot(h, w_ref[...],
                         preferred_element_type=jnp.float32) * dis


def _final_body(h0_ref, h1_ref, p0_ref, p1_ref, hp_ref, b_ref, o_ref):
    dis = _dis(h0_ref, h1_ref)
    z = (p0_ref[...] + p1_ref[...] + hp_ref[...]) * dis + b_ref[...]
    m = jnp.max(z, axis=1, keepdims=True)
    shifted = z - m
    lse = jnp.log(jnp.sum(jnp.exp(shifted), axis=1, keepdims=True))
    o_ref[...] = shifted - lse


def _row_spec(w):
    return pl.BlockSpec((_BLK, w), lambda i: (i, 0))


def _full_spec(r, c):
    return pl.BlockSpec((r, c), lambda i: (0, 0))


_OUT_SPEC = pl.BlockSpec((_BLK, D), lambda i: (i, 0))
_OUT_SHAPE = jax.ShapeDtypeStruct((NPAD, D), jnp.float32)

_tc_mm = pl.pallas_call(
    _mm_body,
    grid=(_GRID,),
    in_specs=[_row_spec(D), _full_spec(D, D)],
    out_specs=_OUT_SPEC,
    out_shape=_OUT_SHAPE,
)

_tc_scale = pl.pallas_call(
    _scale_body,
    grid=(_GRID,),
    in_specs=[_row_spec(HW), _row_spec(HW), _row_spec(D)],
    out_specs=_OUT_SPEC,
    out_shape=_OUT_SHAPE,
)

_tc2 = pl.pallas_call(
    _mid_body,
    grid=(_GRID,),
    in_specs=[_row_spec(HW), _row_spec(HW), _row_spec(D), _row_spec(D),
              _row_spec(D), _full_spec(1, D), _full_spec(D, D)],
    out_specs=_OUT_SPEC,
    out_shape=_OUT_SHAPE,
)

_tc3 = pl.pallas_call(
    _final_body,
    grid=(_GRID,),
    in_specs=[_row_spec(HW), _row_spec(HW), _row_spec(D), _row_spec(D),
              _row_spec(D), _full_spec(1, D)],
    out_specs=_OUT_SPEC,
    out_shape=_OUT_SHAPE,
)


def kernel(x, edge_index, W1, b1, W2, b2):
    src = edge_index[0]
    dst = edge_index[1]
    pad = EPAD - E
    pad_idx = jnp.arange(pad, dtype=jnp.int32)
    src_p = jnp.concatenate(
        [src, pad_idx % N]).reshape(NW, CPT, CHUNK)
    dst_p = jnp.concatenate(
        [dst, N + pad_idx % (NPAD - N)]).reshape(NW, CPT, CHUNK)
    xp = jnp.concatenate([x, jnp.zeros((NPAD - N, D), x.dtype)])

    _deg, _agg = _sc_kernels()
    h1mm = _tc_mm(xp, W1)
    hist = _deg(dst_p)
    h0, h1 = hist[0], hist[1]
    hp1 = _tc_scale(h0, h1, h1mm)
    p = _agg(hp1, src_p, dst_p)
    hp2 = _tc2(h0, h1, p[0], p[1], hp1, b1.reshape(1, D), W2)
    p2 = _agg(hp2, src_p, dst_p)
    outp = _tc3(h0, h1, p2[0], p2[1], hp2, b2.reshape(1, D))
    return outp[:N]

# --- scband reference (transcript-rebuilt; emitter-appended) ---
"""Pipeline reference for scband-graph-nn-68281390072484 (READ-ONLY COPY).

The authoritative reference and input builder live on the scoring server;
editing this copy changes nothing except your own understanding.
"""

import jax, jax.numpy as jnp
import numpy as np

N_NODES = 10000
N_EDGES = 320000
D_IN = 128
D_HID = 128
D_OUT = 128


def setup_inputs(seed: int = 0) -> dict:
    key = jax.random.key(seed)
    k1, k2, k3, k4, k5, k6 = jax.random.split(key, 6)
    x = jax.random.normal(k1, (N_NODES, D_IN), dtype=jnp.float32)
    edge_index = jax.random.randint(k2, (2, N_EDGES), 0, N_NODES, dtype=jnp.int32)
    W1 = jax.random.normal(k3, (D_IN, D_HID), dtype=jnp.float32) * 0.05
    b1 = jnp.zeros((D_HID,), dtype=jnp.float32)
    W2 = jax.random.normal(k4, (D_HID, D_OUT), dtype=jnp.float32) * 0.05
    b2 = jnp.zeros((D_OUT,), dtype=jnp.float32)
    return {"x": x, "edge_index": edge_index, "W1": W1, "b1": b1, "W2": W2, "b2": b2}


def _gcn_conv(x, edge_index, W, b):
    # GCNConv: x' = D^{-1/2} (A + I) D^{-1/2} (X W) + b
    n = x.shape[0]
    loop = jnp.arange(n, dtype=edge_index.dtype)
    src = jnp.concatenate([edge_index[0], loop])
    dst = jnp.concatenate([edge_index[1], loop])
    deg = jnp.zeros((n,), dtype=x.dtype).at[dst].add(1.0)
    deg_inv_sqrt = jax.lax.rsqrt(jnp.maximum(deg, 1e-12))
    coef = deg_inv_sqrt[src] * deg_inv_sqrt[dst]
    h = x @ W
    msg = h[src] * coef[:, None]
    out = jnp.zeros((n, h.shape[1]), dtype=x.dtype).at[dst].add(msg)
    return out + b


def reference(x, edge_index, W1, b1, W2, b2):
    h = jax.nn.relu(_gcn_conv(x, edge_index, W1, b1))
    h = _gcn_conv(h, edge_index, W2, b2)
    return jax.nn.log_softmax(h, axis=1)

if __name__ == "__main__":
    import jax
    _d = setup_inputs()
    print(jax.jit(kernel)(*tuple(_d.values())))

</pallas_src>

<mosaic_0001>
#map = affine_map<(d0, d1) -> (0, 0, 0)>
module attributes {stable_mosaic.version = 14 : i64} {
  func.func @_deg_body(%arg0: i32, %arg1: i32, %arg2: memref<32x80x128xi32, #tpu.memory_space<hbm>>, %arg3: memref<2x10240x128xf32, #tpu.memory_space<hbm>>, %arg4: memref<80x128xi32, #tpu.memory_space<vmem>>, %arg5: memref<128x128xf32, #tpu.memory_space<vmem>>, %arg6: memref<10240x128xf32, #tpu.memory_space<vmem_shared>>, %arg7: memref<!tpu.dma_semaphore, #tpu.memory_space<semaphore_mem>>, %arg8: memref<!tpu.dma_semaphore, #tpu.memory_space<semaphore_mem>>) attributes {dimension_semantics = [#tpu.dimension_semantics<core_parallel>, #tpu.dimension_semantics<subcore_parallel>], iteration_bounds = array<i64: 2, 16>, scalar_prefetch = 0 : i64, scratch_operands = 5 : i64, tpu.core_type = #tpu.core_type<sc_vector_subcore>, window_params = [{transform_indices = #map}, {transform_indices = #map}]} {
    %mul3A = arith.constant 16 : i32
    %mul3A_0 = arith.muli %arg0, %mul3A : i32
    %add3A = arith.addi %mul3A_0, %arg1 : i32
    "tpu.region"() ({
      %run_scoped3A = tpu.sem_alloc : memref<!tpu.dma_semaphore, #tpu.memory_space<semaphore_mem>>
      %dma_start3A = arith.constant 0 : i32
      %dma_start3A_34 = arith.constant 0 : i32
      %dma_start3A_35 = tpu.memref_slice %arg2[%add3A, %dma_start3A, %dma_start3A_34] : memref<32x80x128xi32, #tpu.memory_space<hbm>> -> memref<1x80x128xi32, #tpu.memory_space<hbm>>
      %dma_start3A_36 = tpu.memref_squeeze %dma_start3A_35 : memref<1x80x128xi32, #tpu.memory_space<hbm>> -> memref<80x128xi32, #tpu.memory_space<hbm>>
      %dma_start3A_37 = arith.constant 0 : i32
      %dma_start3A_38 = arith.constant 0 : i32
      %dma_start3A_39 = tpu.memref_slice %arg2[%add3A, %dma_start3A_37, %dma_start3A_38] : memref<32x80x128xi32, #tpu.memory_space<hbm>> -> memref<1x80x128xi32, #tpu.memory_space<hbm>>
      %dma_start3A_40 = tpu.memref_squeeze %dma_start3A_39 : memref<1x80x128xi32, #tpu.memory_space<hbm>> -> memref<80x128xi32, #tpu.memory_space<hbm>>
      tpu.enqueue_dma source(%dma_start3A_40 : memref<80x128xi32, #tpu.memory_space<hbm>>) target(%arg4 : memref<80x128xi32, #tpu.memory_space<vmem>>) target_semaphore(%run_scoped3A : memref<!tpu.dma_semaphore, #tpu.memory_space<semaphore_mem>>)
      %dma_wait3A = arith.constant 0 : i32
      %dma_wait3A_41 = arith.constant 0 : i32
      %dma_wait3A_42 = tpu.memref_slice %arg2[%add3A, %dma_wait3A, %dma_wait3A_41] : memref<32x80x128xi32, #tpu.memory_space<hbm>> -> memref<1x80x128xi32, #tpu.memory_space<hbm>>
      %dma_wait3A_43 = tpu.memref_squeeze %dma_wait3A_42 : memref<1x80x128xi32, #tpu.memory_space<hbm>> -> memref<80x128xi32, #tpu.memory_space<hbm>>
      %dma_wait3A_44 = arith.constant 0 : i32
      %dma_wait3A_45 = arith.constant 0 : i32
      %dma_wait3A_46 = tpu.memref_slice %arg2[%add3A, %dma_wait3A_44, %dma_wait3A_45] : memref<32x80x128xi32, #tpu.memory_space<hbm>> -> memref<1x80x128xi32, #tpu.memory_space<hbm>>
      %dma_wait3A_47 = tpu.memref_squeeze %dma_wait3A_46 : memref<1x80x128xi32, #tpu.memory_space<hbm>> -> memref<80x128xi32, #tpu.memory_space<hbm>>
      tpu.wait_dma2 semaphore(%run_scoped3A : memref<!tpu.dma_semaphore, #tpu.memory_space<semaphore_mem>>) src(%dma_wait3A_47 : memref<80x128xi32, #tpu.memory_space<hbm>>) dst(%arg4 : memref<80x128xi32, #tpu.memory_space<vmem>>)
      tpu.yield
    }) : () -> ()
    %scan3A = arith.constant 0 : i32
    %scan3A_1 = arith.constant 0 : i32
    %scan3A_2 = arith.constant 128 : i32
    %scan3A_3 = arith.addi %scan3A_1, %scan3A_2 : i32
    %scan3A_4 = arith.constant 1 : i32
    %scan3A_5 = scf.for %scan3A_34 = %scan3A_1 to %scan3A_3 step %scan3A_4 iter_args(%scan3A_35 = %scan3A) -> (i32)  : i32 {
      %broadcast_in_dim3A = arith.constant 0.000000e+00 : f32
      %broadcast_in_dim3A_36 = vector.broadcast %broadcast_in_dim3A : f32 to vector<16xf32>
      %swap3A = arith.index_cast %scan3A_34 : i32 to index
      %swap3A_37 = arith.constant 0 : index
      %swap3A_38 = tpu.vector_load %arg5[%swap3A, %swap3A_37] {strides = array<i32>} : memref<128x128xf32, #tpu.memory_space<vmem>>, vector<1x16xf32>,
      %swap3A_39 = vector.shape_cast %swap3A_38 : vector<1x16xf32> to vector<16xf32>
      %swap3A_40 = vector.shape_cast %broadcast_in_dim3A_36 : vector<16xf32> to vector<1x16xf32>
      tpu.vector_store %arg5[%swap3A, %swap3A_37], %swap3A_40 {strides = array<i32>} : memref<128x128xf32, #tpu.memory_space<vmem>>, vector<1x16xf32>,
      %broadcast_in_dim3A_41 = arith.constant 0.000000e+00 : f32
      %broadcast_in_dim3A_42 = vector.broadcast %broadcast_in_dim3A_41 : f32 to vector<16xf32>
      %swap3A_43 = arith.index_cast %scan3A_34 : i32 to index
      %swap3A_44 = arith.constant 16 : index
      %swap3A_45 = tpu.vector_load %arg5[%swap3A_43, %swap3A_44] {strides = array<i32>} : memref<128x128xf32, #tpu.memory_space<vmem>>, vector<1x16xf32>,
      %swap3A_46 = vector.shape_cast %swap3A_45 : vector<1x16xf32> to vector<16xf32>
      %swap3A_47 = vector.shape_cast %broadcast_in_dim3A_42 : vector<16xf32> to vector<1x16xf32>
      tpu.vector_store %arg5[%swap3A_43, %swap3A_44], %swap3A_47 {strides = array<i32>} : memref<128x128xf32, #tpu.memory_space<vmem>>, vector<1x16xf32>,
      %broadcast_in_dim3A_48 = arith.constant 0.000000e+00 : f32
      %broadcast_in_dim3A_49 = vector.broadcast %broadcast_in_dim3A_48 : f32 to vector<16xf32>
      %swap3A_50 = arith.index_cast %scan3A_34 : i32 to index
      %swap3A_51 = arith.constant 32 : index
      %swap3A_52 = tpu.vector_load %arg5[%swap3A_50, %swap3A_51] {strides = array<i32>} : memref<128x128xf32, #tpu.memory_space<vmem>>, vector<1x16xf32>,
      %swap3A_53 = vector.shape_cast %swap3A_52 : vector<1x16xf32> to vector<16xf32>
      %swap3A_54 = vector.shape_cast %broadcast_in_dim3A_49 : vector<16xf32> to vector<1x16xf32>
      tpu.vector_store %arg5[%swap3A_50, %swap3A_51], %swap3A_54 {strides = array<i32>} : memref<128x128xf32, #tpu.memory_space<vmem>>, vector<1x16xf32>,
      %broadcast_in_dim3A_55 = arith.constant 0.000000e+00 : f32
      %broadcast_in_dim3A_56 = vector.broadcast %broadcast_in_dim3A_55 : f32 to vector<16xf32>
      %swap3A_57 = arith.index_cast %scan3A_34 : i32 to index
      %swap3A_58 = arith.constant 48 : index
      %swap3A_59 = tpu.vector_load %arg5[%swap3A_57, %swap3A_58] {strides = array<i32>} : memref<128x128xf32, #tpu.memory_space<vmem>>, vector<1x16xf32>,
      %swap3A_60 = vector.shape_cast %swap3A_59 : vector<1x16xf32> to vector<16xf32>
      %swap3A_61 = vector.shape_cast %broadcast_in_dim3A_56 : vector<16xf32> to vector<1x16xf32>
      tpu.vector_store %arg5[%swap3A_57, %swap3A_58], %swap3A_61 {strides = array<i32>} : memref<128x128xf32, #tpu.memory_space<vmem>>, vector<1x16xf32>,
      %broadcast_in_dim3A_62 = arith.constant 0.000000e+00 : f32
      %broadcast_in_dim3A_63 = vector.broadcast %broadcast_in_dim3A_62 : f32 to vector<16xf32>
      %swap3A_64 = arith.index_cast %scan3A_34 : i32 to index
      %swap3A_65 = arith.constant 64 : index
      %swap3A_66 = tpu.vector_load %arg5[%swap3A_64, %swap3A_65] {strides = array<i32>} : memref<128x128xf32, #tpu.memory_space<vmem>>, vector<1x16xf32>,
      %swap3A_67 = vector.shape_cast %swap3A_66 : vector<1x16xf32> to vector<16xf32>
      %swap3A_68 = vector.shape_cast %broadcast_in_dim3A_63 : vector<16xf32> to vector<1x16xf32>
      tpu.vector_store %arg5[%swap3A_64, %swap3A_65], %swap3A_68 {strides = array<i32>} : memref<128x128xf32, #tpu.memory_space<vmem>>, vector<1x16xf32>,
      %broadcast_in_dim3A_69 = arith.constant 0.000000e+00 : f32
      %broadcast_in_dim3A_70 = vector.broadcast %broadcast_in_dim3A_69 : f32 to vector<16xf32>
      %swap3A_71 = arith.index_cast %scan3A_34 : i32 to index
      %swap3A_72 = arith.constant 80 : index
      %swap3A_73 = tpu.vector_load %arg5[%swap3A_71, %swap3A_72] {strides = array<i32>} : memref<128x128xf32, #tpu.memory_space<vmem>>, vector<1x16xf32>,
      %swap3A_74 = vector.shape_cast %swap3A_73 : vector<1x16xf32> to vector<16xf32>
      %swap3A_75 = vector.shape_cast %broadcast_in_dim3A_70 : vector<16xf32> to vector<1x16xf32>
      tpu.vector_store %arg5[%swap3A_71, %swap3A_72], %swap3A_75 {strides = array<i32>} : memref<128x128xf32, #tpu.memory_space<vmem>>, vector<1x16xf32>,
      %broadcast_in_dim3A_76 = arith.constant 0.000000e+00 : f32
      %broadcast_in_dim3A_77 = vector.broadcast %broadcast_in_dim3A_76 : f32 to vector<16xf32>
      %swap3A_78 = arith.index_cast %scan3A_34 : i32 to index
      %swap3A_79 = arith.constant 96 : index
      %swap3A_80 = tpu.vector_load %arg5[%swap3A_78, %swap3A_79] {strides = array<i32>} : memref<128x128xf32, #tpu.memory_space<vmem>>, vector<1x16xf32>,
      %swap3A_81 = vector.shape_cast %swap3A_80 : vector<1x16xf32> to vector<16xf32>
      %swap3A_82 = vector.shape_cast %broadcast_in_dim3A_77 : vector<16xf32> to vector<1x16xf32>
      tpu.vector_store %arg5[%swap3A_78, %swap3A_79], %swap3A_82 {strides = array<i32>} : memref<128x128xf32, #tpu.memory_space<vmem>>, vector<1x16xf32>,
      %broadcast_in_dim3A_83 = arith.constant 0.000000e+00 : f32
      %broadcast_in_dim3A_84 = vector.broadcast %broadcast_in_dim3A_83 : f32 to vector<16xf32>
      %swap3A_85 = arith.index_cast %scan3A_34 : i32 to index
      %swap3A_86 = arith.constant 112 : index
      %swap3A_87 = tpu.vector_load %arg5[%swap3A_85, %swap3A_86] {strides = array<i32>} : memref<128x128xf32, #tpu.memory_space<vmem>>, vector<1x16xf32>,
      %swap3A_88 = vector.shape_cast %swap3A_87 : vector<1x16xf32> to vector<16xf32>
      %swap3A_89 = vector.shape_cast %broadcast_in_dim3A_84 : vector<16xf32> to vector<1x16xf32>
      tpu.vector_store %arg5[%swap3A_85, %swap3A_86], %swap3A_89 {strides = array<i32>} : memref<128x128xf32, #tpu.memory_space<vmem>>, vector<1x16xf32>,
      %scan3A_90 = arith.constant 0 : i32
      scf.yield %scan3A_90 : i32
    }
    %scan3A_6 = arith.constant 128 : i32
    %mul3A_7 = arith.constant 640 : i32
    %mul3A_8 = arith.muli %arg1, %mul3A_7 : i32
    %add3A_9 = arith.constant 0 : i32
    %add3A_10 = arith.addi %mul3A_8, %add3A_9 : i32
    "tpu.region"() ({
      %run_scoped3A = tpu.sem_alloc : memref<!tpu.dma_semaphore, #tpu.memory_space<semaphore_mem>>
      %dma_start3A = arith.constant 0 : i32
      %dma_start3A_34 = tpu.memref_slice %arg6[%add3A_10, %dma_start3A] : memref<10240x128xf32, #tpu.memory_space<vmem_shared>> -> memref<128x128xf32, #tpu.memory_space<vmem_shared>>
      %dma_start3A_35 = arith.constant 0 : i32
      %dma_start3A_36 = tpu.memref_slice %arg6[%add3A_10, %dma_start3A_35] : memref<10240x128xf32, #tpu.memory_space<vmem_shared>> -> memref<128x128xf32, #tpu.memory_space<vmem_shared>>
      tpu.enqueue_dma source(%arg5 : memref<128x128xf32, #tpu.memory_space<vmem>>) target(%dma_start3A_36 : memref<128x128xf32, #tpu.memory_space<vmem_shared>>) target_semaphore(%run_scoped3A : memref<!tpu.dma_semaphore, #tpu.memory_space<semaphore_mem>>)
      %dma_wait3A = arith.constant 0 : i32
      %dma_wait3A_37 = tpu.memref_slice %arg6[%add3A_10, %dma_wait3A] : memref<10240x128xf32, #tpu.memory_space<vmem_shared>> -> memref<128x128xf32, #tpu.memory_space<vmem_shared>>
      %dma_wait3A_38 = arith.constant 0 : i32
      %dma_wait3A_39 = tpu.memref_slice %arg6[%add3A_10, %dma_wait3A_38] : memref<10240x128xf32, #tpu.memory_space<vmem_shared>> -> memref<128x128xf32, #tpu.memory_space<vmem_shared>>
      tpu.wait_dma2 semaphore(%run_scoped3A : memref<!tpu.dma_semaphore, #tpu.memory_space<semaphore_mem>>) src(%arg5 : memref<128x128xf32, #tpu.memory_space<vmem>>) dst(%dma_wait3A_39 : memref<128x128xf32, #tpu.memory_space<vmem_shared>>)
      tpu.yield
    }) : () -> ()
    %add3A_11 = arith.constant 128 : i32
    %add3A_12 = arith.addi %mul3A_8, %add3A_11 : i32
    "tpu.region"() ({
      %run_scoped3A = tpu.sem_alloc : memref<!tpu.dma_semaphore, #tpu.memory_space<semaphore_mem>>
      %dma_start3A = arith.constant 0 : i32
      %dma_start3A_34 = tpu.memref_slice %arg6[%add3A_12, %dma_start3A] : memref<10240x128xf32, #tpu.memory_space<vmem_shared>> -> memref<128x128xf32, #tpu.memory_space<vmem_shared>>
      %dma_start3A_35 = arith.constant 0 : i32
      %dma_start3A_36 = tpu.memref_slice %arg6[%add3A_12, %dma_start3A_35] : memref<10240x128xf32, #tpu.memory_space<vmem_shared>> -> memref<128x128xf32, #tpu.memory_space<vmem_shared>>
      tpu.enqueue_dma source(%arg5 : memref<128x128xf32, #tpu.memory_space<vmem>>) target(%dma_start3A_36 : memref<128x128xf32, #tpu.memory_space<vmem_shared>>) target_semaphore(%run_scoped3A : memref<!tpu.dma_semaphore, #tpu.memory_space<semaphore_mem>>)
      %dma_wait3A = arith.constant 0 : i32
      %dma_wait3A_37 = tpu.memref_slice %arg6[%add3A_12, %dma_wait3A] : memref<10240x128xf32, #tpu.memory_space<vmem_shared>> -> memref<128x128xf32, #tpu.memory_space<vmem_shared>>
      %dma_wait3A_38 = arith.constant 0 : i32
      %dma_wait3A_39 = tpu.memref_slice %arg6[%add3A_12, %dma_wait3A_38] : memref<10240x128xf32, #tpu.memory_space<vmem_shared>> -> memref<128x128xf32, #tpu.memory_space<vmem_shared>>
      tpu.wait_dma2 semaphore(%run_scoped3A : memref<!tpu.dma_semaphore, #tpu.memory_space<semaphore_mem>>) src(%arg5 : memref<128x128xf32, #tpu.memory_space<vmem>>) dst(%dma_wait3A_39 : memref<128x128xf32, #tpu.memory_space<vmem_shared>>)
      tpu.yield
    }) : () -> ()
    %add3A_13 = arith.constant 256 : i32
    %add3A_14 = arith.addi %mul3A_8, %add3A_13 : i32
    "tpu.region"() ({
      %run_scoped3A = tpu.sem_alloc : memref<!tpu.dma_semaphore, #tpu.memory_space<semaphore_mem>>
      %dma_start3A = arith.constant 0 : i32
      %dma_start3A_34 = tpu.memref_slice %arg6[%add3A_14, %dma_start3A] : memref<10240x128xf32, #tpu.memory_space<vmem_shared>> -> memref<128x128xf32, #tpu.memory_space<vmem_shared>>
      %dma_start3A_35 = arith.constant 0 : i32
      %dma_start3A_36 = tpu.memref_slice %arg6[%add3A_14, %dma_start3A_35] : memref<10240x128xf32, #tpu.memory_space<vmem_shared>> -> memref<128x128xf32, #tpu.memory_space<vmem_shared>>
      tpu.enqueue_dma source(%arg5 : memref<128x128xf32, #tpu.memory_space<vmem>>) target(%dma_start3A_36 : memref<128x128xf32, #tpu.memory_space<vmem_shared>>) target_semaphore(%run_scoped3A : memref<!tpu.dma_semaphore, #tpu.memory_space<semaphore_mem>>)
      %dma_wait3A = arith.constant 0 : i32
      %dma_wait3A_37 = tpu.memref_slice %arg6[%add3A_14, %dma_wait3A] : memref<10240x128xf32, #tpu.memory_space<vmem_shared>> -> memref<128x128xf32, #tpu.memory_space<vmem_shared>>
      %dma_wait3A_38 = arith.constant 0 : i32
      %dma_wait3A_39 = tpu.memref_slice %arg6[%add3A_14, %dma_wait3A_38] : memref<10240x128xf32, #tpu.memory_space<vmem_shared>> -> memref<128x128xf32, #tpu.memory_space<vmem_shared>>
      tpu.wait_dma2 semaphore(%run_scoped3A : memref<!tpu.dma_semaphore, #tpu.memory_space<semaphore_mem>>) src(%arg5 : memref<128x128xf32, #tpu.memory_space<vmem>>) dst(%dma_wait3A_39 : memref<128x128xf32, #tpu.memory_space<vmem_shared>>)
      tpu.yield
    }) : () -> ()
    %add3A_15 = arith.constant 384 : i32
    %add3A_16 = arith.addi %mul3A_8, %add3A_15 : i32
    "tpu.region"() ({
      %run_scoped3A = tpu.sem_alloc : memref<!tpu.dma_semaphore, #tpu.memory_space<semaphore_mem>>
      %dma_start3A = arith.constant 0 : i32
      %dma_start3A_34 = tpu.memref_slice %arg6[%add3A_16, %dma_start3A] : memref<10240x128xf32, #tpu.memory_space<vmem_shared>> -> memref<128x128xf32, #tpu.memory_space<vmem_shared>>
      %dma_start3A_35 = arith.constant 0 : i32
      %dma_start3A_36 = tpu.memref_slice %arg6[%add3A_16, %dma_start3A_35] : memref<10240x128xf32, #tpu.memory_space<vmem_shared>> -> memref<128x128xf32, #tpu.memory_space<vmem_shared>>
      tpu.enqueue_dma source(%arg5 : memref<128x128xf32, #tpu.memory_space<vmem>>) target(%dma_start3A_36 : memref<128x128xf32, #tpu.memory_space<vmem_shared>>) target_semaphore(%run_scoped3A : memref<!tpu.dma_semaphore, #tpu.memory_space<semaphore_mem>>)
      %dma_wait3A = arith.constant 0 : i32
      %dma_wait3A_37 = tpu.memref_slice %arg6[%add3A_16, %dma_wait3A] : memref<10240x128xf32, #tpu.memory_space<vmem_shared>> -> memref<128x128xf32, #tpu.memory_space<vmem_shared>>
      %dma_wait3A_38 = arith.constant 0 : i32
      %dma_wait3A_39 = tpu.memref_slice %arg6[%add3A_16, %dma_wait3A_38] : memref<10240x128xf32, #tpu.memory_space<vmem_shared>> -> memref<128x128xf32, #tpu.memory_space<vmem_shared>>
      tpu.wait_dma2 semaphore(%run_scoped3A : memref<!tpu.dma_semaphore, #tpu.memory_space<semaphore_mem>>) src(%arg5 : memref<128x128xf32, #tpu.memory_space<vmem>>) dst(%dma_wait3A_39 : memref<128x128xf32, #tpu.memory_space<vmem_shared>>)
      tpu.yield
    }) : () -> ()
    %add3A_17 = arith.constant 512 : i32
    %add3A_18 = arith.addi %mul3A_8, %add3A_17 : i32
    "tpu.region"() ({
      %run_scoped3A = tpu.sem_alloc : memref<!tpu.dma_semaphore, #tpu.memory_space<semaphore_mem>>
      %dma_start3A = arith.constant 0 : i32
      %dma_start3A_34 = tpu.memref_slice %arg6[%add3A_18, %dma_start3A] : memref<10240x128xf32, #tpu.memory_space<vmem_shared>> -> memref<128x128xf32, #tpu.memory_space<vmem_shared>>
      %dma_start3A_35 = arith.constant 0 : i32
      %dma_start3A_36 = tpu.memref_slice %arg6[%add3A_18, %dma_start3A_35] : memref<10240x128xf32, #tpu.memory_space<vmem_shared>> -> memref<128x128xf32, #tpu.memory_space<vmem_shared>>
      tpu.enqueue_dma source(%arg5 : memref<128x128xf32, #tpu.memory_space<vmem>>) target(%dma_start3A_36 : memref<128x128xf32, #tpu.memory_space<vmem_shared>>) target_semaphore(%run_scoped3A : memref<!tpu.dma_semaphore, #tpu.memory_space<semaphore_mem>>)
      %dma_wait3A = arith.constant 0 : i32
      %dma_wait3A_37 = tpu.memref_slice %arg6[%add3A_18, %dma_wait3A] : memref<10240x128xf32, #tpu.memory_space<vmem_shared>> -> memref<128x128xf32, #tpu.memory_space<vmem_shared>>
      %dma_wait3A_38 = arith.constant 0 : i32
      %dma_wait3A_39 = tpu.memref_slice %arg6[%add3A_18, %dma_wait3A_38] : memref<10240x128xf32, #tpu.memory_space<vmem_shared>> -> memref<128x128xf32, #tpu.memory_space<vmem_shared>>
      tpu.wait_dma2 semaphore(%run_scoped3A : memref<!tpu.dma_semaphore, #tpu.memory_space<semaphore_mem>>) src(%arg5 : memref<128x128xf32, #tpu.memory_space<vmem>>) dst(%dma_wait3A_39 : memref<128x128xf32, #tpu.memory_space<vmem_shared>>)
      tpu.yield
    }) : () -> ()
    %barrier3A = arith.constant 0 : index
    tpu.barrier barrier_id(%barrier3A)
    %scan3A_19 = arith.constant 0 : i32
    %scan3A_20 = arith.constant 0 : i32
    %scan3A_21 = arith.constant 128 : i32
    %scan3A_22 = arith.addi %scan3A_20, %scan3A_21 : i32
    %scan3A_23 = arith.constant 1 : i32
    %scan3A_24 = scf.for %scan3A_34 = %scan3A_20 to %scan3A_22 step %scan3A_23 iter_args(%scan3A_35 = %scan3A_19) -> (i32)  : i32 {
      %broadcast_in_dim3A = arith.constant 1.000000e+00 : f32
      %broadcast_in_dim3A_36 = vector.broadcast %broadcast_in_dim3A : f32 to vector<16xf32>
      %swap3A = arith.index_cast %scan3A_34 : i32 to index
      %swap3A_37 = arith.constant 0 : index
      %swap3A_38 = tpu.vector_load %arg5[%swap3A, %swap3A_37] {strides = array<i32>} : memref<128x128xf32, #tpu.memory_space<vmem>>, vector<1x16xf32>,
      %swap3A_39 = vector.shape_cast %swap3A_38 : vector<1x16xf32> to vector<16xf32>
      %swap3A_40 = vector.shape_cast %broadcast_in_dim3A_36 : vector<16xf32> to vector<1x16xf32>
      tpu.vector_store %arg5[%swap3A, %swap3A_37], %swap3A_40 {strides = array<i32>} : memref<128x128xf32, #tpu.memory_space<vmem>>, vector<1x16xf32>,
      %broadcast_in_dim3A_41 = arith.constant 1.000000e+00 : f32
      %broadcast_in_dim3A_42 = vector.broadcast %broadcast_in_dim3A_41 : f32 to vector<16xf32>
      %swap3A_43 = arith.index_cast %scan3A_34 : i32 to index
      %swap3A_44 = arith.constant 16 : index
      %swap3A_45 = tpu.vector_load %arg5[%swap3A_43, %swap3A_44] {strides = array<i32>} : memref<128x128xf32, #tpu.memory_space<vmem>>, vector<1x16xf32>,
      %swap3A_46 = vector.shape_cast %swap3A_45 : vector<1x16xf32> to vector<16xf32>
      %swap3A_47 = vector.shape_cast %broadcast_in_dim3A_42 : vector<16xf32> to vector<1x16xf32>
      tpu.vector_store %arg5[%swap3A_43, %swap3A_44], %swap3A_47 {strides = array<i32>} : memref<128x128xf32, #tpu.memory_space<vmem>>, vector<1x16xf32>,
      %broadcast_in_dim3A_48 = arith.constant 1.000000e+00 : f32
      %broadcast_in_dim3A_49 = vector.broadcast %broadcast_in_dim3A_48 : f32 to vector<16xf32>
      %swap3A_50 = arith.index_cast %scan3A_34 : i32 to index
      %swap3A_51 = arith.constant 32 : index
      %swap3A_52 = tpu.vector_load %arg5[%swap3A_50, %swap3A_51] {strides = array<i32>} : memref<128x128xf32, #tpu.memory_space<vmem>>, vector<1x16xf32>,
      %swap3A_53 = vector.shape_cast %swap3A_52 : vector<1x16xf32> to vector<16xf32>
      %swap3A_54 = vector.shape_cast %broadcast_in_dim3A_49 : vector<16xf32> to vector<1x16xf32>
      tpu.vector_store %arg5[%swap3A_50, %swap3A_51], %swap3A_54 {strides = array<i32>} : memref<128x128xf32, #tpu.memory_space<vmem>>, vector<1x16xf32>,
      %broadcast_in_dim3A_55 = arith.constant 1.000000e+00 : f32
      %broadcast_in_dim3A_56 = vector.broadcast %broadcast_in_dim3A_55 : f32 to vector<16xf32>
      %swap3A_57 = arith.index_cast %scan3A_34 : i32 to index
      %swap3A_58 = arith.constant 48 : index
      %swap3A_59 = tpu.vector_load %arg5[%swap3A_57, %swap3A_58] {strides = array<i32>} : memref<128x128xf32, #tpu.memory_space<vmem>>, vector<1x16xf32>,
      %swap3A_60 = vector.shape_cast %swap3A_59 : vector<1x16xf32> to vector<16xf32>
      %swap3A_61 = vector.shape_cast %broadcast_in_dim3A_56 : vector<16xf32> to vector<1x16xf32>
      tpu.vector_store %arg5[%swap3A_57, %swap3A_58], %swap3A_61 {strides = array<i32>} : memref<128x128xf32, #tpu.memory_space<vmem>>, vector<1x16xf32>,
      %broadcast_in_dim3A_62 = arith.constant 1.000000e+00 : f32
      %broadcast_in_dim3A_63 = vector.broadcast %broadcast_in_dim3A_62 : f32 to vector<16xf32>
      %swap3A_64 = arith.index_cast %scan3A_34 : i32 to index
      %swap3A_65 = arith.constant 64 : index
      %swap3A_66 = tpu.vector_load %arg5[%swap3A_64, %swap3A_65] {strides = array<i32>} : memref<128x128xf32, #tpu.memory_space<vmem>>, vector<1x16xf32>,
      %swap3A_67 = vector.shape_cast %swap3A_66 : vector<1x16xf32> to vector<16xf32>
      %swap3A_68 = vector.shape_cast %broadcast_in_dim3A_63 : vector<16xf32> to vector<1x16xf32>
      tpu.vector_store %arg5[%swap3A_64, %swap3A_65], %swap3A_68 {strides = array<i32>} : memref<128x128xf32, #tpu.memory_space<vmem>>, vector<1x16xf32>,
      %broadcast_in_dim3A_69 = arith.constant 1.000000e+00 : f32
      %broadcast_in_dim3A_70 = vector.broadcast %broadcast_in_dim3A_69 : f32 to vector<16xf32>
      %swap3A_71 = arith.index_cast %scan3A_34 : i32 to index
      %swap3A_72 = arith.constant 80 : index
      %swap3A_73 = tpu.vector_load %arg5[%swap3A_71, %swap3A_72] {strides = array<i32>} : memref<128x128xf32, #tpu.memory_space<vmem>>, vector<1x16xf32>,
      %swap3A_74 = vector.shape_cast %swap3A_73 : vector<1x16xf32> to vector<16xf32>
      %swap3A_75 = vector.shape_cast %broadcast_in_dim3A_70 : vector<16xf32> to vector<1x16xf32>
      tpu.vector_store %arg5[%swap3A_71, %swap3A_72], %swap3A_75 {strides = array<i32>} : memref<128x128xf32, #tpu.memory_space<vmem>>, vector<1x16xf32>,
      %broadcast_in_dim3A_76 = arith.constant 1.000000e+00 : f32
      %broadcast_in_dim3A_77 = vector.broadcast %broadcast_in_dim3A_76 : f32 to vector<16xf32>
      %swap3A_78 = arith.index_cast %scan3A_34 : i32 to index
      %swap3A_79 = arith.constant 96 : index
      %swap3A_80 = tpu.vector_load %arg5[%swap3A_78, %swap3A_79] {strides = array<i32>} : memref<128x128xf32, #tpu.memory_space<vmem>>, vector<1x16xf32>,
      %swap3A_81 = vector.shape_cast %swap3A_80 : vector<1x16xf32> to vector<16xf32>
      %swap3A_82 = vector.shape_cast %broadcast_in_dim3A_77 : vector<16xf32> to vector<1x16xf32>
      tpu.vector_store %arg5[%swap3A_78, %swap3A_79], %swap3A_82 {strides = array<i32>} : memref<128x128xf32, #tpu.memory_space<vmem>>, vector<1x16xf32>,
      %broadcast_in_dim3A_83 = arith.constant 1.000000e+00 : f32
      %broadcast_in_dim3A_84 = vector.broadcast %broadcast_in_dim3A_83 : f32 to vector<16xf32>
      %swap3A_85 = arith.index_cast %scan3A_34 : i32 to index
      %swap3A_86 = arith.constant 112 : index
      %swap3A_87 = tpu.vector_load %arg5[%swap3A_85, %swap3A_86] {strides = array<i32>} : memref<128x128xf32, #tpu.memory_space<vmem>>, vector<1x16xf32>,
      %swap3A_88 = vector.shape_cast %swap3A_87 : vector<1x16xf32> to vector<16xf32>
      %swap3A_89 = vector.shape_cast %broadcast_in_dim3A_84 : vector<16xf32> to vector<1x16xf32>
      tpu.vector_store %arg5[%swap3A_85, %swap3A_86], %swap3A_89 {strides = array<i32>} : memref<128x128xf32, #tpu.memory_space<vmem>>, vector<1x16xf32>,
      %scan3A_90 = arith.constant 0 : i32
      scf.yield %scan3A_90 : i32
    }
    %scan3A_25 = arith.constant 128 : i32
    %scan3A_26 = arith.constant 0 : i32
    %scan3A_27 = arith.constant 0 : i32
    %scan3A_28 = arith.constant 40 : i32
    %scan3A_29 = arith.addi %scan3A_27, %scan3A_28 : i32
    %scan3A_30 = arith.constant 1 : i32
    %scan3A_31 = scf.for %scan3A_34 = %scan3A_27 to %scan3A_29 step %scan3A_30 iter_args(%scan3A_35 = %scan3A_26) -> (i32)  : i32 {
      %mul3A_36 = arith.constant 2 : i32
      %mul3A_37 = arith.muli %mul3A_36, %scan3A_34 : i32
      %dma_start3A = arith.constant 0 : i32
      %dma_start3A_38 = tpu.memref_slice %arg4[%mul3A_37, %dma_start3A] : memref<80x128xi32, #tpu.memory_space<vmem>> -> memref<1x128xi32, #tpu.memory_space<vmem>>
      %dma_start3A_39 = tpu.memref_squeeze %dma_start3A_38 : memref<1x128xi32, #tpu.memory_space<vmem>> -> memref<128xi32, #tpu.memory_space<vmem>>
      %dma_start3A_40 = arith.constant 0 : i32
      %dma_start3A_41 = arith.constant 0 : i32
      %dma_start3A_42 = tpu.memref_slice %arg6[%dma_start3A_40, %dma_start3A_41] : memref<10240x128xf32, #tpu.memory_space<vmem_shared>> -> memref<10240x128xf32, #tpu.memory_space<vmem_shared>>
      tpu.enqueue_indirect_dma source(%arg5 : memref<128x128xf32, #tpu.memory_space<vmem>>) target(%dma_start3A_42 : memref<10240x128xf32, #tpu.memory_space<vmem_shared>>) offsets(%dma_start3A_39 : memref<128xi32, #tpu.memory_space<vmem>>) semaphore(%arg7 : memref<!tpu.dma_semaphore, #tpu.memory_space<semaphore_mem>>) {add = true}
      %mul3A_43 = arith.constant 2 : i32
      %mul3A_44 = arith.muli %mul3A_43, %scan3A_34 : i32
      %add3A_45 = arith.constant 1 : i32
      %add3A_46 = arith.addi %mul3A_44, %add3A_45 : i32
      %dma_start3A_47 = arith.constant 0 : i32
      %dma_start3A_48 = tpu.memref_slice %arg4[%add3A_46, %dma_start3A_47] : memref<80x128xi32, #tpu.memory_space<vmem>> -> memref<1x128xi32, #tpu.memory_space<vmem>>
      %dma_start3A_49 = tpu.memref_squeeze %dma_start3A_48 : memref<1x128xi32, #tpu.memory_space<vmem>> -> memref<128xi32, #tpu.memory_space<vmem>>
      %dma_start3A_50 = arith.constant 0 : i32
      %dma_start3A_51 = arith.constant 0 : i32
      %dma_start3A_52 = tpu.memref_slice %arg6[%dma_start3A_50, %dma_start3A_51] : memref<10240x128xf32, #tpu.memory_space<vmem_shared>> -> memref<10240x128xf32, #tpu.memory_space<vmem_shared>>
      tpu.enqueue_indirect_dma source(%arg5 : memref<128x128xf32, #tpu.memory_space<vmem>>) target(%dma_start3A_52 : memref<10240x128xf32, #tpu.memory_space<vmem_shared>>) offsets(%dma_start3A_49 : memref<128xi32, #tpu.memory_space<vmem>>) semaphore(%arg8 : memref<!tpu.dma_semaphore, #tpu.memory_space<semaphore_mem>>) {add = true}
      %dma_wait3A = arith.constant 0 : i32
      %dma_wait3A_53 = tpu.memref_slice %arg4[%mul3A_37, %dma_wait3A] : memref<80x128xi32, #tpu.memory_space<vmem>> -> memref<1x128xi32, #tpu.memory_space<vmem>>
      %dma_wait3A_54 = tpu.memref_squeeze %dma_wait3A_53 : memref<1x128xi32, #tpu.memory_space<vmem>> -> memref<128xi32, #tpu.memory_space<vmem>>
      %dma_wait3A_55 = arith.constant 0 : i32
      %dma_wait3A_56 = arith.constant 0 : i32
      %dma_wait3A_57 = tpu.memref_slice %arg6[%dma_wait3A_55, %dma_wait3A_56] : memref<10240x128xf32, #tpu.memory_space<vmem_shared>> -> memref<10240x128xf32, #tpu.memory_space<vmem_shared>>
      tpu.wait_indirect_dma semaphore(%arg7 : memref<!tpu.dma_semaphore, #tpu.memory_space<semaphore_mem>>) src(%arg5 : memref<128x128xf32, #tpu.memory_space<vmem>>) dst(%dma_wait3A_57 : memref<10240x128xf32, #tpu.memory_space<vmem_shared>>)
      %dma_wait3A_58 = arith.constant 0 : i32
      %dma_wait3A_59 = tpu.memref_slice %arg4[%add3A_46, %dma_wait3A_58] : memref<80x128xi32, #tpu.memory_space<vmem>> -> memref<1x128xi32, #tpu.memory_space<vmem>>
      %dma_wait3A_60 = tpu.memref_squeeze %dma_wait3A_59 : memref<1x128xi32, #tpu.memory_space<vmem>> -> memref<128xi32, #tpu.memory_space<vmem>>
      %dma_wait3A_61 = arith.constant 0 : i32
      %dma_wait3A_62 = arith.constant 0 : i32
      %dma_wait3A_63 = tpu.memref_slice %arg6[%dma_wait3A_61, %dma_wait3A_62] : memref<10240x128xf32, #tpu.memory_space<vmem_shared>> -> memref<10240x128xf32, #tpu.memory_space<vmem_shared>>
      tpu.wait_indirect_dma semaphore(%arg8 : memref<!tpu.dma_semaphore, #tpu.memory_space<semaphore_mem>>) src(%arg5 : memref<128x128xf32, #tpu.memory_space<vmem>>) dst(%dma_wait3A_63 : memref<10240x128xf32, #tpu.memory_space<vmem_shared>>)
      %scan3A_64 = arith.constant 0 : i32
      scf.yield %scan3A_64 : i32
    }
    %scan3A_32 = arith.constant 40 : i32
    %barrier3A_33 = arith.constant 0 : index
    tpu.barrier barrier_id(%barrier3A_33)
    "tpu.region"() ({
      %run_scoped3A = tpu.sem_alloc : memref<!tpu.dma_semaphore, #tpu.memory_space<semaphore_mem>>
      %dma_start3A = arith.constant 0 : i32
      %dma_start3A_34 = tpu.memref_slice %arg3[%arg0, %mul3A_8, %dma_start3A] : memref<2x10240x128xf32, #tpu.memory_space<hbm>> -> memref<1x640x128xf32, #tpu.memory_space<hbm>>
      %dma_start3A_35 = tpu.memref_squeeze %dma_start3A_34 : memref<1x640x128xf32, #tpu.memory_space<hbm>> -> memref<640x128xf32, #tpu.memory_space<hbm>>
      %dma_start3A_36 = arith.constant 0 : i32
      %dma_start3A_37 = tpu.memref_slice %arg6[%mul3A_8, %dma_start3A_36] : memref<10240x128xf32, #tpu.memory_space<vmem_shared>> -> memref<640x128xf32, #tpu.memory_space<vmem_shared>>
      tpu.enqueue_dma source(%dma_start3A_37 : memref<640x128xf32, #tpu.memory_space<vmem_shared>>) target(%dma_start3A_35 : memref<640x128xf32, #tpu.memory_space<hbm>>) target_semaphore(%run_scoped3A : memref<!tpu.dma_semaphore, #tpu.memory_space<semaphore_mem>>)
      %dma_wait3A = arith.constant 0 : i32
      %dma_wait3A_38 = tpu.memref_slice %arg3[%arg0, %mul3A_8, %dma_wait3A] : memref<2x10240x128xf32, #tpu.memory_space<hbm>> -> memref<1x640x128xf32, #tpu.memory_space<hbm>>
      %dma_wait3A_39 = tpu.memref_squeeze %dma_wait3A_38 : memref<1x640x128xf32, #tpu.memory_space<hbm>> -> memref<640x128xf32, #tpu.memory_space<hbm>>
      %dma_wait3A_40 = arith.constant 0 : i32
      %dma_wait3A_41 = tpu.memref_slice %arg6[%mul3A_8, %dma_wait3A_40] : memref<10240x128xf32, #tpu.memory_space<vmem_shared>> -> memref<640x128xf32, #tpu.memory_space<vmem_shared>>
      tpu.wait_dma2 semaphore(%run_scoped3A : memref<!tpu.dma_semaphore, #tpu.memory_space<semaphore_mem>>) src(%dma_wait3A_41 : memref<640x128xf32, #tpu.memory_space<vmem_shared>>) dst(%dma_wait3A_39 : memref<640x128xf32, #tpu.memory_space<hbm>>)
      tpu.yield
    }) : () -> ()
    return
  }
}

#map = affine_map<(d0, d1) -> (0, 0)>
#map1 = affine_map<(d0, d1) -> (0, 0, 0)>
module attributes {stable_mosaic.version = 14 : i64} {
  func.func @_agg_body(%arg0: i32, %arg1: i32, %arg2: memref<10240x128xf32, #tpu.memory_space<hbm>>, %arg3: memref<32x80x128xi32, #tpu.memory_space<hbm>>, %arg4: memref<32x80x128xi32, #tpu.memory_space<hbm>>, %arg5: memref<2x10240x128xf32, #tpu.memory_space<hbm>>, %arg6: memref<40x128xi32, #tpu.memory_space<vmem>>, %arg7: memref<40x128xi32, #tpu.memory_space<vmem>>, %arg8: memref<128x128xf32, #tpu.memory_space<vmem>>, %arg9: memref<128x128xf32, #tpu.memory_space<vmem>>, %arg10: memref<10240x128xf32, #tpu.memory_space<vmem_shared>>, %arg11: memref<!tpu.dma_semaphore, #tpu.memory_space<semaphore_mem>>, %arg12: memref<!tpu.dma_semaphore, #tpu.memory_space<semaphore_mem>>, %arg13: memref<!tpu.dma_semaphore, #tpu.memory_space<semaphore_mem>>, %arg14: memref<!tpu.dma_semaphore, #tpu.memory_space<semaphore_mem>>) attributes {dimension_semantics = [#tpu.dimension_semantics<core_parallel>, #tpu.dimension_semantics<subcore_parallel>], iteration_bounds = array<i64: 2, 16>, scalar_prefetch = 0 : i64, scratch_operands = 9 : i64, tpu.core_type = #tpu.core_type<sc_vector_subcore>, window_params = [{transform_indices = #map}, {transform_indices = #map1}, {transform_indices = #map1}, {transform_indices = #map1}]} {
    %mul3A = arith.constant 16 : i32
    %mul3A_0 = arith.muli %arg0, %mul3A : i32
    %add3A = arith.addi %mul3A_0, %arg1 : i32
    %scan3A = arith.constant 0 : i32
    %scan3A_1 = arith.constant 0 : i32
    %scan3A_2 = arith.constant 128 : i32
    %scan3A_3 = arith.addi %scan3A_1, %scan3A_2 : i32
    %scan3A_4 = arith.constant 1 : i32
    %scan3A_5 = scf.for %scan3A_144 = %scan3A_1 to %scan3A_3 step %scan3A_4 iter_args(%scan3A_145 = %scan3A) -> (i32)  : i32 {
      %broadcast_in_dim3A = arith.constant 0.000000e+00 : f32
      %broadcast_in_dim3A_146 = vector.broadcast %broadcast_in_dim3A : f32 to vector<16xf32>
      %swap3A = arith.index_cast %scan3A_144 : i32 to index
      %swap3A_147 = arith.constant 0 : index
      %swap3A_148 = tpu.vector_load %arg8[%swap3A, %swap3A_147] {strides = array<i32>} : memref<128x128xf32, #tpu.memory_space<vmem>>, vector<1x16xf32>,
      %swap3A_149 = vector.shape_cast %swap3A_148 : vector<1x16xf32> to vector<16xf32>
      %swap3A_150 = vector.shape_cast %broadcast_in_dim3A_146 : vector<16xf32> to vector<1x16xf32>
      tpu.vector_store %arg8[%swap3A, %swap3A_147], %swap3A_150 {strides = array<i32>} : memref<128x128xf32, #tpu.memory_space<vmem>>, vector<1x16xf32>,
      %broadcast_in_dim3A_151 = arith.constant 0.000000e+00 : f32
      %broadcast_in_dim3A_152 = vector.broadcast %broadcast_in_dim3A_151 : f32 to vector<16xf32>
      %swap3A_153 = arith.index_cast %scan3A_144 : i32 to index
      %swap3A_154 = arith.constant 16 : index
      %swap3A_155 = tpu.vector_load %arg8[%swap3A_153, %swap3A_154] {strides = array<i32>} : memref<128x128xf32, #tpu.memory_space<vmem>>, vector<1x16xf32>,
      %swap3A_156 = vector.shape_cast %swap3A_155 : vector<1x16xf32> to vector<16xf32>
      %swap3A_157 = vector.shape_cast %broadcast_in_dim3A_152 : vector<16xf32> to vector<1x16xf32>
      tpu.vector_store %arg8[%swap3A_153, %swap3A_154], %swap3A_157 {strides = array<i32>} : memref<128x128xf32, #tpu.memory_space<vmem>>, vector<1x16xf32>,
      %broadcast_in_dim3A_158 = arith.constant 0.000000e+00 : f32
      %broadcast_in_dim3A_159 = vector.broadcast %broadcast_in_dim3A_158 : f32 to vector<16xf32>
      %swap3A_160 = arith.index_cast %scan3A_144 : i32 to index
      %swap3A_161 = arith.constant 32 : index
      %swap3A_162 = tpu.vector_load %arg8[%swap3A_160, %swap3A_161] {strides = array<i32>} : memref<128x128xf32, #tpu.memory_space<vmem>>, vector<1x16xf32>,
      %swap3A_163 = vector.shape_cast %swap3A_162 : vector<1x16xf32> to vector<16xf32>
      %swap3A_164 = vector.shape_cast %broadcast_in_dim3A_159 : vector<16xf32> to vector<1x16xf32>
      tpu.vector_store %arg8[%swap3A_160, %swap3A_161], %swap3A_164 {strides = array<i32>} : memref<128x128xf32, #tpu.memory_space<vmem>>, vector<1x16xf32>,
      %broadcast_in_dim3A_165 = arith.constant 0.000000e+00 : f32
      %broadcast_in_dim3A_166 = vector.broadcast %broadcast_in_dim3A_165 : f32 to vector<16xf32>
      %swap3A_167 = arith.index_cast %scan3A_144 : i32 to index
      %swap3A_168 = arith.constant 48 : index
      %swap3A_169 = tpu.vector_load %arg8[%swap3A_167, %swap3A_168] {strides = array<i32>} : memref<128x128xf32, #tpu.memory_space<vmem>>, vector<1x16xf32>,
      %swap3A_170 = vector.shape_cast %swap3A_169 : vector<1x16xf32> to vector<16xf32>
      %swap3A_171 = vector.shape_cast %broadcast_in_dim3A_166 : vector<16xf32> to vector<1x16xf32>
      tpu.vector_store %arg8[%swap3A_167, %swap3A_168], %swap3A_171 {strides = array<i32>} : memref<128x128xf32, #tpu.memory_space<vmem>>, vector<1x16xf32>,
      %broadcast_in_dim3A_172 = arith.constant 0.000000e+00 : f32
      %broadcast_in_dim3A_173 = vector.broadcast %broadcast_in_dim3A_172 : f32 to vector<16xf32>
      %swap3A_174 = arith.index_cast %scan3A_144 : i32 to index
      %swap3A_175 = arith.constant 64 : index
      %swap3A_176 = tpu.vector_load %arg8[%swap3A_174, %swap3A_175] {strides = array<i32>} : memref<128x128xf32, #tpu.memory_space<vmem>>, vector<1x16xf32>,
      %swap3A_177 = vector.shape_cast %swap3A_176 : vector<1x16xf32> to vector<16xf32>
      %swap3A_178 = vector.shape_cast %broadcast_in_dim3A_173 : vector<16xf32> to vector<1x16xf32>
      tpu.vector_store %arg8[%swap3A_174, %swap3A_175], %swap3A_178 {strides = array<i32>} : memref<128x128xf32, #tpu.memory_space<vmem>>, vector<1x16xf32>,
      %broadcast_in_dim3A_179 = arith.constant 0.000000e+00 : f32
      %broadcast_in_dim3A_180 = vector.broadcast %broadcast_in_dim3A_179 : f32 to vector<16xf32>
      %swap3A_181 = arith.index_cast %scan3A_144 : i32 to index
      %swap3A_182 = arith.constant 80 : index
      %swap3A_183 = tpu.vector_load %arg8[%swap3A_181, %swap3A_182] {strides = array<i32>} : memref<128x128xf32, #tpu.memory_space<vmem>>, vector<1x16xf32>,
      %swap3A_184 = vector.shape_cast %swap3A_183 : vector<1x16xf32> to vector<16xf32>
      %swap3A_185 = vector.shape_cast %broadcast_in_dim3A_180 : vector<16xf32> to vector<1x16xf32>
      tpu.vector_store %arg8[%swap3A_181, %swap3A_182], %swap3A_185 {strides = array<i32>} : memref<128x128xf32, #tpu.memory_space<vmem>>, vector<1x16xf32>,
      %broadcast_in_dim3A_186 = arith.constant 0.000000e+00 : f32
      %broadcast_in_dim3A_187 = vector.broadcast %broadcast_in_dim3A_186 : f32 to vector<16xf32>
      %swap3A_188 = arith.index_cast %scan3A_144 : i32 to index
      %swap3A_189 = arith.constant 96 : index
      %swap3A_190 = tpu.vector_load %arg8[%swap3A_188, %swap3A_189] {strides = array<i32>} : memref<128x128xf32, #tpu.memory_space<vmem>>, vector<1x16xf32>,
      %swap3A_191 = vector.shape_cast %swap3A_190 : vector<1x16xf32> to vector<16xf32>
      %swap3A_192 = vector.shape_cast %broadcast_in_dim3A_187 : vector<16xf32> to vector<1x16xf32>
      tpu.vector_store %arg8[%swap3A_188, %swap3A_189], %swap3A_192 {strides = array<i32>} : memref<128x128xf32, #tpu.memory_space<vmem>>, vector<1x16xf32>,
      %broadcast_in_dim3A_193 = arith.constant 0.000000e+00 : f32
      %broadcast_in_dim3A_194 = vector.broadcast %broadcast_in_dim3A_193 : f32 to vector<16xf32>
      %swap3A_195 = arith.index_cast %scan3A_144 : i32 to index
      %swap3A_196 = arith.constant 112 : index
      %swap3A_197 = tpu.vector_load %arg8[%swap3A_195, %swap3A_196] {strides = array<i32>} : memref<128x128xf32, #tpu.memory_space<vmem>>, vector<1x16xf32>,
      %swap3A_198 = vector.shape_cast %swap3A_197 : vector<1x16xf32> to vector<16xf32>
      %swap3A_199 = vector.shape_cast %broadcast_in_dim3A_194 : vector<16xf32> to vector<1x16xf32>
      tpu.vector_store %arg8[%swap3A_195, %swap3A_196], %swap3A_199 {strides = array<i32>} : memref<128x128xf32, #tpu.memory_space<vmem>>, vector<1x16xf32>,
      %scan3A_200 = arith.constant 0 : i32
      scf.yield %scan3A_200 : i32
    }
    %scan3A_6 = arith.constant 128 : i32
    %mul3A_7 = arith.constant 640 : i32
    %mul3A_8 = arith.muli %arg1, %mul3A_7 : i32
    %add3A_9 = arith.constant 0 : i32
    %add3A_10 = arith.addi %mul3A_8, %add3A_9 : i32
    "tpu.region"() ({
      %run_scoped3A = tpu.sem_alloc : memref<!tpu.dma_semaphore, #tpu.memory_space<semaphore_mem>>
      %dma_start3A_144 = arith.constant 0 : i32
      %dma_start3A_145 = tpu.memref_slice %arg10[%add3A_10, %dma_start3A_144] : memref<10240x128xf32, #tpu.memory_space<vmem_shared>> -> memref<128x128xf32, #tpu.memory_space<vmem_shared>>
      %dma_start3A_146 = arith.constant 0 : i32
      %dma_start3A_147 = tpu.memref_slice %arg10[%add3A_10, %dma_start3A_146] : memref<10240x128xf32, #tpu.memory_space<vmem_shared>> -> memref<128x128xf32, #tpu.memory_space<vmem_shared>>
      tpu.enqueue_dma source(%arg8 : memref<128x128xf32, #tpu.memory_space<vmem>>) target(%dma_start3A_147 : memref<128x128xf32, #tpu.memory_space<vmem_shared>>) target_semaphore(%run_scoped3A : memref<!tpu.dma_semaphore, #tpu.memory_space<semaphore_mem>>)
      %dma_wait3A_148 = arith.constant 0 : i32
      %dma_wait3A_149 = tpu.memref_slice %arg10[%add3A_10, %dma_wait3A_148] : memref<10240x128xf32, #tpu.memory_space<vmem_shared>> -> memref<128x128xf32, #tpu.memory_space<vmem_shared>>
      %dma_wait3A_150 = arith.constant 0 : i32
      %dma_wait3A_151 = tpu.memref_slice %arg10[%add3A_10, %dma_wait3A_150] : memref<10240x128xf32, #tpu.memory_space<vmem_shared>> -> memref<128x128xf32, #tpu.memory_space<vmem_shared>>
      tpu.wait_dma2 semaphore(%run_scoped3A : memref<!tpu.dma_semaphore, #tpu.memory_space<semaphore_mem>>) src(%arg8 : memref<128x128xf32, #tpu.memory_space<vmem>>) dst(%dma_wait3A_151 : memref<128x128xf32, #tpu.memory_space<vmem_shared>>)
      tpu.yield
    }) : () -> ()
    %add3A_11 = arith.constant 128 : i32
    %add3A_12 = arith.addi %mul3A_8, %add3A_11 : i32
    "tpu.region"() ({
      %run_scoped3A = tpu.sem_alloc : memref<!tpu.dma_semaphore, #tpu.memory_space<semaphore_mem>>
      %dma_start3A_144 = arith.constant 0 : i32
      %dma_start3A_145 = tpu.memref_slice %arg10[%add3A_12, %dma_start3A_144] : memref<10240x128xf32, #tpu.memory_space<vmem_shared>> -> memref<128x128xf32, #tpu.memory_space<vmem_shared>>
      %dma_start3A_146 = arith.constant 0 : i32
      %dma_start3A_147 = tpu.memref_slice %arg10[%add3A_12, %dma_start3A_146] : memref<10240x128xf32, #tpu.memory_space<vmem_shared>> -> memref<128x128xf32, #tpu.memory_space<vmem_shared>>
      tpu.enqueue_dma source(%arg8 : memref<128x128xf32, #tpu.memory_space<vmem>>) target(%dma_start3A_147 : memref<128x128xf32, #tpu.memory_space<vmem_shared>>) target_semaphore(%run_scoped3A : memref<!tpu.dma_semaphore, #tpu.memory_space<semaphore_mem>>)
      %dma_wait3A_148 = arith.constant 0 : i32
      %dma_wait3A_149 = tpu.memref_slice %arg10[%add3A_12, %dma_wait3A_148] : memref<10240x128xf32, #tpu.memory_space<vmem_shared>> -> memref<128x128xf32, #tpu.memory_space<vmem_shared>>
      %dma_wait3A_150 = arith.constant 0 : i32
      %dma_wait3A_151 = tpu.memref_slice %arg10[%add3A_12, %dma_wait3A_150] : memref<10240x128xf32, #tpu.memory_space<vmem_shared>> -> memref<128x128xf32, #tpu.memory_space<vmem_shared>>
      tpu.wait_dma2 semaphore(%run_scoped3A : memref<!tpu.dma_semaphore, #tpu.memory_space<semaphore_mem>>) src(%arg8 : memref<128x128xf32, #tpu.memory_space<vmem>>) dst(%dma_wait3A_151 : memref<128x128xf32, #tpu.memory_space<vmem_shared>>)
      tpu.yield
    }) : () -> ()
    %add3A_13 = arith.constant 256 : i32
    %add3A_14 = arith.addi %mul3A_8, %add3A_13 : i32
    "tpu.region"() ({
      %run_scoped3A = tpu.sem_alloc : memref<!tpu.dma_semaphore, #tpu.memory_space<semaphore_mem>>
      %dma_start3A_144 = arith.constant 0 : i32
      %dma_start3A_145 = tpu.memref_slice %arg10[%add3A_14, %dma_start3A_144] : memref<10240x128xf32, #tpu.memory_space<vmem_shared>> -> memref<128x128xf32, #tpu.memory_space<vmem_shared>>
      %dma_start3A_146 = arith.constant 0 : i32
      %dma_start3A_147 = tpu.memref_slice %arg10[%add3A_14, %dma_start3A_146] : memref<10240x128xf32, #tpu.memory_space<vmem_shared>> -> memref<128x128xf32, #tpu.memory_space<vmem_shared>>
      tpu.enqueue_dma source(%arg8 : memref<128x128xf32, #tpu.memory_space<vmem>>) target(%dma_start3A_147 : memref<128x128xf32, #tpu.memory_space<vmem_shared>>) target_semaphore(%run_scoped3A : memref<!tpu.dma_semaphore, #tpu.memory_space<semaphore_mem>>)
      %dma_wait3A_148 = arith.constant 0 : i32
      %dma_wait3A_149 = tpu.memref_slice %arg10[%add3A_14, %dma_wait3A_148] : memref<10240x128xf32, #tpu.memory_space<vmem_shared>> -> memref<128x128xf32, #tpu.memory_space<vmem_shared>>
      %dma_wait3A_150 = arith.constant 0 : i32
      %dma_wait3A_151 = tpu.memref_slice %arg10[%add3A_14, %dma_wait3A_150] : memref<10240x128xf32, #tpu.memory_space<vmem_shared>> -> memref<128x128xf32, #tpu.memory_space<vmem_shared>>
      tpu.wait_dma2 semaphore(%run_scoped3A : memref<!tpu.dma_semaphore, #tpu.memory_space<semaphore_mem>>) src(%arg8 : memref<128x128xf32, #tpu.memory_space<vmem>>) dst(%dma_wait3A_151 : memref<128x128xf32, #tpu.memory_space<vmem_shared>>)
      tpu.yield
    }) : () -> ()
    %add3A_15 = arith.constant 384 : i32
    %add3A_16 = arith.addi %mul3A_8, %add3A_15 : i32
    "tpu.region"() ({
      %run_scoped3A = tpu.sem_alloc : memref<!tpu.dma_semaphore, #tpu.memory_space<semaphore_mem>>
      %dma_start3A_144 = arith.constant 0 : i32
      %dma_start3A_145 = tpu.memref_slice %arg10[%add3A_16, %dma_start3A_144] : memref<10240x128xf32, #tpu.memory_space<vmem_shared>> -> memref<128x128xf32, #tpu.memory_space<vmem_shared>>
      %dma_start3A_146 = arith.constant 0 : i32
      %dma_start3A_147 = tpu.memref_slice %arg10[%add3A_16, %dma_start3A_146] : memref<10240x128xf32, #tpu.memory_space<vmem_shared>> -> memref<128x128xf32, #tpu.memory_space<vmem_shared>>
      tpu.enqueue_dma source(%arg8 : memref<128x128xf32, #tpu.memory_space<vmem>>) target(%dma_start3A_147 : memref<128x128xf32, #tpu.memory_space<vmem_shared>>) target_semaphore(%run_scoped3A : memref<!tpu.dma_semaphore, #tpu.memory_space<semaphore_mem>>)
      %dma_wait3A_148 = arith.constant 0 : i32
      %dma_wait3A_149 = tpu.memref_slice %arg10[%add3A_16, %dma_wait3A_148] : memref<10240x128xf32, #tpu.memory_space<vmem_shared>> -> memref<128x128xf32, #tpu.memory_space<vmem_shared>>
      %dma_wait3A_150 = arith.constant 0 : i32
      %dma_wait3A_151 = tpu.memref_slice %arg10[%add3A_16, %dma_wait3A_150] : memref<10240x128xf32, #tpu.memory_space<vmem_shared>> -> memref<128x128xf32, #tpu.memory_space<vmem_shared>>
      tpu.wait_dma2 semaphore(%run_scoped3A : memref<!tpu.dma_semaphore, #tpu.memory_space<semaphore_mem>>) src(%arg8 : memref<128x128xf32, #tpu.memory_space<vmem>>) dst(%dma_wait3A_151 : memref<128x128xf32, #tpu.memory_space<vmem_shared>>)
      tpu.yield
    }) : () -> ()
    %add3A_17 = arith.constant 512 : i32
    %add3A_18 = arith.addi %mul3A_8, %add3A_17 : i32
    "tpu.region"() ({
      %run_scoped3A = tpu.sem_alloc : memref<!tpu.dma_semaphore, #tpu.memory_space<semaphore_mem>>
      %dma_start3A_144 = arith.constant 0 : i32
      %dma_start3A_145 = tpu.memref_slice %arg10[%add3A_18, %dma_start3A_144] : memref<10240x128xf32, #tpu.memory_space<vmem_shared>> -> memref<128x128xf32, #tpu.memory_space<vmem_shared>>
      %dma_start3A_146 = arith.constant 0 : i32
      %dma_start3A_147 = tpu.memref_slice %arg10[%add3A_18, %dma_start3A_146] : memref<10240x128xf32, #tpu.memory_space<vmem_shared>> -> memref<128x128xf32, #tpu.memory_space<vmem_shared>>
      tpu.enqueue_dma source(%arg8 : memref<128x128xf32, #tpu.memory_space<vmem>>) target(%dma_start3A_147 : memref<128x128xf32, #tpu.memory_space<vmem_shared>>) target_semaphore(%run_scoped3A : memref<!tpu.dma_semaphore, #tpu.memory_space<semaphore_mem>>)
      %dma_wait3A_148 = arith.constant 0 : i32
      %dma_wait3A_149 = tpu.memref_slice %arg10[%add3A_18, %dma_wait3A_148] : memref<10240x128xf32, #tpu.memory_space<vmem_shared>> -> memref<128x128xf32, #tpu.memory_space<vmem_shared>>
      %dma_wait3A_150 = arith.constant 0 : i32
      %dma_wait3A_151 = tpu.memref_slice %arg10[%add3A_18, %dma_wait3A_150] : memref<10240x128xf32, #tpu.memory_space<vmem_shared>> -> memref<128x128xf32, #tpu.memory_space<vmem_shared>>
      tpu.wait_dma2 semaphore(%run_scoped3A : memref<!tpu.dma_semaphore, #tpu.memory_space<semaphore_mem>>) src(%arg8 : memref<128x128xf32, #tpu.memory_space<vmem>>) dst(%dma_wait3A_151 : memref<128x128xf32, #tpu.memory_space<vmem_shared>>)
      tpu.yield
    }) : () -> ()
    %barrier3A = arith.constant 0 : index
    tpu.barrier barrier_id(%barrier3A)
    "tpu.region"() ({
      %run_scoped3A = tpu.sem_alloc : memref<!tpu.dma_semaphore, #tpu.memory_space<semaphore_mem>>
      %dma_start3A_144 = arith.constant 0 : i32
      %dma_start3A_145 = arith.constant 0 : i32
      %dma_start3A_146 = tpu.memref_slice %arg3[%add3A, %dma_start3A_144, %dma_start3A_145] : memref<32x80x128xi32, #tpu.memory_space<hbm>> -> memref<1x40x128xi32, #tpu.memory_space<hbm>>
      %dma_start3A_147 = tpu.memref_squeeze %dma_start3A_146 : memref<1x40x128xi32, #tpu.memory_space<hbm>> -> memref<40x128xi32, #tpu.memory_space<hbm>>
      %dma_start3A_148 = arith.constant 0 : i32
      %dma_start3A_149 = arith.constant 0 : i32
      %dma_start3A_150 = tpu.memref_slice %arg3[%add3A, %dma_start3A_148, %dma_start3A_149] : memref<32x80x128xi32, #tpu.memory_space<hbm>> -> memref<1x40x128xi32, #tpu.memory_space<hbm>>
      %dma_start3A_151 = tpu.memref_squeeze %dma_start3A_150 : memref<1x40x128xi32, #tpu.memory_space<hbm>> -> memref<40x128xi32, #tpu.memory_space<hbm>>
      tpu.enqueue_dma source(%dma_start3A_151 : memref<40x128xi32, #tpu.memory_space<hbm>>) target(%arg6 : memref<40x128xi32, #tpu.memory_space<vmem>>) target_semaphore(%run_scoped3A : memref<!tpu.dma_semaphore, #tpu.memory_space<semaphore_mem>>)
      %dma_wait3A_152 = arith.constant 0 : i32
      %dma_wait3A_153 = arith.constant 0 : i32
      %dma_wait3A_154 = tpu.memref_slice %arg3[%add3A, %dma_wait3A_152, %dma_wait3A_153] : memref<32x80x128xi32, #tpu.memory_space<hbm>> -> memref<1x40x128xi32, #tpu.memory_space<hbm>>
      %dma_wait3A_155 = tpu.memref_squeeze %dma_wait3A_154 : memref<1x40x128xi32, #tpu.memory_space<hbm>> -> memref<40x128xi32, #tpu.memory_space<hbm>>
      %dma_wait3A_156 = arith.constant 0 : i32
      %dma_wait3A_157 = arith.constant 0 : i32
      %dma_wait3A_158 = tpu.memref_slice %arg3[%add3A, %dma_wait3A_156, %dma_wait3A_157] : memref<32x80x128xi32, #tpu.memory_space<hbm>> -> memref<1x40x128xi32, #tpu.memory_space<hbm>>
      %dma_wait3A_159 = tpu.memref_squeeze %dma_wait3A_158 : memref<1x40x128xi32, #tpu.memory_space<hbm>> -> memref<40x128xi32, #tpu.memory_space<hbm>>
      tpu.wait_dma2 semaphore(%run_scoped3A : memref<!tpu.dma_semaphore, #tpu.memory_space<semaphore_mem>>) src(%dma_wait3A_159 : memref<40x128xi32, #tpu.memory_space<hbm>>) dst(%arg6 : memref<40x128xi32, #tpu.memory_space<vmem>>)
      tpu.yield
    }) : () -> ()
    "tpu.region"() ({
      %run_scoped3A = tpu.sem_alloc : memref<!tpu.dma_semaphore, #tpu.memory_space<semaphore_mem>>
      %dma_start3A_144 = arith.constant 0 : i32
      %dma_start3A_145 = arith.constant 0 : i32
      %dma_start3A_146 = tpu.memref_slice %arg4[%add3A, %dma_start3A_144, %dma_start3A_145] : memref<32x80x128xi32, #tpu.memory_space<hbm>> -> memref<1x40x128xi32, #tpu.memory_space<hbm>>
      %dma_start3A_147 = tpu.memref_squeeze %dma_start3A_146 : memref<1x40x128xi32, #tpu.memory_space<hbm>> -> memref<40x128xi32, #tpu.memory_space<hbm>>
      %dma_start3A_148 = arith.constant 0 : i32
      %dma_start3A_149 = arith.constant 0 : i32
      %dma_start3A_150 = tpu.memref_slice %arg4[%add3A, %dma_start3A_148, %dma_start3A_149] : memref<32x80x128xi32, #tpu.memory_space<hbm>> -> memref<1x40x128xi32, #tpu.memory_space<hbm>>
      %dma_start3A_151 = tpu.memref_squeeze %dma_start3A_150 : memref<1x40x128xi32, #tpu.memory_space<hbm>> -> memref<40x128xi32, #tpu.memory_space<hbm>>
      tpu.enqueue_dma source(%dma_start3A_151 : memref<40x128xi32, #tpu.memory_space<hbm>>) target(%arg7 : memref<40x128xi32, #tpu.memory_space<vmem>>) target_semaphore(%run_scoped3A : memref<!tpu.dma_semaphore, #tpu.memory_space<semaphore_mem>>)
      %dma_wait3A_152 = arith.constant 0 : i32
      %dma_wait3A_153 = arith.constant 0 : i32
      %dma_wait3A_154 = tpu.memref_slice %arg4[%add3A, %dma_wait3A_152, %dma_wait3A_153] : memref<32x80x128xi32, #tpu.memory_space<hbm>> -> memref<1x40x128xi32, #tpu.memory_space<hbm>>
      %dma_wait3A_155 = tpu.memref_squeeze %dma_wait3A_154 : memref<1x40x128xi32, #tpu.memory_space<hbm>> -> memref<40x128xi32, #tpu.memory_space<hbm>>
      %dma_wait3A_156 = arith.constant 0 : i32
      %dma_wait3A_157 = arith.constant 0 : i32
      %dma_wait3A_158 = tpu.memref_slice %arg4[%add3A, %dma_wait3A_156, %dma_wait3A_157] : memref<32x80x128xi32, #tpu.memory_space<hbm>> -> memref<1x40x128xi32, #tpu.memory_space<hbm>>
      %dma_wait3A_159 = tpu.memref_squeeze %dma_wait3A_158 : memref<1x40x128xi32, #tpu.memory_space<hbm>> -> memref<40x128xi32, #tpu.memory_space<hbm>>
      tpu.wait_dma2 semaphore(%run_scoped3A : memref<!tpu.dma_semaphore, #tpu.memory_space<semaphore_mem>>) src(%dma_wait3A_159 : memref<40x128xi32, #tpu.memory_space<hbm>>) dst(%arg7 : memref<40x128xi32, #tpu.memory_space<vmem>>)
      tpu.yield
    }) : () -> ()
    %dma_start3A = arith.constant 0 : i32
    %dma_start3A_19 = arith.constant 0 : i32
    %dma_start3A_20 = tpu.memref_slice %arg6[%dma_start3A, %dma_start3A_19] : memref<40x128xi32, #tpu.memory_space<vmem>> -> memref<1x128xi32, #tpu.memory_space<vmem>>
    %dma_start3A_21 = tpu.memref_squeeze %dma_start3A_20 : memref<1x128xi32, #tpu.memory_space<vmem>> -> memref<128xi32, #tpu.memory_space<vmem>>
    %dma_start3A_22 = arith.constant 0 : i32
    %dma_start3A_23 = arith.constant 0 : i32
    %dma_start3A_24 = tpu.memref_slice %arg2[%dma_start3A_22, %dma_start3A_23] : memref<10240x128xf32, #tpu.memory_space<hbm>> -> memref<10240x128xf32, #tpu.memory_space<hbm>>
    tpu.enqueue_indirect_dma source(%dma_start3A_24 : memref<10240x128xf32, #tpu.memory_space<hbm>>) target(%arg8 : memref<128x128xf32, #tpu.memory_space<vmem>>) offsets(%dma_start3A_21 : memref<128xi32, #tpu.memory_space<vmem>>) semaphore(%arg11 : memref<!tpu.dma_semaphore, #tpu.memory_space<semaphore_mem>>)
    %dma_start3A_25 = arith.constant 1 : i32
    %dma_start3A_26 = arith.constant 0 : i32
    %dma_start3A_27 = tpu.memref_slice %arg6[%dma_start3A_25, %dma_start3A_26] : memref<40x128xi32, #tpu.memory_space<vmem>> -> memref<1x128xi32, #tpu.memory_space<vmem>>
    %dma_start3A_28 = tpu.memref_squeeze %dma_start3A_27 : memref<1x128xi32, #tpu.memory_space<vmem>> -> memref<128xi32, #tpu.memory_space<vmem>>
    %dma_start3A_29 = arith.constant 0 : i32
    %dma_start3A_30 = arith.constant 0 : i32
    %dma_start3A_31 = tpu.memref_slice %arg2[%dma_start3A_29, %dma_start3A_30] : memref<10240x128xf32, #tpu.memory_space<hbm>> -> memref<10240x128xf32, #tpu.memory_space<hbm>>
    tpu.enqueue_indirect_dma source(%dma_start3A_31 : memref<10240x128xf32, #tpu.memory_space<hbm>>) target(%arg9 : memref<128x128xf32, #tpu.memory_space<vmem>>) offsets(%dma_start3A_28 : memref<128xi32, #tpu.memory_space<vmem>>) semaphore(%arg12 : memref<!tpu.dma_semaphore, #tpu.memory_space<semaphore_mem>>)
    %dma_wait3A = arith.constant 0 : i32
    %dma_wait3A_32 = arith.constant 0 : i32
    %dma_wait3A_33 = tpu.memref_slice %arg6[%dma_wait3A, %dma_wait3A_32] : memref<40x128xi32, #tpu.memory_space<vmem>> -> memref<1x128xi32, #tpu.memory_space<vmem>>
    %dma_wait3A_34 = tpu.memref_squeeze %dma_wait3A_33 : memref<1x128xi32, #tpu.memory_space<vmem>> -> memref<128xi32, #tpu.memory_space<vmem>>
    %dma_wait3A_35 = arith.constant 0 : i32
    %dma_wait3A_36 = arith.constant 0 : i32
    %dma_wait3A_37 = tpu.memref_slice %arg2[%dma_wait3A_35, %dma_wait3A_36] : memref<10240x128xf32, #tpu.memory_space<hbm>> -> memref<10240x128xf32, #tpu.memory_space<hbm>>
    tpu.wait_indirect_dma semaphore(%arg11 : memref<!tpu.dma_semaphore, #tpu.memory_space<semaphore_mem>>) src(%dma_wait3A_37 : memref<10240x128xf32, #tpu.memory_space<hbm>>) dst(%arg8 : memref<128x128xf32, #tpu.memory_space<vmem>>)
    %dma_start3A_38 = arith.constant 0 : i32
    %dma_start3A_39 = arith.constant 0 : i32
    %dma_start3A_40 = tpu.memref_slice %arg7[%dma_start3A_38, %dma_start3A_39] : memref<40x128xi32, #tpu.memory_space<vmem>> -> memref<1x128xi32, #tpu.memory_space<vmem>>
    %dma_start3A_41 = tpu.memref_squeeze %dma_start3A_40 : memref<1x128xi32, #tpu.memory_space<vmem>> -> memref<128xi32, #tpu.memory_space<vmem>>
    %dma_start3A_42 = arith.constant 0 : i32
    %dma_start3A_43 = arith.constant 0 : i32
    %dma_start3A_44 = tpu.memref_slice %arg10[%dma_start3A_42, %dma_start3A_43] : memref<10240x128xf32, #tpu.memory_space<vmem_shared>> -> memref<10240x128xf32, #tpu.memory_space<vmem_shared>>
    tpu.enqueue_indirect_dma source(%arg8 : memref<128x128xf32, #tpu.memory_space<vmem>>) target(%dma_start3A_44 : memref<10240x128xf32, #tpu.memory_space<vmem_shared>>) offsets(%dma_start3A_41 : memref<128xi32, #tpu.memory_space<vmem>>) semaphore(%arg13 : memref<!tpu.dma_semaphore, #tpu.memory_space<semaphore_mem>>) {add = true}
    %dma_wait3A_45 = arith.constant 0 : i32
    %dma_wait3A_46 = arith.constant 0 : i32
    %dma_wait3A_47 = tpu.memref_slice %arg6[%dma_wait3A_45, %dma_wait3A_46] : memref<40x128xi32, #tpu.memory_space<vmem>> -> memref<1x128xi32, #tpu.memory_space<vmem>>
    %dma_wait3A_48 = tpu.memref_squeeze %dma_wait3A_47 : memref<1x128xi32, #tpu.memory_space<vmem>> -> memref<128xi32, #tpu.memory_space<vmem>>
    %dma_wait3A_49 = arith.constant 0 : i32
    %dma_wait3A_50 = arith.constant 0 : i32
    %dma_wait3A_51 = tpu.memref_slice %arg2[%dma_wait3A_49, %dma_wait3A_50] : memref<10240x128xf32, #tpu.memory_space<hbm>> -> memref<10240x128xf32, #tpu.memory_space<hbm>>
    tpu.wait_indirect_dma semaphore(%arg12 : memref<!tpu.dma_semaphore, #tpu.memory_space<semaphore_mem>>) src(%dma_wait3A_51 : memref<10240x128xf32, #tpu.memory_space<hbm>>) dst(%arg9 : memref<128x128xf32, #tpu.memory_space<vmem>>)
    %dma_start3A_52 = arith.constant 1 : i32
    %dma_start3A_53 = arith.constant 0 : i32
    %dma_start3A_54 = tpu.memref_slice %arg7[%dma_start3A_52, %dma_start3A_53] : memref<40x128xi32, #tpu.memory_space<vmem>> -> memref<1x128xi32, #tpu.memory_space<vmem>>
    %dma_start3A_55 = tpu.memref_squeeze %dma_start3A_54 : memref<1x128xi32, #tpu.memory_space<vmem>> -> memref<128xi32, #tpu.memory_space<vmem>>
    %dma_start3A_56 = arith.constant 0 : i32
    %dma_start3A_57 = arith.constant 0 : i32
    %dma_start3A_58 = tpu.memref_slice %arg10[%dma_start3A_56, %dma_start3A_57] : memref<10240x128xf32, #tpu.memory_space<vmem_shared>> -> memref<10240x128xf32, #tpu.memory_space<vmem_shared>>
    tpu.enqueue_indirect_dma source(%arg9 : memref<128x128xf32, #tpu.memory_space<vmem>>) target(%dma_start3A_58 : memref<10240x128xf32, #tpu.memory_space<vmem_shared>>) offsets(%dma_start3A_55 : memref<128xi32, #tpu.memory_space<vmem>>) semaphore(%arg14 : memref<!tpu.dma_semaphore, #tpu.memory_space<semaphore_mem>>) {add = true}
    %scan3A_59 = arith.constant 0 : i32
    %scan3A_60 = arith.constant 1 : i32
    %scan3A_61 = arith.constant 19 : i32
    %scan3A_62 = arith.addi %scan3A_60, %scan3A_61 : i32
    %scan3A_63 = arith.constant 1 : i32
    %scan3A_64 = scf.for %scan3A_144 = %scan3A_60 to %scan3A_62 step %scan3A_63 iter_args(%scan3A_145 = %scan3A_59) -> (i32)  : i32 {
      %dma_wait3A_146 = arith.constant 0 : i32
      %dma_wait3A_147 = arith.constant 0 : i32
      %dma_wait3A_148 = tpu.memref_slice %arg7[%dma_wait3A_146, %dma_wait3A_147] : memref<40x128xi32, #tpu.memory_space<vmem>> -> memref<1x128xi32, #tpu.memory_space<vmem>>
      %dma_wait3A_149 = tpu.memref_squeeze %dma_wait3A_148 : memref<1x128xi32, #tpu.memory_space<vmem>> -> memref<128xi32, #tpu.memory_space<vmem>>
      %dma_wait3A_150 = arith.constant 0 : i32
      %dma_wait3A_151 = arith.constant 0 : i32
      %dma_wait3A_152 = tpu.memref_slice %arg10[%dma_wait3A_150, %dma_wait3A_151] : memref<10240x128xf32, #tpu.memory_space<vmem_shared>> -> memref<10240x128xf32, #tpu.memory_space<vmem_shared>>
      tpu.wait_indirect_dma semaphore(%arg13 : memref<!tpu.dma_semaphore, #tpu.memory_space<semaphore_mem>>) src(%arg8 : memref<128x128xf32, #tpu.memory_space<vmem>>) dst(%dma_wait3A_152 : memref<10240x128xf32, #tpu.memory_space<vmem_shared>>)
      %mul3A_153 = arith.constant 2 : i32
      %mul3A_154 = arith.muli %mul3A_153, %scan3A_144 : i32
      %dma_start3A_155 = arith.constant 0 : i32
      %dma_start3A_156 = tpu.memref_slice %arg6[%mul3A_154, %dma_start3A_155] : memref<40x128xi32, #tpu.memory_space<vmem>> -> memref<1x128xi32, #tpu.memory_space<vmem>>
      %dma_start3A_157 = tpu.memref_squeeze %dma_start3A_156 : memref<1x128xi32, #tpu.memory_space<vmem>> -> memref<128xi32, #tpu.memory_space<vmem>>
      %dma_start3A_158 = arith.constant 0 : i32
      %dma_start3A_159 = arith.constant 0 : i32
      %dma_start3A_160 = tpu.memref_slice %arg2[%dma_start3A_158, %dma_start3A_159] : memref<10240x128xf32, #tpu.memory_space<hbm>> -> memref<10240x128xf32, #tpu.memory_space<hbm>>
      tpu.enqueue_indirect_dma source(%dma_start3A_160 : memref<10240x128xf32, #tpu.memory_space<hbm>>) target(%arg8 : memref<128x128xf32, #tpu.memory_space<vmem>>) offsets(%dma_start3A_157 : memref<128xi32, #tpu.memory_space<vmem>>) semaphore(%arg11 : memref<!tpu.dma_semaphore, #tpu.memory_space<semaphore_mem>>)
      %dma_wait3A_161 = arith.constant 0 : i32
      %dma_wait3A_162 = arith.constant 0 : i32
      %dma_wait3A_163 = tpu.memref_slice %arg7[%dma_wait3A_161, %dma_wait3A_162] : memref<40x128xi32, #tpu.memory_space<vmem>> -> memref<1x128xi32, #tpu.memory_space<vmem>>
      %dma_wait3A_164 = tpu.memref_squeeze %dma_wait3A_163 : memref<1x128xi32, #tpu.memory_space<vmem>> -> memref<128xi32, #tpu.memory_space<vmem>>
      %dma_wait3A_165 = arith.constant 0 : i32
      %dma_wait3A_166 = arith.constant 0 : i32
      %dma_wait3A_167 = tpu.memref_slice %arg10[%dma_wait3A_165, %dma_wait3A_166] : memref<10240x128xf32, #tpu.memory_space<vmem_shared>> -> memref<10240x128xf32, #tpu.memory_space<vmem_shared>>
      tpu.wait_indirect_dma semaphore(%arg14 : memref<!tpu.dma_semaphore, #tpu.memory_space<semaphore_mem>>) src(%arg9 : memref<128x128xf32, #tpu.memory_space<vmem>>) dst(%dma_wait3A_167 : memref<10240x128xf32, #tpu.memory_space<vmem_shared>>)
      %mul3A_168 = arith.constant 2 : i32
      %mul3A_169 = arith.muli %mul3A_168, %scan3A_144 : i32
      %add3A_170 = arith.constant 1 : i32
      %add3A_171 = arith.addi %mul3A_169, %add3A_170 : i32
      %dma_start3A_172 = arith.constant 0 : i32
      %dma_start3A_173 = tpu.memref_slice %arg6[%add3A_171, %dma_start3A_172] : memref<40x128xi32, #tpu.memory_space<vmem>> -> memref<1x128xi32, #tpu.memory_space<vmem>>
      %dma_start3A_174 = tpu.memref_squeeze %dma_start3A_173 : memref<1x128xi32, #tpu.memory_space<vmem>> -> memref<128xi32, #tpu.memory_space<vmem>>
      %dma_start3A_175 = arith.constant 0 : i32
      %dma_start3A_176 = arith.constant 0 : i32
      %dma_start3A_177 = tpu.memref_slice %arg2[%dma_start3A_175, %dma_start3A_176] : memref<10240x128xf32, #tpu.memory_space<hbm>> -> memref<10240x128xf32, #tpu.memory_space<hbm>>
      tpu.enqueue_indirect_dma source(%dma_start3A_177 : memref<10240x128xf32, #tpu.memory_space<hbm>>) target(%arg9 : memref<128x128xf32, #tpu.memory_space<vmem>>) offsets(%dma_start3A_174 : memref<128xi32, #tpu.memory_space<vmem>>) semaphore(%arg12 : memref<!tpu.dma_semaphore, #tpu.memory_space<semaphore_mem>>)
      %dma_wait3A_178 = arith.constant 0 : i32
      %dma_wait3A_179 = arith.constant 0 : i32
      %dma_wait3A_180 = tpu.memref_slice %arg6[%dma_wait3A_178, %dma_wait3A_179] : memref<40x128xi32, #tpu.memory_space<vmem>> -> memref<1x128xi32, #tpu.memory_space<vmem>>
      %dma_wait3A_181 = tpu.memref_squeeze %dma_wait3A_180 : memref<1x128xi32, #tpu.memory_space<vmem>> -> memref<128xi32, #tpu.memory_space<vmem>>
      %dma_wait3A_182 = arith.constant 0 : i32
      %dma_wait3A_183 = arith.constant 0 : i32
      %dma_wait3A_184 = tpu.memref_slice %arg2[%dma_wait3A_182, %dma_wait3A_183] : memref<10240x128xf32, #tpu.memory_space<hbm>> -> memref<10240x128xf32, #tpu.memory_space<hbm>>
      tpu.wait_indirect_dma semaphore(%arg11 : memref<!tpu.dma_semaphore, #tpu.memory_space<semaphore_mem>>) src(%dma_wait3A_184 : memref<10240x128xf32, #tpu.memory_space<hbm>>) dst(%arg8 : memref<128x128xf32, #tpu.memory_space<vmem>>)
      %mul3A_185 = arith.constant 2 : i32
      %mul3A_186 = arith.muli %mul3A_185, %scan3A_144 : i32
      %dma_start3A_187 = arith.constant 0 : i32
      %dma_start3A_188 = tpu.memref_slice %arg7[%mul3A_186, %dma_start3A_187] : memref<40x128xi32, #tpu.memory_space<vmem>> -> memref<1x128xi32, #tpu.memory_space<vmem>>
      %dma_start3A_189 = tpu.memref_squeeze %dma_start3A_188 : memref<1x128xi32, #tpu.memory_space<vmem>> -> memref<128xi32, #tpu.memory_space<vmem>>
      %dma_start3A_190 = arith.constant 0 : i32
      %dma_start3A_191 = arith.constant 0 : i32
      %dma_start3A_192 = tpu.memref_slice %arg10[%dma_start3A_190, %dma_start3A_191] : memref<10240x128xf32, #tpu.memory_space<vmem_shared>> -> memref<10240x128xf32, #tpu.memory_space<vmem_shared>>
      tpu.enqueue_indirect_dma source(%arg8 : memref<128x128xf32, #tpu.memory_space<vmem>>) target(%dma_start3A_192 : memref<10240x128xf32, #tpu.memory_space<vmem_shared>>) offsets(%dma_start3A_189 : memref<128xi32, #tpu.memory_space<vmem>>) semaphore(%arg13 : memref<!tpu.dma_semaphore, #tpu.memory_space<semaphore_mem>>) {add = true}
      %dma_wait3A_193 = arith.constant 0 : i32
      %dma_wait3A_194 = arith.constant 0 : i32
      %dma_wait3A_195 = tpu.memref_slice %arg6[%dma_wait3A_193, %dma_wait3A_194] : memref<40x128xi32, #tpu.memory_space<vmem>> -> memref<1x128xi32, #tpu.memory_space<vmem>>
      %dma_wait3A_196 = tpu.memref_squeeze %dma_wait3A_195 : memref<1x128xi32, #tpu.memory_space<vmem>> -> memref<128xi32, #tpu.memory_space<vmem>>
      %dma_wait3A_197 = arith.constant 0 : i32
      %dma_wait3A_198 = arith.constant 0 : i32
      %dma_wait3A_199 = tpu.memref_slice %arg2[%dma_wait3A_197, %dma_wait3A_198] : memref<10240x128xf32, #tpu.memory_space<hbm>> -> memref<10240x128xf32, #tpu.memory_space<hbm>>
      tpu.wait_indirect_dma semaphore(%arg12 : memref<!tpu.dma_semaphore, #tpu.memory_space<semaphore_mem>>) src(%dma_wait3A_199 : memref<10240x128xf32, #tpu.memory_space<hbm>>) dst(%arg9 : memref<128x128xf32, #tpu.memory_space<vmem>>)
      %mul3A_200 = arith.constant 2 : i32
      %mul3A_201 = arith.muli %mul3A_200, %scan3A_144 : i32
      %add3A_202 = arith.constant 1 : i32
      %add3A_203 = arith.addi %mul3A_201, %add3A_202 : i32
      %dma_start3A_204 = arith.constant 0 : i32
      %dma_start3A_205 = tpu.memref_slice %arg7[%add3A_203, %dma_start3A_204] : memref<40x128xi32, #tpu.memory_space<vmem>> -> memref<1x128xi32, #tpu.memory_space<vmem>>
      %dma_start3A_206 = tpu.memref_squeeze %dma_start3A_205 : memref<1x128xi32, #tpu.memory_space<vmem>> -> memref<128xi32, #tpu.memory_space<vmem>>
      %dma_start3A_207 = arith.constant 0 : i32
      %dma_start3A_208 = arith.constant 0 : i32
      %dma_start3A_209 = tpu.memref_slice %arg10[%dma_start3A_207, %dma_start3A_208] : memref<10240x128xf32, #tpu.memory_space<vmem_shared>> -> memref<10240x128xf32, #tpu.memory_space<vmem_shared>>
      tpu.enqueue_indirect_dma source(%arg9 : memref<128x128xf32, #tpu.memory_space<vmem>>) target(%dma_start3A_209 : memref<10240x128xf32, #tpu.memory_space<vmem_shared>>) offsets(%dma_start3A_206 : memref<128xi32, #tpu.memory_space<vmem>>) semaphore(%arg14 : memref<!tpu.dma_semaphore, #tpu.memory_space<semaphore_mem>>) {add = true}
      %scan3A_210 = arith.constant 0 : i32
      scf.yield %scan3A_210 : i32
    }
    %scan3A_65 = arith.constant 19 : i32
    %dma_wait3A_66 = arith.constant 0 : i32
    %dma_wait3A_67 = arith.constant 0 : i32
    %dma_wait3A_68 = tpu.memref_slice %arg7[%dma_wait3A_66, %dma_wait3A_67] : memref<40x128xi32, #tpu.memory_space<vmem>> -> memref<1x128xi32, #tpu.memory_space<vmem>>
    %dma_wait3A_69 = tpu.memref_squeeze %dma_wait3A_68 : memref<1x128xi32, #tpu.memory_space<vmem>> -> memref<128xi32, #tpu.memory_space<vmem>>
    %dma_wait3A_70 = arith.constant 0 : i32
    %dma_wait3A_71 = arith.constant 0 : i32
    %dma_wait3A_72 = tpu.memref_slice %arg10[%dma_wait3A_70, %dma_wait3A_71] : memref<10240x128xf32, #tpu.memory_space<vmem_shared>> -> memref<10240x128xf32, #tpu.memory_space<vmem_shared>>
    tpu.wait_indirect_dma semaphore(%arg13 : memref<!tpu.dma_semaphore, #tpu.memory_space<semaphore_mem>>) src(%arg8 : memref<128x128xf32, #tpu.memory_space<vmem>>) dst(%dma_wait3A_72 : memref<10240x128xf32, #tpu.memory_space<vmem_shared>>)
    %dma_wait3A_73 = arith.constant 0 : i32
    %dma_wait3A_74 = arith.constant 0 : i32
    %dma_wait3A_75 = tpu.memref_slice %arg7[%dma_wait3A_73, %dma_wait3A_74] : memref<40x128xi32, #tpu.memory_space<vmem>> -> memref<1x128xi32, #tpu.memory_space<vmem>>
    %dma_wait3A_76 = tpu.memref_squeeze %dma_wait3A_75 : memref<1x128xi32, #tpu.memory_space<vmem>> -> memref<128xi32, #tpu.memory_space<vmem>>
    %dma_wait3A_77 = arith.constant 0 : i32
    %dma_wait3A_78 = arith.constant 0 : i32
    %dma_wait3A_79 = tpu.memref_slice %arg10[%dma_wait3A_77, %dma_wait3A_78] : memref<10240x128xf32, #tpu.memory_space<vmem_shared>> -> memref<10240x128xf32, #tpu.memory_space<vmem_shared>>
    tpu.wait_indirect_dma semaphore(%arg14 : memref<!tpu.dma_semaphore, #tpu.memory_space<semaphore_mem>>) src(%arg9 : memref<128x128xf32, #tpu.memory_space<vmem>>) dst(%dma_wait3A_79 : memref<10240x128xf32, #tpu.memory_space<vmem_shared>>)
    "tpu.region"() ({
      %run_scoped3A = tpu.sem_alloc : memref<!tpu.dma_semaphore, #tpu.memory_space<semaphore_mem>>
      %dma_start3A_144 = arith.constant 40 : i32
      %dma_start3A_145 = arith.constant 0 : i32
      %dma_start3A_146 = tpu.memref_slice %arg3[%add3A, %dma_start3A_144, %dma_start3A_145] : memref<32x80x128xi32, #tpu.memory_space<hbm>> -> memref<1x40x128xi32, #tpu.memory_space<hbm>>
      %dma_start3A_147 = tpu.memref_squeeze %dma_start3A_146 : memref<1x40x128xi32, #tpu.memory_space<hbm>> -> memref<40x128xi32, #tpu.memory_space<hbm>>
      %dma_start3A_148 = arith.constant 40 : i32
      %dma_start3A_149 = arith.constant 0 : i32
      %dma_start3A_150 = tpu.memref_slice %arg3[%add3A, %dma_start3A_148, %dma_start3A_149] : memref<32x80x128xi32, #tpu.memory_space<hbm>> -> memref<1x40x128xi32, #tpu.memory_space<hbm>>
      %dma_start3A_151 = tpu.memref_squeeze %dma_start3A_150 : memref<1x40x128xi32, #tpu.memory_space<hbm>> -> memref<40x128xi32, #tpu.memory_space<hbm>>
      tpu.enqueue_dma source(%dma_start3A_151 : memref<40x128xi32, #tpu.memory_space<hbm>>) target(%arg6 : memref<40x128xi32, #tpu.memory_space<vmem>>) target_semaphore(%run_scoped3A : memref<!tpu.dma_semaphore, #tpu.memory_space<semaphore_mem>>)
      %dma_wait3A_152 = arith.constant 40 : i32
      %dma_wait3A_153 = arith.constant 0 : i32
      %dma_wait3A_154 = tpu.memref_slice %arg3[%add3A, %dma_wait3A_152, %dma_wait3A_153] : memref<32x80x128xi32, #tpu.memory_space<hbm>> -> memref<1x40x128xi32, #tpu.memory_space<hbm>>
      %dma_wait3A_155 = tpu.memref_squeeze %dma_wait3A_154 : memref<1x40x128xi32, #tpu.memory_space<hbm>> -> memref<40x128xi32, #tpu.memory_space<hbm>>
      %dma_wait3A_156 = arith.constant 40 : i32
      %dma_wait3A_157 = arith.constant 0 : i32
      %dma_wait3A_158 = tpu.memref_slice %arg3[%add3A, %dma_wait3A_156, %dma_wait3A_157] : memref<32x80x128xi32, #tpu.memory_space<hbm>> -> memref<1x40x128xi32, #tpu.memory_space<hbm>>
      %dma_wait3A_159 = tpu.memref_squeeze %dma_wait3A_158 : memref<1x40x128xi32, #tpu.memory_space<hbm>> -> memref<40x128xi32, #tpu.memory_space<hbm>>
      tpu.wait_dma2 semaphore(%run_scoped3A : memref<!tpu.dma_semaphore, #tpu.memory_space<semaphore_mem>>) src(%dma_wait3A_159 : memref<40x128xi32, #tpu.memory_space<hbm>>) dst(%arg6 : memref<40x128xi32, #tpu.memory_space<vmem>>)
      tpu.yield
    }) : () -> ()
    "tpu.region"() ({
      %run_scoped3A = tpu.sem_alloc : memref<!tpu.dma_semaphore, #tpu.memory_space<semaphore_mem>>
      %dma_start3A_144 = arith.constant 40 : i32
      %dma_start3A_145 = arith.constant 0 : i32
      %dma_start3A_146 = tpu.memref_slice %arg4[%add3A, %dma_start3A_144, %dma_start3A_145] : memref<32x80x128xi32, #tpu.memory_space<hbm>> -> memref<1x40x128xi32, #tpu.memory_space<hbm>>
      %dma_start3A_147 = tpu.memref_squeeze %dma_start3A_146 : memref<1x40x128xi32, #tpu.memory_space<hbm>> -> memref<40x128xi32, #tpu.memory_space<hbm>>
      %dma_start3A_148 = arith.constant 40 : i32
      %dma_start3A_149 = arith.constant 0 : i32
      %dma_start3A_150 = tpu.memref_slice %arg4[%add3A, %dma_start3A_148, %dma_start3A_149] : memref<32x80x128xi32, #tpu.memory_space<hbm>> -> memref<1x40x128xi32, #tpu.memory_space<hbm>>
      %dma_start3A_151 = tpu.memref_squeeze %dma_start3A_150 : memref<1x40x128xi32, #tpu.memory_space<hbm>> -> memref<40x128xi32, #tpu.memory_space<hbm>>
      tpu.enqueue_dma source(%dma_start3A_151 : memref<40x128xi32, #tpu.memory_space<hbm>>) target(%arg7 : memref<40x128xi32, #tpu.memory_space<vmem>>) target_semaphore(%run_scoped3A : memref<!tpu.dma_semaphore, #tpu.memory_space<semaphore_mem>>)
      %dma_wait3A_152 = arith.constant 40 : i32
      %dma_wait3A_153 = arith.constant 0 : i32
      %dma_wait3A_154 = tpu.memref_slice %arg4[%add3A, %dma_wait3A_152, %dma_wait3A_153] : memref<32x80x128xi32, #tpu.memory_space<hbm>> -> memref<1x40x128xi32, #tpu.memory_space<hbm>>
      %dma_wait3A_155 = tpu.memref_squeeze %dma_wait3A_154 : memref<1x40x128xi32, #tpu.memory_space<hbm>> -> memref<40x128xi32, #tpu.memory_space<hbm>>
      %dma_wait3A_156 = arith.constant 40 : i32
      %dma_wait3A_157 = arith.constant 0 : i32
      %dma_wait3A_158 = tpu.memref_slice %arg4[%add3A, %dma_wait3A_156, %dma_wait3A_157] : memref<32x80x128xi32, #tpu.memory_space<hbm>> -> memref<1x40x128xi32, #tpu.memory_space<hbm>>
      %dma_wait3A_159 = tpu.memref_squeeze %dma_wait3A_158 : memref<1x40x128xi32, #tpu.memory_space<hbm>> -> memref<40x128xi32, #tpu.memory_space<hbm>>
      tpu.wait_dma2 semaphore(%run_scoped3A : memref<!tpu.dma_semaphore, #tpu.memory_space<semaphore_mem>>) src(%dma_wait3A_159 : memref<40x128xi32, #tpu.memory_space<hbm>>) dst(%arg7 : memref<40x128xi32, #tpu.memory_space<vmem>>)
      tpu.yield
    }) : () -> ()
    %dma_start3A_80 = arith.constant 0 : i32
    %dma_start3A_81 = arith.constant 0 : i32
    %dma_start3A_82 = tpu.memref_slice %arg6[%dma_start3A_80, %dma_start3A_81] : memref<40x128xi32, #tpu.memory_space<vmem>> -> memref<1x128xi32, #tpu.memory_space<vmem>>
    %dma_start3A_83 = tpu.memref_squeeze %dma_start3A_82 : memref<1x128xi32, #tpu.memory_space<vmem>> -> memref<128xi32, #tpu.memory_space<vmem>>
    %dma_start3A_84 = arith.constant 0 : i32
    %dma_start3A_85 = arith.constant 0 : i32
    %dma_start3A_86 = tpu.memref_slice %arg2[%dma_start3A_84, %dma_start3A_85] : memref<10240x128xf32, #tpu.memory_space<hbm>> -> memref<10240x128xf32, #tpu.memory_space<hbm>>
    tpu.enqueue_indirect_dma source(%dma_start3A_86 : memref<10240x128xf32, #tpu.memory_space<hbm>>) target(%arg8 : memref<128x128xf32, #tpu.memory_space<vmem>>) offsets(%dma_start3A_83 : memref<128xi32, #tpu.memory_space<vmem>>) semaphore(%arg11 : memref<!tpu.dma_semaphore, #tpu.memory_space<semaphore_mem>>)
    %dma_start3A_87 = arith.constant 1 : i32
    %dma_start3A_88 = arith.constant 0 : i32
    %dma_start3A_89 = tpu.memref_slice %arg6[%dma_start3A_87, %dma_start3A_88] : memref<40x128xi32, #tpu.memory_space<vmem>> -> memref<1x128xi32, #tpu.memory_space<vmem>>
    %dma_start3A_90 = tpu.memref_squeeze %dma_start3A_89 : memref<1x128xi32, #tpu.memory_space<vmem>> -> memref<128xi32, #tpu.memory_space<vmem>>
    %dma_start3A_91 = arith.constant 0 : i32
    %dma_start3A_92 = arith.constant 0 : i32
    %dma_start3A_93 = tpu.memref_slice %arg2[%dma_start3A_91, %dma_start3A_92] : memref<10240x128xf32, #tpu.memory_space<hbm>> -> memref<10240x128xf32, #tpu.memory_space<hbm>>
    tpu.enqueue_indirect_dma source(%dma_start3A_93 : memref<10240x128xf32, #tpu.memory_space<hbm>>) target(%arg9 : memref<128x128xf32, #tpu.memory_space<vmem>>) offsets(%dma_start3A_90 : memref<128xi32, #tpu.memory_space<vmem>>) semaphore(%arg12 : memref<!tpu.dma_semaphore, #tpu.memory_space<semaphore_mem>>)
    %dma_wait3A_94 = arith.constant 0 : i32
    %dma_wait3A_95 = arith.constant 0 : i32
    %dma_wait3A_96 = tpu.memref_slice %arg6[%dma_wait3A_94, %dma_wait3A_95] : memref<40x128xi32, #tpu.memory_space<vmem>> -> memref<1x128xi32, #tpu.memory_space<vmem>>
    %dma_wait3A_97 = tpu.memref_squeeze %dma_wait3A_96 : memref<1x128xi32, #tpu.memory_space<vmem>> -> memref<128xi32, #tpu.memory_space<vmem>>
    %dma_wait3A_98 = arith.constant 0 : i32
    %dma_wait3A_99 = arith.constant 0 : i32
    %dma_wait3A_100 = tpu.memref_slice %arg2[%dma_wait3A_98, %dma_wait3A_99] : memref<10240x128xf32, #tpu.memory_space<hbm>> -> memref<10240x128xf32, #tpu.memory_space<hbm>>
    tpu.wait_indirect_dma semaphore(%arg11 : memref<!tpu.dma_semaphore, #tpu.memory_space<semaphore_mem>>) src(%dma_wait3A_100 : memref<10240x128xf32, #tpu.memory_space<hbm>>) dst(%arg8 : memref<128x128xf32, #tpu.memory_space<vmem>>)
    %dma_start3A_101 = arith.constant 0 : i32
    %dma_start3A_102 = arith.constant 0 : i32
    %dma_start3A_103 = tpu.memref_slice %arg7[%dma_start3A_101, %dma_start3A_102] : memref<40x128xi32, #tpu.memory_space<vmem>> -> memref<1x128xi32, #tpu.memory_space<vmem>>
    %dma_start3A_104 = tpu.memref_squeeze %dma_start3A_103 : memref<1x128xi32, #tpu.memory_space<vmem>> -> memref<128xi32, #tpu.memory_space<vmem>>
    %dma_start3A_105 = arith.constant 0 : i32
    %dma_start3A_106 = arith.constant 0 : i32
    %dma_start3A_107 = tpu.memref_slice %arg10[%dma_start3A_105, %dma_start3A_106] : memref<10240x128xf32, #tpu.memory_space<vmem_shared>> -> memref<10240x128xf32, #tpu.memory_space<vmem_shared>>
    tpu.enqueue_indirect_dma source(%arg8 : memref<128x128xf32, #tpu.memory_space<vmem>>) target(%dma_start3A_107 : memref<10240x128xf32, #tpu.memory_space<vmem_shared>>) offsets(%dma_start3A_104 : memref<128xi32, #tpu.memory_space<vmem>>) semaphore(%arg13 : memref<!tpu.dma_semaphore, #tpu.memory_space<semaphore_mem>>) {add = true}
    %dma_wait3A_108 = arith.constant 0 : i32
    %dma_wait3A_109 = arith.constant 0 : i32
    %dma_wait3A_110 = tpu.memref_slice %arg6[%dma_wait3A_108, %dma_wait3A_109] : memref<40x128xi32, #tpu.memory_space<vmem>> -> memref<1x128xi32, #tpu.memory_space<vmem>>
    %dma_wait3A_111 = tpu.memref_squeeze %dma_wait3A_110 : memref<1x128xi32, #tpu.memory_space<vmem>> -> memref<128xi32, #tpu.memory_space<vmem>>
    %dma_wait3A_112 = arith.constant 0 : i32
    %dma_wait3A_113 = arith.constant 0 : i32
    %dma_wait3A_114 = tpu.memref_slice %arg2[%dma_wait3A_112, %dma_wait3A_113] : memref<10240x128xf32, #tpu.memory_space<hbm>> -> memref<10240x128xf32, #tpu.memory_space<hbm>>
    tpu.wait_indirect_dma semaphore(%arg12 : memref<!tpu.dma_semaphore, #tpu.memory_space<semaphore_mem>>) src(%dma_wait3A_114 : memref<10240x128xf32, #tpu.memory_space<hbm>>) dst(%arg9 : memref<128x128xf32, #tpu.memory_space<vmem>>)
    %dma_start3A_115 = arith.constant 1 : i32
    %dma_start3A_116 = arith.constant 0 : i32
    %dma_start3A_117 = tpu.memref_slice %arg7[%dma_start3A_115, %dma_start3A_116] : memref<40x128xi32, #tpu.memory_space<vmem>> -> memref<1x128xi32, #tpu.memory_space<vmem>>
    %dma_start3A_118 = tpu.memref_squeeze %dma_start3A_117 : memref<1x128xi32, #tpu.memory_space<vmem>> -> memref<128xi32, #tpu.memory_space<vmem>>
    %dma_start3A_119 = arith.constant 0 : i32
    %dma_start3A_120 = arith.constant 0 : i32
    %dma_start3A_121 = tpu.memref_slice %arg10[%dma_start3A_119, %dma_start3A_120] : memref<10240x128xf32, #tpu.memory_space<vmem_shared>> -> memref<10240x128xf32, #tpu.memory_space<vmem_shared>>
    tpu.enqueue_indirect_dma source(%arg9 : memref<128x128xf32, #tpu.memory_space<vmem>>) target(%dma_start3A_121 : memref<10240x128xf32, #tpu.memory_space<vmem_shared>>) offsets(%dma_start3A_118 : memref<128xi32, #tpu.memory_space<vmem>>) semaphore(%arg14 : memref<!tpu.dma_semaphore, #tpu.memory_space<semaphore_mem>>) {add = true}
    %scan3A_122 = arith.constant 0 : i32
    %scan3A_123 = arith.constant 1 : i32
    %scan3A_124 = arith.constant 19 : i32
    %scan3A_125 = arith.addi %scan3A_123, %scan3A_124 : i32
    %scan3A_126 = arith.constant 1 : i32
    %scan3A_127 = scf.for %scan3A_144 = %scan3A_123 to %scan3A_125 step %scan3A_126 iter_args(%scan3A_145 = %scan3A_122) -> (i32)  : i32 {
      %dma_wait3A_146 = arith.constant 0 : i32
      %dma_wait3A_147 = arith.constant 0 : i32
      %dma_wait3A_148 = tpu.memref_slice %arg7[%dma_wait3A_146, %dma_wait3A_147] : memref<40x128xi32, #tpu.memory_space<vmem>> -> memref<1x128xi32, #tpu.memory_space<vmem>>
      %dma_wait3A_149 = tpu.memref_squeeze %dma_wait3A_148 : memref<1x128xi32, #tpu.memory_space<vmem>> -> memref<128xi32, #tpu.memory_space<vmem>>
      %dma_wait3A_150 = arith.constant 0 : i32
      %dma_wait3A_151 = arith.constant 0 : i32
      %dma_wait3A_152 = tpu.memref_slice %arg10[%dma_wait3A_150, %dma_wait3A_151] : memref<10240x128xf32, #tpu.memory_space<vmem_shared>> -> memref<10240x128xf32, #tpu.memory_space<vmem_shared>>
      tpu.wait_indirect_dma semaphore(%arg13 : memref<!tpu.dma_semaphore, #tpu.memory_space<semaphore_mem>>) src(%arg8 : memref<128x128xf32, #tpu.memory_space<vmem>>) dst(%dma_wait3A_152 : memref<10240x128xf32, #tpu.memory_space<vmem_shared>>)
      %mul3A_153 = arith.constant 2 : i32
      %mul3A_154 = arith.muli %mul3A_153, %scan3A_144 : i32
      %dma_start3A_155 = arith.constant 0 : i32
      %dma_start3A_156 = tpu.memref_slice %arg6[%mul3A_154, %dma_start3A_155] : memref<40x128xi32, #tpu.memory_space<vmem>> -> memref<1x128xi32, #tpu.memory_space<vmem>>
      %dma_start3A_157 = tpu.memref_squeeze %dma_start3A_156 : memref<1x128xi32, #tpu.memory_space<vmem>> -> memref<128xi32, #tpu.memory_space<vmem>>
      %dma_start3A_158 = arith.constant 0 : i32
      %dma_start3A_159 = arith.constant 0 : i32
      %dma_start3A_160 = tpu.memref_slice %arg2[%dma_start3A_158, %dma_start3A_159] : memref<10240x128xf32, #tpu.memory_space<hbm>> -> memref<10240x128xf32, #tpu.memory_space<hbm>>
      tpu.enqueue_indirect_dma source(%dma_start3A_160 : memref<10240x128xf32, #tpu.memory_space<hbm>>) target(%arg8 : memref<128x128xf32, #tpu.memory_space<vmem>>) offsets(%dma_start3A_157 : memref<128xi32, #tpu.memory_space<vmem>>) semaphore(%arg11 : memref<!tpu.dma_semaphore, #tpu.memory_space<semaphore_mem>>)
      %dma_wait3A_161 = arith.constant 0 : i32
      %dma_wait3A_162 = arith.constant 0 : i32
      %dma_wait3A_163 = tpu.memref_slice %arg7[%dma_wait3A_161, %dma_wait3A_162] : memref<40x128xi32, #tpu.memory_space<vmem>> -> memref<1x128xi32, #tpu.memory_space<vmem>>
      %dma_wait3A_164 = tpu.memref_squeeze %dma_wait3A_163 : memref<1x128xi32, #tpu.memory_space<vmem>> -> memref<128xi32, #tpu.memory_space<vmem>>
      %dma_wait3A_165 = arith.constant 0 : i32
      %dma_wait3A_166 = arith.constant 0 : i32
      %dma_wait3A_167 = tpu.memref_slice %arg10[%dma_wait3A_165, %dma_wait3A_166] : memref<10240x128xf32, #tpu.memory_space<vmem_shared>> -> memref<10240x128xf32, #tpu.memory_space<vmem_shared>>
      tpu.wait_indirect_dma semaphore(%arg14 : memref<!tpu.dma_semaphore, #tpu.memory_space<semaphore_mem>>) src(%arg9 : memref<128x128xf32, #tpu.memory_space<vmem>>) dst(%dma_wait3A_167 : memref<10240x128xf32, #tpu.memory_space<vmem_shared>>)
      %mul3A_168 = arith.constant 2 : i32
      %mul3A_169 = arith.muli %mul3A_168, %scan3A_144 : i32
      %add3A_170 = arith.constant 1 : i32
      %add3A_171 = arith.addi %mul3A_169, %add3A_170 : i32
      %dma_start3A_172 = arith.constant 0 : i32
      %dma_start3A_173 = tpu.memref_slice %arg6[%add3A_171, %dma_start3A_172] : memref<40x128xi32, #tpu.memory_space<vmem>> -> memref<1x128xi32, #tpu.memory_space<vmem>>
      %dma_start3A_174 = tpu.memref_squeeze %dma_start3A_173 : memref<1x128xi32, #tpu.memory_space<vmem>> -> memref<128xi32, #tpu.memory_space<vmem>>
      %dma_start3A_175 = arith.constant 0 : i32
      %dma_start3A_176 = arith.constant 0 : i32
      %dma_start3A_177 = tpu.memref_slice %arg2[%dma_start3A_175, %dma_start3A_176] : memref<10240x128xf32, #tpu.memory_space<hbm>> -> memref<10240x128xf32, #tpu.memory_space<hbm>>
      tpu.enqueue_indirect_dma source(%dma_start3A_177 : memref<10240x128xf32, #tpu.memory_space<hbm>>) target(%arg9 : memref<128x128xf32, #tpu.memory_space<vmem>>) offsets(%dma_start3A_174 : memref<128xi32, #tpu.memory_space<vmem>>) semaphore(%arg12 : memref<!tpu.dma_semaphore, #tpu.memory_space<semaphore_mem>>)
      %dma_wait3A_178 = arith.constant 0 : i32
      %dma_wait3A_179 = arith.constant 0 : i32
      %dma_wait3A_180 = tpu.memref_slice %arg6[%dma_wait3A_178, %dma_wait3A_179] : memref<40x128xi32, #tpu.memory_space<vmem>> -> memref<1x128xi32, #tpu.memory_space<vmem>>
      %dma_wait3A_181 = tpu.memref_squeeze %dma_wait3A_180 : memref<1x128xi32, #tpu.memory_space<vmem>> -> memref<128xi32, #tpu.memory_space<vmem>>
      %dma_wait3A_182 = arith.constant 0 : i32
      %dma_wait3A_183 = arith.constant 0 : i32
      %dma_wait3A_184 = tpu.memref_slice %arg2[%dma_wait3A_182, %dma_wait3A_183] : memref<10240x128xf32, #tpu.memory_space<hbm>> -> memref<10240x128xf32, #tpu.memory_space<hbm>>
      tpu.wait_indirect_dma semaphore(%arg11 : memref<!tpu.dma_semaphore, #tpu.memory_space<semaphore_mem>>) src(%dma_wait3A_184 : memref<10240x128xf32, #tpu.memory_space<hbm>>) dst(%arg8 : memref<128x128xf32, #tpu.memory_space<vmem>>)
      %mul3A_185 = arith.constant 2 : i32
      %mul3A_186 = arith.muli %mul3A_185, %scan3A_144 : i32
      %dma_start3A_187 = arith.constant 0 : i32
      %dma_start3A_188 = tpu.memref_slice %arg7[%mul3A_186, %dma_start3A_187] : memref<40x128xi32, #tpu.memory_space<vmem>> -> memref<1x128xi32, #tpu.memory_space<vmem>>
      %dma_start3A_189 = tpu.memref_squeeze %dma_start3A_188 : memref<1x128xi32, #tpu.memory_space<vmem>> -> memref<128xi32, #tpu.memory_space<vmem>>
      %dma_start3A_190 = arith.constant 0 : i32
      %dma_start3A_191 = arith.constant 0 : i32
      %dma_start3A_192 = tpu.memref_slice %arg10[%dma_start3A_190, %dma_start3A_191] : memref<10240x128xf32, #tpu.memory_space<vmem_shared>> -> memref<10240x128xf32, #tpu.memory_space<vmem_shared>>
      tpu.enqueue_indirect_dma source(%arg8 : memref<128x128xf32, #tpu.memory_space<vmem>>) target(%dma_start3A_192 : memref<10240x128xf32, #tpu.memory_space<vmem_shared>>) offsets(%dma_start3A_189 : memref<128xi32, #tpu.memory_space<vmem>>) semaphore(%arg13 : memref<!tpu.dma_semaphore, #tpu.memory_space<semaphore_mem>>) {add = true}
      %dma_wait3A_193 = arith.constant 0 : i32
      %dma_wait3A_194 = arith.constant 0 : i32
      %dma_wait3A_195 = tpu.memref_slice %arg6[%dma_wait3A_193, %dma_wait3A_194] : memref<40x128xi32, #tpu.memory_space<vmem>> -> memref<1x128xi32, #tpu.memory_space<vmem>>
      %dma_wait3A_196 = tpu.memref_squeeze %dma_wait3A_195 : memref<1x128xi32, #tpu.memory_space<vmem>> -> memref<128xi32, #tpu.memory_space<vmem>>
      %dma_wait3A_197 = arith.constant 0 : i32
      %dma_wait3A_198 = arith.constant 0 : i32
      %dma_wait3A_199 = tpu.memref_slice %arg2[%dma_wait3A_197, %dma_wait3A_198] : memref<10240x128xf32, #tpu.memory_space<hbm>> -> memref<10240x128xf32, #tpu.memory_space<hbm>>
      tpu.wait_indirect_dma semaphore(%arg12 : memref<!tpu.dma_semaphore, #tpu.memory_space<semaphore_mem>>) src(%dma_wait3A_199 : memref<10240x128xf32, #tpu.memory_space<hbm>>) dst(%arg9 : memref<128x128xf32, #tpu.memory_space<vmem>>)
      %mul3A_200 = arith.constant 2 : i32
      %mul3A_201 = arith.muli %mul3A_200, %scan3A_144 : i32
      %add3A_202 = arith.constant 1 : i32
      %add3A_203 = arith.addi %mul3A_201, %add3A_202 : i32
      %dma_start3A_204 = arith.constant 0 : i32
      %dma_start3A_205 = tpu.memref_slice %arg7[%add3A_203, %dma_start3A_204] : memref<40x128xi32, #tpu.memory_space<vmem>> -> memref<1x128xi32, #tpu.memory_space<vmem>>
      %dma_start3A_206 = tpu.memref_squeeze %dma_start3A_205 : memref<1x128xi32, #tpu.memory_space<vmem>> -> memref<128xi32, #tpu.memory_space<vmem>>
      %dma_start3A_207 = arith.constant 0 : i32
      %dma_start3A_208 = arith.constant 0 : i32
      %dma_start3A_209 = tpu.memref_slice %arg10[%dma_start3A_207, %dma_start3A_208] : memref<10240x128xf32, #tpu.memory_space<vmem_shared>> -> memref<10240x128xf32, #tpu.memory_space<vmem_shared>>
      tpu.enqueue_indirect_dma source(%arg9 : memref<128x128xf32, #tpu.memory_space<vmem>>) target(%dma_start3A_209 : memref<10240x128xf32, #tpu.memory_space<vmem_shared>>) offsets(%dma_start3A_206 : memref<128xi32, #tpu.memory_space<vmem>>) semaphore(%arg14 : memref<!tpu.dma_semaphore, #tpu.memory_space<semaphore_mem>>) {add = true}
      %scan3A_210 = arith.constant 0 : i32
      scf.yield %scan3A_210 : i32
    }
    %scan3A_128 = arith.constant 19 : i32
    %dma_wait3A_129 = arith.constant 0 : i32
    %dma_wait3A_130 = arith.constant 0 : i32
    %dma_wait3A_131 = tpu.memref_slice %arg7[%dma_wait3A_129, %dma_wait3A_130] : memref<40x128xi32, #tpu.memory_space<vmem>> -> memref<1x128xi32, #tpu.memory_space<vmem>>
    %dma_wait3A_132 = tpu.memref_squeeze %dma_wait3A_131 : memref<1x128xi32, #tpu.memory_space<vmem>> -> memref<128xi32, #tpu.memory_space<vmem>>
    %dma_wait3A_133 = arith.constant 0 : i32
    %dma_wait3A_134 = arith.constant 0 : i32
    %dma_wait3A_135 = tpu.memref_slice %arg10[%dma_wait3A_133, %dma_wait3A_134] : memref<10240x128xf32, #tpu.memory_space<vmem_shared>> -> memref<10240x128xf32, #tpu.memory_space<vmem_shared>>
    tpu.wait_indirect_dma semaphore(%arg13 : memref<!tpu.dma_semaphore, #tpu.memory_space<semaphore_mem>>) src(%arg8 : memref<128x128xf32, #tpu.memory_space<vmem>>) dst(%dma_wait3A_135 : memref<10240x128xf32, #tpu.memory_space<vmem_shared>>)
    %dma_wait3A_136 = arith.constant 0 : i32
    %dma_wait3A_137 = arith.constant 0 : i32
    %dma_wait3A_138 = tpu.memref_slice %arg7[%dma_wait3A_136, %dma_wait3A_137] : memref<40x128xi32, #tpu.memory_space<vmem>> -> memref<1x128xi32, #tpu.memory_space<vmem>>
    %dma_wait3A_139 = tpu.memref_squeeze %dma_wait3A_138 : memref<1x128xi32, #tpu.memory_space<vmem>> -> memref<128xi32, #tpu.memory_space<vmem>>
    %dma_wait3A_140 = arith.constant 0 : i32
    %dma_wait3A_141 = arith.constant 0 : i32
    %dma_wait3A_142 = tpu.memref_slice %arg10[%dma_wait3A_140, %dma_wait3A_141] : memref<10240x128xf32, #tpu.memory_space<vmem_shared>> -> memref<10240x128xf32, #tpu.memory_space<vmem_shared>>
    tpu.wait_indirect_dma semaphore(%arg14 : memref<!tpu.dma_semaphore, #tpu.memory_space<semaphore_mem>>) src(%arg9 : memref<128x128xf32, #tpu.memory_space<vmem>>) dst(%dma_wait3A_142 : memref<10240x128xf32, #tpu.memory_space<vmem_shared>>)
    %barrier3A_143 = arith.constant 0 : index
    tpu.barrier barrier_id(%barrier3A_143)
    "tpu.region"() ({
      %run_scoped3A = tpu.sem_alloc : memref<!tpu.dma_semaphore, #tpu.memory_space<semaphore_mem>>
      %dma_start3A_144 = arith.constant 0 : i32
      %dma_start3A_145 = tpu.memref_slice %arg5[%arg0, %mul3A_8, %dma_start3A_144] : memref<2x10240x128xf32, #tpu.memory_space<hbm>> -> memref<1x640x128xf32, #tpu.memory_space<hbm>>
      %dma_start3A_146 = tpu.memref_squeeze %dma_start3A_145 : memref<1x640x128xf32, #tpu.memory_space<hbm>> -> memref<640x128xf32, #tpu.memory_space<hbm>>
      %dma_start3A_147 = arith.constant 0 : i32
      %dma_start3A_148 = tpu.memref_slice %arg10[%mul3A_8, %dma_start3A_147] : memref<10240x128xf32, #tpu.memory_space<vmem_shared>> -> memref<640x128xf32, #tpu.memory_space<vmem_shared>>
      tpu.enqueue_dma source(%dma_start3A_148 : memref<640x128xf32, #tpu.memory_space<vmem_shared>>) target(%dma_start3A_146 : memref<640x128xf32, #tpu.memory_space<hbm>>) target_semaphore(%run_scoped3A : memref<!tpu.dma_semaphore, #tpu.memory_space<semaphore_mem>>)
      %dma_wait3A_149 = arith.constant 0 : i32
      %dma_wait3A_150 = tpu.memref_slice %arg5[%arg0, %mul3A_8, %dma_wait3A_149] : memref<2x10240x128xf32, #tpu.memory_space<hbm>> -> memref<1x640x128xf32, #tpu.memory_space<hbm>>
      %dma_wait3A_151 = tpu.memref_squeeze %dma_wait3A_150 : memref<1x640x128xf32, #tpu.memory_space<hbm>> -> memref<640x128xf32, #tpu.memory_space<hbm>>
      %dma_wait3A_152 = arith.constant 0 : i32
      %dma_wait3A_153 = tpu.memref_slice %arg10[%mul3A_8, %dma_wait3A_152] : memref<10240x128xf32, #tpu.memory_space<vmem_shared>> -> memref<640x128xf32, #tpu.memory_space<vmem_shared>>
      tpu.wait_dma2 semaphore(%run_scoped3A : memref<!tpu.dma_semaphore, #tpu.memory_space<semaphore_mem>>) src(%dma_wait3A_153 : memref<640x128xf32, #tpu.memory_space<vmem_shared>>) dst(%dma_wait3A_151 : memref<640x128xf32, #tpu.memory_space<hbm>>)
      tpu.yield
    }) : () -> ()
    return
  }
}

#map = affine_map<(d0, d1) -> (0, 0)>
#map1 = affine_map<(d0, d1) -> (0, 0, 0)>
module attributes {stable_mosaic.version = 14 : i64} {
  func.func @_agg_body(%arg0: i32, %arg1: i32, %arg2: memref<10240x128xf32, #tpu.memory_space<hbm>>, %arg3: memref<32x80x128xi32, #tpu.memory_space<hbm>>, %arg4: memref<32x80x128xi32, #tpu.memory_space<hbm>>, %arg5: memref<2x10240x128xf32, #tpu.memory_space<hbm>>, %arg6: memref<40x128xi32, #tpu.memory_space<vmem>>, %arg7: memref<40x128xi32, #tpu.memory_space<vmem>>, %arg8: memref<128x128xf32, #tpu.memory_space<vmem>>, %arg9: memref<128x128xf32, #tpu.memory_space<vmem>>, %arg10: memref<10240x128xf32, #tpu.memory_space<vmem_shared>>, %arg11: memref<!tpu.dma_semaphore, #tpu.memory_space<semaphore_mem>>, %arg12: memref<!tpu.dma_semaphore, #tpu.memory_space<semaphore_mem>>, %arg13: memref<!tpu.dma_semaphore, #tpu.memory_space<semaphore_mem>>, %arg14: memref<!tpu.dma_semaphore, #tpu.memory_space<semaphore_mem>>) attributes {dimension_semantics = [#tpu.dimension_semantics<core_parallel>, #tpu.dimension_semantics<subcore_parallel>], iteration_bounds = array<i64: 2, 16>, scalar_prefetch = 0 : i64, scratch_operands = 9 : i64, tpu.core_type = #tpu.core_type<sc_vector_subcore>, window_params = [{transform_indices = #map}, {transform_indices = #map1}, {transform_indices = #map1}, {transform_indices = #map1}]} {
    %mul3A = arith.constant 16 : i32
    %mul3A_0 = arith.muli %arg0, %mul3A : i32
    %add3A = arith.addi %mul3A_0, %arg1 : i32
    %scan3A = arith.constant 0 : i32
    %scan3A_1 = arith.constant 0 : i32
    %scan3A_2 = arith.constant 128 : i32
    %scan3A_3 = arith.addi %scan3A_1, %scan3A_2 : i32
    %scan3A_4 = arith.constant 1 : i32
    %scan3A_5 = scf.for %scan3A_144 = %scan3A_1 to %scan3A_3 step %scan3A_4 iter_args(%scan3A_145 = %scan3A) -> (i32)  : i32 {
      %broadcast_in_dim3A = arith.constant 0.000000e+00 : f32
      %broadcast_in_dim3A_146 = vector.broadcast %broadcast_in_dim3A : f32 to vector<16xf32>
      %swap3A = arith.index_cast %scan3A_144 : i32 to index
      %swap3A_147 = arith.constant 0 : index
      %swap3A_148 = tpu.vector_load %arg8[%swap3A, %swap3A_147] {strides = array<i32>} : memref<128x128xf32, #tpu.memory_space<vmem>>, vector<1x16xf32>,
      %swap3A_149 = vector.shape_cast %swap3A_148 : vector<1x16xf32> to vector<16xf32>
      %swap3A_150 = vector.shape_cast %broadcast_in_dim3A_146 : vector<16xf32> to vector<1x16xf32>
      tpu.vector_store %arg8[%swap3A, %swap3A_147], %swap3A_150 {strides = array<i32>} : memref<128x128xf32, #tpu.memory_space<vmem>>, vector<1x16xf32>,
      %broadcast_in_dim3A_151 = arith.constant 0.000000e+00 : f32
      %broadcast_in_dim3A_152 = vector.broadcast %broadcast_in_dim3A_151 : f32 to vector<16xf32>
      %swap3A_153 = arith.index_cast %scan3A_144 : i32 to index
      %swap3A_154 = arith.constant 16 : index
      %swap3A_155 = tpu.vector_load %arg8[%swap3A_153, %swap3A_154] {strides = array<i32>} : memref<128x128xf32, #tpu.memory_space<vmem>>, vector<1x16xf32>,
      %swap3A_156 = vector.shape_cast %swap3A_155 : vector<1x16xf32> to vector<16xf32>
      %swap3A_157 = vector.shape_cast %broadcast_in_dim3A_152 : vector<16xf32> to vector<1x16xf32>
      tpu.vector_store %arg8[%swap3A_153, %swap3A_154], %swap3A_157 {strides = array<i32>} : memref<128x128xf32, #tpu.memory_space<vmem>>, vector<1x16xf32>,
      %broadcast_in_dim3A_158 = arith.constant 0.000000e+00 : f32
      %broadcast_in_dim3A_159 = vector.broadcast %broadcast_in_dim3A_158 : f32 to vector<16xf32>
      %swap3A_160 = arith.index_cast %scan3A_144 : i32 to index
      %swap3A_161 = arith.constant 32 : index
      %swap3A_162 = tpu.vector_load %arg8[%swap3A_160, %swap3A_161] {strides = array<i32>} : memref<128x128xf32, #tpu.memory_space<vmem>>, vector<1x16xf32>,
      %swap3A_163 = vector.shape_cast %swap3A_162 : vector<1x16xf32> to vector<16xf32>
      %swap3A_164 = vector.shape_cast %broadcast_in_dim3A_159 : vector<16xf32> to vector<1x16xf32>
      tpu.vector_store %arg8[%swap3A_160, %swap3A_161], %swap3A_164 {strides = array<i32>} : memref<128x128xf32, #tpu.memory_space<vmem>>, vector<1x16xf32>,
      %broadcast_in_dim3A_165 = arith.constant 0.000000e+00 : f32
      %broadcast_in_dim3A_166 = vector.broadcast %broadcast_in_dim3A_165 : f32 to vector<16xf32>
      %swap3A_167 = arith.index_cast %scan3A_144 : i32 to index
      %swap3A_168 = arith.constant 48 : index
      %swap3A_169 = tpu.vector_load %arg8[%swap3A_167, %swap3A_168] {strides = array<i32>} : memref<128x128xf32, #tpu.memory_space<vmem>>, vector<1x16xf32>,
      %swap3A_170 = vector.shape_cast %swap3A_169 : vector<1x16xf32> to vector<16xf32>
      %swap3A_171 = vector.shape_cast %broadcast_in_dim3A_166 : vector<16xf32> to vector<1x16xf32>
      tpu.vector_store %arg8[%swap3A_167, %swap3A_168], %swap3A_171 {strides = array<i32>} : memref<128x128xf32, #tpu.memory_space<vmem>>, vector<1x16xf32>,
      %broadcast_in_dim3A_172 = arith.constant 0.000000e+00 : f32
      %broadcast_in_dim3A_173 = vector.broadcast %broadcast_in_dim3A_172 : f32 to vector<16xf32>
      %swap3A_174 = arith.index_cast %scan3A_144 : i32 to index
      %swap3A_175 = arith.constant 64 : index
      %swap3A_176 = tpu.vector_load %arg8[%swap3A_174, %swap3A_175] {strides = array<i32>} : memref<128x128xf32, #tpu.memory_space<vmem>>, vector<1x16xf32>,
      %swap3A_177 = vector.shape_cast %swap3A_176 : vector<1x16xf32> to vector<16xf32>
      %swap3A_178 = vector.shape_cast %broadcast_in_dim3A_173 : vector<16xf32> to vector<1x16xf32>
      tpu.vector_store %arg8[%swap3A_174, %swap3A_175], %swap3A_178 {strides = array<i32>} : memref<128x128xf32, #tpu.memory_space<vmem>>, vector<1x16xf32>,
      %broadcast_in_dim3A_179 = arith.constant 0.000000e+00 : f32
      %broadcast_in_dim3A_180 = vector.broadcast %broadcast_in_dim3A_179 : f32 to vector<16xf32>
      %swap3A_181 = arith.index_cast %scan3A_144 : i32 to index
      %swap3A_182 = arith.constant 80 : index
      %swap3A_183 = tpu.vector_load %arg8[%swap3A_181, %swap3A_182] {strides = array<i32>} : memref<128x128xf32, #tpu.memory_space<vmem>>, vector<1x16xf32>,
      %swap3A_184 = vector.shape_cast %swap3A_183 : vector<1x16xf32> to vector<16xf32>
      %swap3A_185 = vector.shape_cast %broadcast_in_dim3A_180 : vector<16xf32> to vector<1x16xf32>
      tpu.vector_store %arg8[%swap3A_181, %swap3A_182], %swap3A_185 {strides = array<i32>} : memref<128x128xf32, #tpu.memory_space<vmem>>, vector<1x16xf32>,
      %broadcast_in_dim3A_186 = arith.constant 0.000000e+00 : f32
      %broadcast_in_dim3A_187 = vector.broadcast %broadcast_in_dim3A_186 : f32 to vector<16xf32>
      %swap3A_188 = arith.index_cast %scan3A_144 : i32 to index
      %swap3A_189 = arith.constant 96 : index
      %swap3A_190 = tpu.vector_load %arg8[%swap3A_188, %swap3A_189] {strides = array<i32>} : memref<128x128xf32, #tpu.memory_space<vmem>>, vector<1x16xf32>,
      %swap3A_191 = vector.shape_cast %swap3A_190 : vector<1x16xf32> to vector<16xf32>
      %swap3A_192 = vector.shape_cast %broadcast_in_dim3A_187 : vector<16xf32> to vector<1x16xf32>
      tpu.vector_store %arg8[%swap3A_188, %swap3A_189], %swap3A_192 {strides = array<i32>} : memref<128x128xf32, #tpu.memory_space<vmem>>, vector<1x16xf32>,
      %broadcast_in_dim3A_193 = arith.constant 0.000000e+00 : f32
      %broadcast_in_dim3A_194 = vector.broadcast %broadcast_in_dim3A_193 : f32 to vector<16xf32>
      %swap3A_195 = arith.index_cast %scan3A_144 : i32 to index
      %swap3A_196 = arith.constant 112 : index
      %swap3A_197 = tpu.vector_load %arg8[%swap3A_195, %swap3A_196] {strides = array<i32>} : memref<128x128xf32, #tpu.memory_space<vmem>>, vector<1x16xf32>,
      %swap3A_198 = vector.shape_cast %swap3A_197 : vector<1x16xf32> to vector<16xf32>
      %swap3A_199 = vector.shape_cast %broadcast_in_dim3A_194 : vector<16xf32> to vector<1x16xf32>
      tpu.vector_store %arg8[%swap3A_195, %swap3A_196], %swap3A_199 {strides = array<i32>} : memref<128x128xf32, #tpu.memory_space<vmem>>, vector<1x16xf32>,
      %scan3A_200 = arith.constant 0 : i32
      scf.yield %scan3A_200 : i32
    }
    %scan3A_6 = arith.constant 128 : i32
    %mul3A_7 = arith.constant 640 : i32
    %mul3A_8 = arith.muli %arg1, %mul3A_7 : i32
    %add3A_9 = arith.constant 0 : i32
    %add3A_10 = arith.addi %mul3A_8, %add3A_9 : i32
    "tpu.region"() ({
      %run_scoped3A = tpu.sem_alloc : memref<!tpu.dma_semaphore, #tpu.memory_space<semaphore_mem>>
      %dma_start3A_144 = arith.constant 0 : i32
      %dma_start3A_145 = tpu.memref_slice %arg10[%add3A_10, %dma_start3A_144] : memref<10240x128xf32, #tpu.memory_space<vmem_shared>> -> memref<128x128xf32, #tpu.memory_space<vmem_shared>>
      %dma_start3A_146 = arith.constant 0 : i32
      %dma_start3A_147 = tpu.memref_slice %arg10[%add3A_10, %dma_start3A_146] : memref<10240x128xf32, #tpu.memory_space<vmem_shared>> -> memref<128x128xf32, #tpu.memory_space<vmem_shared>>
      tpu.enqueue_dma source(%arg8 : memref<128x128xf32, #tpu.memory_space<vmem>>) target(%dma_start3A_147 : memref<128x128xf32, #tpu.memory_space<vmem_shared>>) target_semaphore(%run_scoped3A : memref<!tpu.dma_semaphore, #tpu.memory_space<semaphore_mem>>)
      %dma_wait3A_148 = arith.constant 0 : i32
      %dma_wait3A_149 = tpu.memref_slice %arg10[%add3A_10, %dma_wait3A_148] : memref<10240x128xf32, #tpu.memory_space<vmem_shared>> -> memref<128x128xf32, #tpu.memory_space<vmem_shared>>
      %dma_wait3A_150 = arith.constant 0 : i32
      %dma_wait3A_151 = tpu.memref_slice %arg10[%add3A_10, %dma_wait3A_150] : memref<10240x128xf32, #tpu.memory_space<vmem_shared>> -> memref<128x128xf32, #tpu.memory_space<vmem_shared>>
      tpu.wait_dma2 semaphore(%run_scoped3A : memref<!tpu.dma_semaphore, #tpu.memory_space<semaphore_mem>>) src(%arg8 : memref<128x128xf32, #tpu.memory_space<vmem>>) dst(%dma_wait3A_151 : memref<128x128xf32, #tpu.memory_space<vmem_shared>>)
      tpu.yield
    }) : () -> ()
    %add3A_11 = arith.constant 128 : i32
    %add3A_12 = arith.addi %mul3A_8, %add3A_11 : i32
    "tpu.region"() ({
      %run_scoped3A = tpu.sem_alloc : memref<!tpu.dma_semaphore, #tpu.memory_space<semaphore_mem>>
      %dma_start3A_144 = arith.constant 0 : i32
      %dma_start3A_145 = tpu.memref_slice %arg10[%add3A_12, %dma_start3A_144] : memref<10240x128xf32, #tpu.memory_space<vmem_shared>> -> memref<128x128xf32, #tpu.memory_space<vmem_shared>>
      %dma_start3A_146 = arith.constant 0 : i32
      %dma_start3A_147 = tpu.memref_slice %arg10[%add3A_12, %dma_start3A_146] : memref<10240x128xf32, #tpu.memory_space<vmem_shared>> -> memref<128x128xf32, #tpu.memory_space<vmem_shared>>
      tpu.enqueue_dma source(%arg8 : memref<128x128xf32, #tpu.memory_space<vmem>>) target(%dma_start3A_147 : memref<128x128xf32, #tpu.memory_space<vmem_shared>>) target_semaphore(%run_scoped3A : memref<!tpu.dma_semaphore, #tpu.memory_space<semaphore_mem>>)
      %dma_wait3A_148 = arith.constant 0 : i32
      %dma_wait3A_149 = tpu.memref_slice %arg10[%add3A_12, %dma_wait3A_148] : memref<10240x128xf32, #tpu.memory_space<vmem_shared>> -> memref<128x128xf32, #tpu.memory_space<vmem_shared>>
      %dma_wait3A_150 = arith.constant 0 : i32
      %dma_wait3A_151 = tpu.memref_slice %arg10[%add3A_12, %dma_wait3A_150] : memref<10240x128xf32, #tpu.memory_space<vmem_shared>> -> memref<128x128xf32, #tpu.memory_space<vmem_shared>>
      tpu.wait_dma2 semaphore(%run_scoped3A : memref<!tpu.dma_semaphore, #tpu.memory_space<semaphore_mem>>) src(%arg8 : memref<128x128xf32, #tpu.memory_space<vmem>>) dst(%dma_wait3A_151 : memref<128x128xf32, #tpu.memory_space<vmem_shared>>)
      tpu.yield
    }) : () -> ()
    %add3A_13 = arith.constant 256 : i32
    %add3A_14 = arith.addi %mul3A_8, %add3A_13 : i32
    "tpu.region"() ({
      %run_scoped3A = tpu.sem_alloc : memref<!tpu.dma_semaphore, #tpu.memory_space<semaphore_mem>>
      %dma_start3A_144 = arith.constant 0 : i32
      %dma_start3A_145 = tpu.memref_slice %arg10[%add3A_14, %dma_start3A_144] : memref<10240x128xf32, #tpu.memory_space<vmem_shared>> -> memref<128x128xf32, #tpu.memory_space<vmem_shared>>
      %dma_start3A_146 = arith.constant 0 : i32
      %dma_start3A_147 = tpu.memref_slice %arg10[%add3A_14, %dma_start3A_146] : memref<10240x128xf32, #tpu.memory_space<vmem_shared>> -> memref<128x128xf32, #tpu.memory_space<vmem_shared>>
      tpu.enqueue_dma source(%arg8 : memref<128x128xf32, #tpu.memory_space<vmem>>) target(%dma_start3A_147 : memref<128x128xf32, #tpu.memory_space<vmem_shared>>) target_semaphore(%run_scoped3A : memref<!tpu.dma_semaphore, #tpu.memory_space<semaphore_mem>>)
      %dma_wait3A_148 = arith.constant 0 : i32
      %dma_wait3A_149 = tpu.memref_slice %arg10[%add3A_14, %dma_wait3A_148] : memref<10240x128xf32, #tpu.memory_space<vmem_shared>> -> memref<128x128xf32, #tpu.memory_space<vmem_shared>>
      %dma_wait3A_150 = arith.constant 0 : i32
      %dma_wait3A_151 = tpu.memref_slice %arg10[%add3A_14, %dma_wait3A_150] : memref<10240x128xf32, #tpu.memory_space<vmem_shared>> -> memref<128x128xf32, #tpu.memory_space<vmem_shared>>
      tpu.wait_dma2 semaphore(%run_scoped3A : memref<!tpu.dma_semaphore, #tpu.memory_space<semaphore_mem>>) src(%arg8 : memref<128x128xf32, #tpu.memory_space<vmem>>) dst(%dma_wait3A_151 : memref<128x128xf32, #tpu.memory_space<vmem_shared>>)
      tpu.yield
    }) : () -> ()
    %add3A_15 = arith.constant 384 : i32
    %add3A_16 = arith.addi %mul3A_8, %add3A_15 : i32
    "tpu.region"() ({
      %run_scoped3A = tpu.sem_alloc : memref<!tpu.dma_semaphore, #tpu.memory_space<semaphore_mem>>
      %dma_start3A_144 = arith.constant 0 : i32
      %dma_start3A_145 = tpu.memref_slice %arg10[%add3A_16, %dma_start3A_144] : memref<10240x128xf32, #tpu.memory_space<vmem_shared>> -> memref<128x128xf32, #tpu.memory_space<vmem_shared>>
      %dma_start3A_146 = arith.constant 0 : i32
      %dma_start3A_147 = tpu.memref_slice %arg10[%add3A_16, %dma_start3A_146] : memref<10240x128xf32, #tpu.memory_space<vmem_shared>> -> memref<128x128xf32, #tpu.memory_space<vmem_shared>>
      tpu.enqueue_dma source(%arg8 : memref<128x128xf32, #tpu.memory_space<vmem>>) target(%dma_start3A_147 : memref<128x128xf32, #tpu.memory_space<vmem_shared>>) target_semaphore(%run_scoped3A : memref<!tpu.dma_semaphore, #tpu.memory_space<semaphore_mem>>)
      %dma_wait3A_148 = arith.constant 0 : i32
      %dma_wait3A_149 = tpu.memref_slice %arg10[%add3A_16, %dma_wait3A_148] : memref<10240x128xf32, #tpu.memory_space<vmem_shared>> -> memref<128x128xf32, #tpu.memory_space<vmem_shared>>
      %dma_wait3A_150 = arith.constant 0 : i32
      %dma_wait3A_151 = tpu.memref_slice %arg10[%add3A_16, %dma_wait3A_150] : memref<10240x128xf32, #tpu.memory_space<vmem_shared>> -> memref<128x128xf32, #tpu.memory_space<vmem_shared>>
      tpu.wait_dma2 semaphore(%run_scoped3A : memref<!tpu.dma_semaphore, #tpu.memory_space<semaphore_mem>>) src(%arg8 : memref<128x128xf32, #tpu.memory_space<vmem>>) dst(%dma_wait3A_151 : memref<128x128xf32, #tpu.memory_space<vmem_shared>>)
      tpu.yield
    }) : () -> ()
    %add3A_17 = arith.constant 512 : i32
    %add3A_18 = arith.addi %mul3A_8, %add3A_17 : i32
    "tpu.region"() ({
      %run_scoped3A = tpu.sem_alloc : memref<!tpu.dma_semaphore, #tpu.memory_space<semaphore_mem>>
      %dma_start3A_144 = arith.constant 0 : i32
      %dma_start3A_145 = tpu.memref_slice %arg10[%add3A_18, %dma_start3A_144] : memref<10240x128xf32, #tpu.memory_space<vmem_shared>> -> memref<128x128xf32, #tpu.memory_space<vmem_shared>>
      %dma_start3A_146 = arith.constant 0 : i32
      %dma_start3A_147 = tpu.memref_slice %arg10[%add3A_18, %dma_start3A_146] : memref<10240x128xf32, #tpu.memory_space<vmem_shared>> -> memref<128x128xf32, #tpu.memory_space<vmem_shared>>
      tpu.enqueue_dma source(%arg8 : memref<128x128xf32, #tpu.memory_space<vmem>>) target(%dma_start3A_147 : memref<128x128xf32, #tpu.memory_space<vmem_shared>>) target_semaphore(%run_scoped3A : memref<!tpu.dma_semaphore, #tpu.memory_space<semaphore_mem>>)
      %dma_wait3A_148 = arith.constant 0 : i32
      %dma_wait3A_149 = tpu.memref_slice %arg10[%add3A_18, %dma_wait3A_148] : memref<10240x128xf32, #tpu.memory_space<vmem_shared>> -> memref<128x128xf32, #tpu.memory_space<vmem_shared>>
      %dma_wait3A_150 = arith.constant 0 : i32
      %dma_wait3A_151 = tpu.memref_slice %arg10[%add3A_18, %dma_wait3A_150] : memref<10240x128xf32, #tpu.memory_space<vmem_shared>> -> memref<128x128xf32, #tpu.memory_space<vmem_shared>>
      tpu.wait_dma2 semaphore(%run_scoped3A : memref<!tpu.dma_semaphore, #tpu.memory_space<semaphore_mem>>) src(%arg8 : memref<128x128xf32, #tpu.memory_space<vmem>>) dst(%dma_wait3A_151 : memref<128x128xf32, #tpu.memory_space<vmem_shared>>)
      tpu.yield
    }) : () -> ()
    %barrier3A = arith.constant 0 : index
    tpu.barrier barrier_id(%barrier3A)
    "tpu.region"() ({
      %run_scoped3A = tpu.sem_alloc : memref<!tpu.dma_semaphore, #tpu.memory_space<semaphore_mem>>
      %dma_start3A_144 = arith.constant 0 : i32
      %dma_start3A_145 = arith.constant 0 : i32
      %dma_start3A_146 = tpu.memref_slice %arg3[%add3A, %dma_start3A_144, %dma_start3A_145] : memref<32x80x128xi32, #tpu.memory_space<hbm>> -> memref<1x40x128xi32, #tpu.memory_space<hbm>>
      %dma_start3A_147 = tpu.memref_squeeze %dma_start3A_146 : memref<1x40x128xi32, #tpu.memory_space<hbm>> -> memref<40x128xi32, #tpu.memory_space<hbm>>
      %dma_start3A_148 = arith.constant 0 : i32
      %dma_start3A_149 = arith.constant 0 : i32
      %dma_start3A_150 = tpu.memref_slice %arg3[%add3A, %dma_start3A_148, %dma_start3A_149] : memref<32x80x128xi32, #tpu.memory_space<hbm>> -> memref<1x40x128xi32, #tpu.memory_space<hbm>>
      %dma_start3A_151 = tpu.memref_squeeze %dma_start3A_150 : memref<1x40x128xi32, #tpu.memory_space<hbm>> -> memref<40x128xi32, #tpu.memory_space<hbm>>
      tpu.enqueue_dma source(%dma_start3A_151 : memref<40x128xi32, #tpu.memory_space<hbm>>) target(%arg6 : memref<40x128xi32, #tpu.memory_space<vmem>>) target_semaphore(%run_scoped3A : memref<!tpu.dma_semaphore, #tpu.memory_space<semaphore_mem>>)
      %dma_wait3A_152 = arith.constant 0 : i32
      %dma_wait3A_153 = arith.constant 0 : i32
      %dma_wait3A_154 = tpu.memref_slice %arg3[%add3A, %dma_wait3A_152, %dma_wait3A_153] : memref<32x80x128xi32, #tpu.memory_space<hbm>> -> memref<1x40x128xi32, #tpu.memory_space<hbm>>
      %dma_wait3A_155 = tpu.memref_squeeze %dma_wait3A_154 : memref<1x40x128xi32, #tpu.memory_space<hbm>> -> memref<40x128xi32, #tpu.memory_space<hbm>>
      %dma_wait3A_156 = arith.constant 0 : i32
      %dma_wait3A_157 = arith.constant 0 : i32
      %dma_wait3A_158 = tpu.memref_slice %arg3[%add3A, %dma_wait3A_156, %dma_wait3A_157] : memref<32x80x128xi32, #tpu.memory_space<hbm>> -> memref<1x40x128xi32, #tpu.memory_space<hbm>>
      %dma_wait3A_159 = tpu.memref_squeeze %dma_wait3A_158 : memref<1x40x128xi32, #tpu.memory_space<hbm>> -> memref<40x128xi32, #tpu.memory_space<hbm>>
      tpu.wait_dma2 semaphore(%run_scoped3A : memref<!tpu.dma_semaphore, #tpu.memory_space<semaphore_mem>>) src(%dma_wait3A_159 : memref<40x128xi32, #tpu.memory_space<hbm>>) dst(%arg6 : memref<40x128xi32, #tpu.memory_space<vmem>>)
      tpu.yield
    }) : () -> ()
    "tpu.region"() ({
      %run_scoped3A = tpu.sem_alloc : memref<!tpu.dma_semaphore, #tpu.memory_space<semaphore_mem>>
      %dma_start3A_144 = arith.constant 0 : i32
      %dma_start3A_145 = arith.constant 0 : i32
      %dma_start3A_146 = tpu.memref_slice %arg4[%add3A, %dma_start3A_144, %dma_start3A_145] : memref<32x80x128xi32, #tpu.memory_space<hbm>> -> memref<1x40x128xi32, #tpu.memory_space<hbm>>
      %dma_start3A_147 = tpu.memref_squeeze %dma_start3A_146 : memref<1x40x128xi32, #tpu.memory_space<hbm>> -> memref<40x128xi32, #tpu.memory_space<hbm>>
      %dma_start3A_148 = arith.constant 0 : i32
      %dma_start3A_149 = arith.constant 0 : i32
      %dma_start3A_150 = tpu.memref_slice %arg4[%add3A, %dma_start3A_148, %dma_start3A_149] : memref<32x80x128xi32, #tpu.memory_space<hbm>> -> memref<1x40x128xi32, #tpu.memory_space<hbm>>
      %dma_start3A_151 = tpu.memref_squeeze %dma_start3A_150 : memref<1x40x128xi32, #tpu.memory_space<hbm>> -> memref<40x128xi32, #tpu.memory_space<hbm>>
      tpu.enqueue_dma source(%dma_start3A_151 : memref<40x128xi32, #tpu.memory_space<hbm>>) target(%arg7 : memref<40x128xi32, #tpu.memory_space<vmem>>) target_semaphore(%run_scoped3A : memref<!tpu.dma_semaphore, #tpu.memory_space<semaphore_mem>>)
      %dma_wait3A_152 = arith.constant 0 : i32
      %dma_wait3A_153 = arith.constant 0 : i32
      %dma_wait3A_154 = tpu.memref_slice %arg4[%add3A, %dma_wait3A_152, %dma_wait3A_153] : memref<32x80x128xi32, #tpu.memory_space<hbm>> -> memref<1x40x128xi32, #tpu.memory_space<hbm>>
      %dma_wait3A_155 = tpu.memref_squeeze %dma_wait3A_154 : memref<1x40x128xi32, #tpu.memory_space<hbm>> -> memref<40x128xi32, #tpu.memory_space<hbm>>
      %dma_wait3A_156 = arith.constant 0 : i32
      %dma_wait3A_157 = arith.constant 0 : i32
      %dma_wait3A_158 = tpu.memref_slice %arg4[%add3A, %dma_wait3A_156, %dma_wait3A_157] : memref<32x80x128xi32, #tpu.memory_space<hbm>> -> memref<1x40x128xi32, #tpu.memory_space<hbm>>
      %dma_wait3A_159 = tpu.memref_squeeze %dma_wait3A_158 : memref<1x40x128xi32, #tpu.memory_space<hbm>> -> memref<40x128xi32, #tpu.memory_space<hbm>>
      tpu.wait_dma2 semaphore(%run_scoped3A : memref<!tpu.dma_semaphore, #tpu.memory_space<semaphore_mem>>) src(%dma_wait3A_159 : memref<40x128xi32, #tpu.memory_space<hbm>>) dst(%arg7 : memref<40x128xi32, #tpu.memory_space<vmem>>)
      tpu.yield
    }) : () -> ()
    %dma_start3A = arith.constant 0 : i32
    %dma_start3A_19 = arith.constant 0 : i32
    %dma_start3A_20 = tpu.memref_slice %arg6[%dma_start3A, %dma_start3A_19] : memref<40x128xi32, #tpu.memory_space<vmem>> -> memref<1x128xi32, #tpu.memory_space<vmem>>
    %dma_start3A_21 = tpu.memref_squeeze %dma_start3A_20 : memref<1x128xi32, #tpu.memory_space<vmem>> -> memref<128xi32, #tpu.memory_space<vmem>>
    %dma_start3A_22 = arith.constant 0 : i32
    %dma_start3A_23 = arith.constant 0 : i32
    %dma_start3A_24 = tpu.memref_slice %arg2[%dma_start3A_22, %dma_start3A_23] : memref<10240x128xf32, #tpu.memory_space<hbm>> -> memref<10240x128xf32, #tpu.memory_space<hbm>>
    tpu.enqueue_indirect_dma source(%dma_start3A_24 : memref<10240x128xf32, #tpu.memory_space<hbm>>) target(%arg8 : memref<128x128xf32, #tpu.memory_space<vmem>>) offsets(%dma_start3A_21 : memref<128xi32, #tpu.memory_space<vmem>>) semaphore(%arg11 : memref<!tpu.dma_semaphore, #tpu.memory_space<semaphore_mem>>)
    %dma_start3A_25 = arith.constant 1 : i32
    %dma_start3A_26 = arith.constant 0 : i32
    %dma_start3A_27 = tpu.memref_slice %arg6[%dma_start3A_25, %dma_start3A_26] : memref<40x128xi32, #tpu.memory_space<vmem>> -> memref<1x128xi32, #tpu.memory_space<vmem>>
    %dma_start3A_28 = tpu.memref_squeeze %dma_start3A_27 : memref<1x128xi32, #tpu.memory_space<vmem>> -> memref<128xi32, #tpu.memory_space<vmem>>
    %dma_start3A_29 = arith.constant 0 : i32
    %dma_start3A_30 = arith.constant 0 : i32
    %dma_start3A_31 = tpu.memref_slice %arg2[%dma_start3A_29, %dma_start3A_30] : memref<10240x128xf32, #tpu.memory_space<hbm>> -> memref<10240x128xf32, #tpu.memory_space<hbm>>
    tpu.enqueue_indirect_dma source(%dma_start3A_31 : memref<10240x128xf32, #tpu.memory_space<hbm>>) target(%arg9 : memref<128x128xf32, #tpu.memory_space<vmem>>) offsets(%dma_start3A_28 : memref<128xi32, #tpu.memory_space<vmem>>) semaphore(%arg12 : memref<!tpu.dma_semaphore, #tpu.memory_space<semaphore_mem>>)
    %dma_wait3A = arith.constant 0 : i32
    %dma_wait3A_32 = arith.constant 0 : i32
    %dma_wait3A_33 = tpu.memref_slice %arg6[%dma_wait3A, %dma_wait3A_32] : memref<40x128xi32, #tpu.memory_space<vmem>> -> memref<1x128xi32, #tpu.memory_space<vmem>>
    %dma_wait3A_34 = tpu.memref_squeeze %dma_wait3A_33 : memref<1x128xi32, #tpu.memory_space<vmem>> -> memref<128xi32, #tpu.memory_space<vmem>>
    %dma_wait3A_35 = arith.constant 0 : i32
    %dma_wait3A_36 = arith.constant 0 : i32
    %dma_wait3A_37 = tpu.memref_slice %arg2[%dma_wait3A_35, %dma_wait3A_36] : memref<10240x128xf32, #tpu.memory_space<hbm>> -> memref<10240x128xf32, #tpu.memory_space<hbm>>
    tpu.wait_indirect_dma semaphore(%arg11 : memref<!tpu.dma_semaphore, #tpu.memory_space<semaphore_mem>>) src(%dma_wait3A_37 : memref<10240x128xf32, #tpu.memory_space<hbm>>) dst(%arg8 : memref<128x128xf32, #tpu.memory_space<vmem>>)
    %dma_start3A_38 = arith.constant 0 : i32
    %dma_start3A_39 = arith.constant 0 : i32
    %dma_start3A_40 = tpu.memref_slice %arg7[%dma_start3A_38, %dma_start3A_39] : memref<40x128xi32, #tpu.memory_space<vmem>> -> memref<1x128xi32, #tpu.memory_space<vmem>>
    %dma_start3A_41 = tpu.memref_squeeze %dma_start3A_40 : memref<1x128xi32, #tpu.memory_space<vmem>> -> memref<128xi32, #tpu.memory_space<vmem>>
    %dma_start3A_42 = arith.constant 0 : i32
    %dma_start3A_43 = arith.constant 0 : i32
    %dma_start3A_44 = tpu.memref_slice %arg10[%dma_start3A_42, %dma_start3A_43] : memref<10240x128xf32, #tpu.memory_space<vmem_shared>> -> memref<10240x128xf32, #tpu.memory_space<vmem_shared>>
    tpu.enqueue_indirect_dma source(%arg8 : memref<128x128xf32, #tpu.memory_space<vmem>>) target(%dma_start3A_44 : memref<10240x128xf32, #tpu.memory_space<vmem_shared>>) offsets(%dma_start3A_41 : memref<128xi32, #tpu.memory_space<vmem>>) semaphore(%arg13 : memref<!tpu.dma_semaphore, #tpu.memory_space<semaphore_mem>>) {add = true}
    %dma_wait3A_45 = arith.constant 0 : i32
    %dma_wait3A_46 = arith.constant 0 : i32
    %dma_wait3A_47 = tpu.memref_slice %arg6[%dma_wait3A_45, %dma_wait3A_46] : memref<40x128xi32, #tpu.memory_space<vmem>> -> memref<1x128xi32, #tpu.memory_space<vmem>>
    %dma_wait3A_48 = tpu.memref_squeeze %dma_wait3A_47 : memref<1x128xi32, #tpu.memory_space<vmem>> -> memref<128xi32, #tpu.memory_space<vmem>>
    %dma_wait3A_49 = arith.constant 0 : i32
    %dma_wait3A_50 = arith.constant 0 : i32
    %dma_wait3A_51 = tpu.memref_slice %arg2[%dma_wait3A_49, %dma_wait3A_50] : memref<10240x128xf32, #tpu.memory_space<hbm>> -> memref<10240x128xf32, #tpu.memory_space<hbm>>
    tpu.wait_indirect_dma semaphore(%arg12 : memref<!tpu.dma_semaphore, #tpu.memory_space<semaphore_mem>>) src(%dma_wait3A_51 : memref<10240x128xf32, #tpu.memory_space<hbm>>) dst(%arg9 : memref<128x128xf32, #tpu.memory_space<vmem>>)
    %dma_start3A_52 = arith.constant 1 : i32
    %dma_start3A_53 = arith.constant 0 : i32
    %dma_start3A_54 = tpu.memref_slice %arg7[%dma_start3A_52, %dma_start3A_53] : memref<40x128xi32, #tpu.memory_space<vmem>> -> memref<1x128xi32, #tpu.memory_space<vmem>>
    %dma_start3A_55 = tpu.memref_squeeze %dma_start3A_54 : memref<1x128xi32, #tpu.memory_space<vmem>> -> memref<128xi32, #tpu.memory_space<vmem>>
    %dma_start3A_56 = arith.constant 0 : i32
    %dma_start3A_57 = arith.constant 0 : i32
    %dma_start3A_58 = tpu.memref_slice %arg10[%dma_start3A_56, %dma_start3A_57] : memref<10240x128xf32, #tpu.memory_space<vmem_shared>> -> memref<10240x128xf32, #tpu.memory_space<vmem_shared>>
    tpu.enqueue_indirect_dma source(%arg9 : memref<128x128xf32, #tpu.memory_space<vmem>>) target(%dma_start3A_58 : memref<10240x128xf32, #tpu.memory_space<vmem_shared>>) offsets(%dma_start3A_55 : memref<128xi32, #tpu.memory_space<vmem>>) semaphore(%arg14 : memref<!tpu.dma_semaphore, #tpu.memory_space<semaphore_mem>>) {add = true}
    %scan3A_59 = arith.constant 0 : i32
    %scan3A_60 = arith.constant 1 : i32
    %scan3A_61 = arith.constant 19 : i32
    %scan3A_62 = arith.addi %scan3A_60, %scan3A_61 : i32
    %scan3A_63 = arith.constant 1 : i32
    %scan3A_64 = scf.for %scan3A_144 = %scan3A_60 to %scan3A_62 step %scan3A_63 iter_args(%scan3A_145 = %scan3A_59) -> (i32)  : i32 {
      %dma_wait3A_146 = arith.constant 0 : i32
      %dma_wait3A_147 = arith.constant 0 : i32
      %dma_wait3A_148 = tpu.memref_slice %arg7[%dma_wait3A_146, %dma_wait3A_147] : memref<40x128xi32, #tpu.memory_space<vmem>> -> memref<1x128xi32, #tpu.memory_space<vmem>>
      %dma_wait3A_149 = tpu.memref_squeeze %dma_wait3A_148 : memref<1x128xi32, #tpu.memory_space<vmem>> -> memref<128xi32, #tpu.memory_space<vmem>>
      %dma_wait3A_150 = arith.constant 0 : i32
      %dma_wait3A_151 = arith.constant 0 : i32
      %dma_wait3A_152 = tpu.memref_slice %arg10[%dma_wait3A_150, %dma_wait3A_151] : memref<10240x128xf32, #tpu.memory_space<vmem_shared>> -> memref<10240x128xf32, #tpu.memory_space<vmem_shared>>
      tpu.wait_indirect_dma semaphore(%arg13 : memref<!tpu.dma_semaphore, #tpu.memory_space<semaphore_mem>>) src(%arg8 : memref<128x128xf32, #tpu.memory_space<vmem>>) dst(%dma_wait3A_152 : memref<10240x128xf32, #tpu.memory_space<vmem_shared>>)
      %mul3A_153 = arith.constant 2 : i32
      %mul3A_154 = arith.muli %mul3A_153, %scan3A_144 : i32
      %dma_start3A_155 = arith.constant 0 : i32
      %dma_start3A_156 = tpu.memref_slice %arg6[%mul3A_154, %dma_start3A_155] : memref<40x128xi32, #tpu.memory_space<vmem>> -> memref<1x128xi32, #tpu.memory_space<vmem>>
      %dma_start3A_157 = tpu.memref_squeeze %dma_start3A_156 : memref<1x128xi32, #tpu.memory_space<vmem>> -> memref<128xi32, #tpu.memory_space<vmem>>
      %dma_start3A_158 = arith.constant 0 : i32
      %dma_start3A_159 = arith.constant 0 : i32
      %dma_start3A_160 = tpu.memref_slice %arg2[%dma_start3A_158, %dma_start3A_159] : memref<10240x128xf32, #tpu.memory_space<hbm>> -> memref<10240x128xf32, #tpu.memory_space<hbm>>
      tpu.enqueue_indirect_dma source(%dma_start3A_160 : memref<10240x128xf32, #tpu.memory_space<hbm>>) target(%arg8 : memref<128x128xf32, #tpu.memory_space<vmem>>) offsets(%dma_start3A_157 : memref<128xi32, #tpu.memory_space<vmem>>) semaphore(%arg11 : memref<!tpu.dma_semaphore, #tpu.memory_space<semaphore_mem>>)
      %dma_wait3A_161 = arith.constant 0 : i32
      %dma_wait3A_162 = arith.constant 0 : i32
      %dma_wait3A_163 = tpu.memref_slice %arg7[%dma_wait3A_161, %dma_wait3A_162] : memref<40x128xi32, #tpu.memory_space<vmem>> -> memref<1x128xi32, #tpu.memory_space<vmem>>
      %dma_wait3A_164 = tpu.memref_squeeze %dma_wait3A_163 : memref<1x128xi32, #tpu.memory_space<vmem>> -> memref<128xi32, #tpu.memory_space<vmem>>
      %dma_wait3A_165 = arith.constant 0 : i32
      %dma_wait3A_166 = arith.constant 0 : i32
      %dma_wait3A_167 = tpu.memref_slice %arg10[%dma_wait3A_165, %dma_wait3A_166] : memref<10240x128xf32, #tpu.memory_space<vmem_shared>> -> memref<10240x128xf32, #tpu.memory_space<vmem_shared>>
      tpu.wait_indirect_dma semaphore(%arg14 : memref<!tpu.dma_semaphore, #tpu.memory_space<semaphore_mem>>) src(%arg9 : memref<128x128xf32, #tpu.memory_space<vmem>>) dst(%dma_wait3A_167 : memref<10240x128xf32, #tpu.memory_space<vmem_shared>>)
      %mul3A_168 = arith.constant 2 : i32
      %mul3A_169 = arith.muli %mul3A_168, %scan3A_144 : i32
      %add3A_170 = arith.constant 1 : i32
      %add3A_171 = arith.addi %mul3A_169, %add3A_170 : i32
      %dma_start3A_172 = arith.constant 0 : i32
      %dma_start3A_173 = tpu.memref_slice %arg6[%add3A_171, %dma_start3A_172] : memref<40x128xi32, #tpu.memory_space<vmem>> -> memref<1x128xi32, #tpu.memory_space<vmem>>
      %dma_start3A_174 = tpu.memref_squeeze %dma_start3A_173 : memref<1x128xi32, #tpu.memory_space<vmem>> -> memref<128xi32, #tpu.memory_space<vmem>>
      %dma_start3A_175 = arith.constant 0 : i32
      %dma_start3A_176 = arith.constant 0 : i32
      %dma_start3A_177 = tpu.memref_slice %arg2[%dma_start3A_175, %dma_start3A_176] : memref<10240x128xf32, #tpu.memory_space<hbm>> -> memref<10240x128xf32, #tpu.memory_space<hbm>>
      tpu.enqueue_indirect_dma source(%dma_start3A_177 : memref<10240x128xf32, #tpu.memory_space<hbm>>) target(%arg9 : memref<128x128xf32, #tpu.memory_space<vmem>>) offsets(%dma_start3A_174 : memref<128xi32, #tpu.memory_space<vmem>>) semaphore(%arg12 : memref<!tpu.dma_semaphore, #tpu.memory_space<semaphore_mem>>)
      %dma_wait3A_178 = arith.constant 0 : i32
      %dma_wait3A_179 = arith.constant 0 : i32
      %dma_wait3A_180 = tpu.memref_slice %arg6[%dma_wait3A_178, %dma_wait3A_179] : memref<40x128xi32, #tpu.memory_space<vmem>> -> memref<1x128xi32, #tpu.memory_space<vmem>>
      %dma_wait3A_181 = tpu.memref_squeeze %dma_wait3A_180 : memref<1x128xi32, #tpu.memory_space<vmem>> -> memref<128xi32, #tpu.memory_space<vmem>>
      %dma_wait3A_182 = arith.constant 0 : i32
      %dma_wait3A_183 = arith.constant 0 : i32
      %dma_wait3A_184 = tpu.memref_slice %arg2[%dma_wait3A_182, %dma_wait3A_183] : memref<10240x128xf32, #tpu.memory_space<hbm>> -> memref<10240x128xf32, #tpu.memory_space<hbm>>
      tpu.wait_indirect_dma semaphore(%arg11 : memref<!tpu.dma_semaphore, #tpu.memory_space<semaphore_mem>>) src(%dma_wait3A_184 : memref<10240x128xf32, #tpu.memory_space<hbm>>) dst(%arg8 : memref<128x128xf32, #tpu.memory_space<vmem>>)
      %mul3A_185 = arith.constant 2 : i32
      %mul3A_186 = arith.muli %mul3A_185, %scan3A_144 : i32
      %dma_start3A_187 = arith.constant 0 : i32
      %dma_start3A_188 = tpu.memref_slice %arg7[%mul3A_186, %dma_start3A_187] : memref<40x128xi32, #tpu.memory_space<vmem>> -> memref<1x128xi32, #tpu.memory_space<vmem>>
      %dma_start3A_189 = tpu.memref_squeeze %dma_start3A_188 : memref<1x128xi32, #tpu.memory_space<vmem>> -> memref<128xi32, #tpu.memory_space<vmem>>
      %dma_start3A_190 = arith.constant 0 : i32
      %dma_start3A_191 = arith.constant 0 : i32
      %dma_start3A_192 = tpu.memref_slice %arg10[%dma_start3A_190, %dma_start3A_191] : memref<10240x128xf32, #tpu.memory_space<vmem_shared>> -> memref<10240x128xf32, #tpu.memory_space<vmem_shared>>
      tpu.enqueue_indirect_dma source(%arg8 : memref<128x128xf32, #tpu.memory_space<vmem>>) target(%dma_start3A_192 : memref<10240x128xf32, #tpu.memory_space<vmem_shared>>) offsets(%dma_start3A_189 : memref<128xi32, #tpu.memory_space<vmem>>) semaphore(%arg13 : memref<!tpu.dma_semaphore, #tpu.memory_space<semaphore_mem>>) {add = true}
      %dma_wait3A_193 = arith.constant 0 : i32
      %dma_wait3A_194 = arith.constant 0 : i32
      %dma_wait3A_195 = tpu.memref_slice %arg6[%dma_wait3A_193, %dma_wait3A_194] : memref<40x128xi32, #tpu.memory_space<vmem>> -> memref<1x128xi32, #tpu.memory_space<vmem>>
      %dma_wait3A_196 = tpu.memref_squeeze %dma_wait3A_195 : memref<1x128xi32, #tpu.memory_space<vmem>> -> memref<128xi32, #tpu.memory_space<vmem>>
      %dma_wait3A_197 = arith.constant 0 : i32
      %dma_wait3A_198 = arith.constant 0 : i32
      %dma_wait3A_199 = tpu.memref_slice %arg2[%dma_wait3A_197, %dma_wait3A_198] : memref<10240x128xf32, #tpu.memory_space<hbm>> -> memref<10240x128xf32, #tpu.memory_space<hbm>>
      tpu.wait_indirect_dma semaphore(%arg12 : memref<!tpu.dma_semaphore, #tpu.memory_space<semaphore_mem>>) src(%dma_wait3A_199 : memref<10240x128xf32, #tpu.memory_space<hbm>>) dst(%arg9 : memref<128x128xf32, #tpu.memory_space<vmem>>)
      %mul3A_200 = arith.constant 2 : i32
      %mul3A_201 = arith.muli %mul3A_200, %scan3A_144 : i32
      %add3A_202 = arith.constant 1 : i32
      %add3A_203 = arith.addi %mul3A_201, %add3A_202 : i32
      %dma_start3A_204 = arith.constant 0 : i32
      %dma_start3A_205 = tpu.memref_slice %arg7[%add3A_203, %dma_start3A_204] : memref<40x128xi32, #tpu.memory_space<vmem>> -> memref<1x128xi32, #tpu.memory_space<vmem>>
      %dma_start3A_206 = tpu.memref_squeeze %dma_start3A_205 : memref<1x128xi32, #tpu.memory_space<vmem>> -> memref<128xi32, #tpu.memory_space<vmem>>
      %dma_start3A_207 = arith.constant 0 : i32
      %dma_start3A_208 = arith.constant 0 : i32
      %dma_start3A_209 = tpu.memref_slice %arg10[%dma_start3A_207, %dma_start3A_208] : memref<10240x128xf32, #tpu.memory_space<vmem_shared>> -> memref<10240x128xf32, #tpu.memory_space<vmem_shared>>
      tpu.enqueue_indirect_dma source(%arg9 : memref<128x128xf32, #tpu.memory_space<vmem>>) target(%dma_start3A_209 : memref<10240x128xf32, #tpu.memory_space<vmem_shared>>) offsets(%dma_start3A_206 : memref<128xi32, #tpu.memory_space<vmem>>) semaphore(%arg14 : memref<!tpu.dma_semaphore, #tpu.memory_space<semaphore_mem>>) {add = true}
      %scan3A_210 = arith.constant 0 : i32
      scf.yield %scan3A_210 : i32
    }
    %scan3A_65 = arith.constant 19 : i32
    %dma_wait3A_66 = arith.constant 0 : i32
    %dma_wait3A_67 = arith.constant 0 : i32
    %dma_wait3A_68 = tpu.memref_slice %arg7[%dma_wait3A_66, %dma_wait3A_67] : memref<40x128xi32, #tpu.memory_space<vmem>> -> memref<1x128xi32, #tpu.memory_space<vmem>>
    %dma_wait3A_69 = tpu.memref_squeeze %dma_wait3A_68 : memref<1x128xi32, #tpu.memory_space<vmem>> -> memref<128xi32, #tpu.memory_space<vmem>>
    %dma_wait3A_70 = arith.constant 0 : i32
    %dma_wait3A_71 = arith.constant 0 : i32
    %dma_wait3A_72 = tpu.memref_slice %arg10[%dma_wait3A_70, %dma_wait3A_71] : memref<10240x128xf32, #tpu.memory_space<vmem_shared>> -> memref<10240x128xf32, #tpu.memory_space<vmem_shared>>
    tpu.wait_indirect_dma semaphore(%arg13 : memref<!tpu.dma_semaphore, #tpu.memory_space<semaphore_mem>>) src(%arg8 : memref<128x128xf32, #tpu.memory_space<vmem>>) dst(%dma_wait3A_72 : memref<10240x128xf32, #tpu.memory_space<vmem_shared>>)
    %dma_wait3A_73 = arith.constant 0 : i32
    %dma_wait3A_74 = arith.constant 0 : i32
    %dma_wait3A_75 = tpu.memref_slice %arg7[%dma_wait3A_73, %dma_wait3A_74] : memref<40x128xi32, #tpu.memory_space<vmem>> -> memref<1x128xi32, #tpu.memory_space<vmem>>
    %dma_wait3A_76 = tpu.memref_squeeze %dma_wait3A_75 : memref<1x128xi32, #tpu.memory_space<vmem>> -> memref<128xi32, #tpu.memory_space<vmem>>
    %dma_wait3A_77 = arith.constant 0 : i32
    %dma_wait3A_78 = arith.constant 0 : i32
    %dma_wait3A_79 = tpu.memref_slice %arg10[%dma_wait3A_77, %dma_wait3A_78] : memref<10240x128xf32, #tpu.memory_space<vmem_shared>> -> memref<10240x128xf32, #tpu.memory_space<vmem_shared>>
    tpu.wait_indirect_dma semaphore(%arg14 : memref<!tpu.dma_semaphore, #tpu.memory_space<semaphore_mem>>) src(%arg9 : memref<128x128xf32, #tpu.memory_space<vmem>>) dst(%dma_wait3A_79 : memref<10240x128xf32, #tpu.memory_space<vmem_shared>>)
    "tpu.region"() ({
      %run_scoped3A = tpu.sem_alloc : memref<!tpu.dma_semaphore, #tpu.memory_space<semaphore_mem>>
      %dma_start3A_144 = arith.constant 40 : i32
      %dma_start3A_145 = arith.constant 0 : i32
      %dma_start3A_146 = tpu.memref_slice %arg3[%add3A, %dma_start3A_144, %dma_start3A_145] : memref<32x80x128xi32, #tpu.memory_space<hbm>> -> memref<1x40x128xi32, #tpu.memory_space<hbm>>
      %dma_start3A_147 = tpu.memref_squeeze %dma_start3A_146 : memref<1x40x128xi32, #tpu.memory_space<hbm>> -> memref<40x128xi32, #tpu.memory_space<hbm>>
      %dma_start3A_148 = arith.constant 40 : i32
      %dma_start3A_149 = arith.constant 0 : i32
      %dma_start3A_150 = tpu.memref_slice %arg3[%add3A, %dma_start3A_148, %dma_start3A_149] : memref<32x80x128xi32, #tpu.memory_space<hbm>> -> memref<1x40x128xi32, #tpu.memory_space<hbm>>
      %dma_start3A_151 = tpu.memref_squeeze %dma_start3A_150 : memref<1x40x128xi32, #tpu.memory_space<hbm>> -> memref<40x128xi32, #tpu.memory_space<hbm>>
      tpu.enqueue_dma source(%dma_start3A_151 : memref<40x128xi32, #tpu.memory_space<hbm>>) target(%arg6 : memref<40x128xi32, #tpu.memory_space<vmem>>) target_semaphore(%run_scoped3A : memref<!tpu.dma_semaphore, #tpu.memory_space<semaphore_mem>>)
      %dma_wait3A_152 = arith.constant 40 : i32
      %dma_wait3A_153 = arith.constant 0 : i32
      %dma_wait3A_154 = tpu.memref_slice %arg3[%add3A, %dma_wait3A_152, %dma_wait3A_153] : memref<32x80x128xi32, #tpu.memory_space<hbm>> -> memref<1x40x128xi32, #tpu.memory_space<hbm>>
      %dma_wait3A_155 = tpu.memref_squeeze %dma_wait3A_154 : memref<1x40x128xi32, #tpu.memory_space<hbm>> -> memref<40x128xi32, #tpu.memory_space<hbm>>
      %dma_wait3A_156 = arith.constant 40 : i32
      %dma_wait3A_157 = arith.constant 0 : i32
      %dma_wait3A_158 = tpu.memref_slice %arg3[%add3A, %dma_wait3A_156, %dma_wait3A_157] : memref<32x80x128xi32, #tpu.memory_space<hbm>> -> memref<1x40x128xi32, #tpu.memory_space<hbm>>
      %dma_wait3A_159 = tpu.memref_squeeze %dma_wait3A_158 : memref<1x40x128xi32, #tpu.memory_space<hbm>> -> memref<40x128xi32, #tpu.memory_space<hbm>>
      tpu.wait_dma2 semaphore(%run_scoped3A : memref<!tpu.dma_semaphore, #tpu.memory_space<semaphore_mem>>) src(%dma_wait3A_159 : memref<40x128xi32, #tpu.memory_space<hbm>>) dst(%arg6 : memref<40x128xi32, #tpu.memory_space<vmem>>)
      tpu.yield
    }) : () -> ()
    "tpu.region"() ({
      %run_scoped3A = tpu.sem_alloc : memref<!tpu.dma_semaphore, #tpu.memory_space<semaphore_mem>>
      %dma_start3A_144 = arith.constant 40 : i32
      %dma_start3A_145 = arith.constant 0 : i32
      %dma_start3A_146 = tpu.memref_slice %arg4[%add3A, %dma_start3A_144, %dma_start3A_145] : memref<32x80x128xi32, #tpu.memory_space<hbm>> -> memref<1x40x128xi32, #tpu.memory_space<hbm>>
      %dma_start3A_147 = tpu.memref_squeeze %dma_start3A_146 : memref<1x40x128xi32, #tpu.memory_space<hbm>> -> memref<40x128xi32, #tpu.memory_space<hbm>>
      %dma_start3A_148 = arith.constant 40 : i32
      %dma_start3A_149 = arith.constant 0 : i32
      %dma_start3A_150 = tpu.memref_slice %arg4[%add3A, %dma_start3A_148, %dma_start3A_149] : memref<32x80x128xi32, #tpu.memory_space<hbm>> -> memref<1x40x128xi32, #tpu.memory_space<hbm>>
      %dma_start3A_151 = tpu.memref_squeeze %dma_start3A_150 : memref<1x40x128xi32, #tpu.memory_space<hbm>> -> memref<40x128xi32, #tpu.memory_space<hbm>>
      tpu.enqueue_dma source(%dma_start3A_151 : memref<40x128xi32, #tpu.memory_space<hbm>>) target(%arg7 : memref<40x128xi32, #tpu.memory_space<vmem>>) target_semaphore(%run_scoped3A : memref<!tpu.dma_semaphore, #tpu.memory_space<semaphore_mem>>)
      %dma_wait3A_152 = arith.constant 40 : i32
      %dma_wait3A_153 = arith.constant 0 : i32
      %dma_wait3A_154 = tpu.memref_slice %arg4[%add3A, %dma_wait3A_152, %dma_wait3A_153] : memref<32x80x128xi32, #tpu.memory_space<hbm>> -> memref<1x40x128xi32, #tpu.memory_space<hbm>>
      %dma_wait3A_155 = tpu.memref_squeeze %dma_wait3A_154 : memref<1x40x128xi32, #tpu.memory_space<hbm>> -> memref<40x128xi32, #tpu.memory_space<hbm>>
      %dma_wait3A_156 = arith.constant 40 : i32
      %dma_wait3A_157 = arith.constant 0 : i32
      %dma_wait3A_158 = tpu.memref_slice %arg4[%add3A, %dma_wait3A_156, %dma_wait3A_157] : memref<32x80x128xi32, #tpu.memory_space<hbm>> -> memref<1x40x128xi32, #tpu.memory_space<hbm>>
      %dma_wait3A_159 = tpu.memref_squeeze %dma_wait3A_158 : memref<1x40x128xi32, #tpu.memory_space<hbm>> -> memref<40x128xi32, #tpu.memory_space<hbm>>
      tpu.wait_dma2 semaphore(%run_scoped3A : memref<!tpu.dma_semaphore, #tpu.memory_space<semaphore_mem>>) src(%dma_wait3A_159 : memref<40x128xi32, #tpu.memory_space<hbm>>) dst(%arg7 : memref<40x128xi32, #tpu.memory_space<vmem>>)
      tpu.yield
    }) : () -> ()
    %dma_start3A_80 = arith.constant 0 : i32
    %dma_start3A_81 = arith.constant 0 : i32
    %dma_start3A_82 = tpu.memref_slice %arg6[%dma_start3A_80, %dma_start3A_81] : memref<40x128xi32, #tpu.memory_space<vmem>> -> memref<1x128xi32, #tpu.memory_space<vmem>>
    %dma_start3A_83 = tpu.memref_squeeze %dma_start3A_82 : memref<1x128xi32, #tpu.memory_space<vmem>> -> memref<128xi32, #tpu.memory_space<vmem>>
    %dma_start3A_84 = arith.constant 0 : i32
    %dma_start3A_85 = arith.constant 0 : i32
    %dma_start3A_86 = tpu.memref_slice %arg2[%dma_start3A_84, %dma_start3A_85] : memref<10240x128xf32, #tpu.memory_space<hbm>> -> memref<10240x128xf32, #tpu.memory_space<hbm>>
    tpu.enqueue_indirect_dma source(%dma_start3A_86 : memref<10240x128xf32, #tpu.memory_space<hbm>>) target(%arg8 : memref<128x128xf32, #tpu.memory_space<vmem>>) offsets(%dma_start3A_83 : memref<128xi32, #tpu.memory_space<vmem>>) semaphore(%arg11 : memref<!tpu.dma_semaphore, #tpu.memory_space<semaphore_mem>>)
    %dma_start3A_87 = arith.constant 1 : i32
    %dma_start3A_88 = arith.constant 0 : i32
    %dma_start3A_89 = tpu.memref_slice %arg6[%dma_start3A_87, %dma_start3A_88] : memref<40x128xi32, #tpu.memory_space<vmem>> -> memref<1x128xi32, #tpu.memory_space<vmem>>
    %dma_start3A_90 = tpu.memref_squeeze %dma_start3A_89 : memref<1x128xi32, #tpu.memory_space<vmem>> -> memref<128xi32, #tpu.memory_space<vmem>>
    %dma_start3A_91 = arith.constant 0 : i32
    %dma_start3A_92 = arith.constant 0 : i32
    %dma_start3A_93 = tpu.memref_slice %arg2[%dma_start3A_91, %dma_start3A_92] : memref<10240x128xf32, #tpu.memory_space<hbm>> -> memref<10240x128xf32, #tpu.memory_space<hbm>>
    tpu.enqueue_indirect_dma source(%dma_start3A_93 : memref<10240x128xf32, #tpu.memory_space<hbm>>) target(%arg9 : memref<128x128xf32, #tpu.memory_space<vmem>>) offsets(%dma_start3A_90 : memref<128xi32, #tpu.memory_space<vmem>>) semaphore(%arg12 : memref<!tpu.dma_semaphore, #tpu.memory_space<semaphore_mem>>)
    %dma_wait3A_94 = arith.constant 0 : i32
    %dma_wait3A_95 = arith.constant 0 : i32
    %dma_wait3A_96 = tpu.memref_slice %arg6[%dma_wait3A_94, %dma_wait3A_95] : memref<40x128xi32, #tpu.memory_space<vmem>> -> memref<1x128xi32, #tpu.memory_space<vmem>>
    %dma_wait3A_97 = tpu.memref_squeeze %dma_wait3A_96 : memref<1x128xi32, #tpu.memory_space<vmem>> -> memref<128xi32, #tpu.memory_space<vmem>>
    %dma_wait3A_98 = arith.constant 0 : i32
    %dma_wait3A_99 = arith.constant 0 : i32
    %dma_wait3A_100 = tpu.memref_slice %arg2[%dma_wait3A_98, %dma_wait3A_99] : memref<10240x128xf32, #tpu.memory_space<hbm>> -> memref<10240x128xf32, #tpu.memory_space<hbm>>
    tpu.wait_indirect_dma semaphore(%arg11 : memref<!tpu.dma_semaphore, #tpu.memory_space<semaphore_mem>>) src(%dma_wait3A_100 : memref<10240x128xf32, #tpu.memory_space<hbm>>) dst(%arg8 : memref<128x128xf32, #tpu.memory_space<vmem>>)
    %dma_start3A_101 = arith.constant 0 : i32
    %dma_start3A_102 = arith.constant 0 : i32
    %dma_start3A_103 = tpu.memref_slice %arg7[%dma_start3A_101, %dma_start3A_102] : memref<40x128xi32, #tpu.memory_space<vmem>> -> memref<1x128xi32, #tpu.memory_space<vmem>>
    %dma_start3A_104 = tpu.memref_squeeze %dma_start3A_103 : memref<1x128xi32, #tpu.memory_space<vmem>> -> memref<128xi32, #tpu.memory_space<vmem>>
    %dma_start3A_105 = arith.constant 0 : i32
    %dma_start3A_106 = arith.constant 0 : i32
    %dma_start3A_107 = tpu.memref_slice %arg10[%dma_start3A_105, %dma_start3A_106] : memref<10240x128xf32, #tpu.memory_space<vmem_shared>> -> memref<10240x128xf32, #tpu.memory_space<vmem_shared>>
    tpu.enqueue_indirect_dma source(%arg8 : memref<128x128xf32, #tpu.memory_space<vmem>>) target(%dma_start3A_107 : memref<10240x128xf32, #tpu.memory_space<vmem_shared>>) offsets(%dma_start3A_104 : memref<128xi32, #tpu.memory_space<vmem>>) semaphore(%arg13 : memref<!tpu.dma_semaphore, #tpu.memory_space<semaphore_mem>>) {add = true}
    %dma_wait3A_108 = arith.constant 0 : i32
    %dma_wait3A_109 = arith.constant 0 : i32
    %dma_wait3A_110 = tpu.memref_slice %arg6[%dma_wait3A_108, %dma_wait3A_109] : memref<40x128xi32, #tpu.memory_space<vmem>> -> memref<1x128xi32, #tpu.memory_space<vmem>>
    %dma_wait3A_111 = tpu.memref_squeeze %dma_wait3A_110 : memref<1x128xi32, #tpu.memory_space<vmem>> -> memref<128xi32, #tpu.memory_space<vmem>>
    %dma_wait3A_112 = arith.constant 0 : i32
    %dma_wait3A_113 = arith.constant 0 : i32
    %dma_wait3A_114 = tpu.memref_slice %arg2[%dma_wait3A_112, %dma_wait3A_113] : memref<10240x128xf32, #tpu.memory_space<hbm>> -> memref<10240x128xf32, #tpu.memory_space<hbm>>
    tpu.wait_indirect_dma semaphore(%arg12 : memref<!tpu.dma_semaphore, #tpu.memory_space<semaphore_mem>>) src(%dma_wait3A_114 : memref<10240x128xf32, #tpu.memory_space<hbm>>) dst(%arg9 : memref<128x128xf32, #tpu.memory_space<vmem>>)
    %dma_start3A_115 = arith.constant 1 : i32
    %dma_start3A_116 = arith.constant 0 : i32
    %dma_start3A_117 = tpu.memref_slice %arg7[%dma_start3A_115, %dma_start3A_116] : memref<40x128xi32, #tpu.memory_space<vmem>> -> memref<1x128xi32, #tpu.memory_space<vmem>>
    %dma_start3A_118 = tpu.memref_squeeze %dma_start3A_117 : memref<1x128xi32, #tpu.memory_space<vmem>> -> memref<128xi32, #tpu.memory_space<vmem>>
    %dma_start3A_119 = arith.constant 0 : i32
    %dma_start3A_120 = arith.constant 0 : i32
    %dma_start3A_121 = tpu.memref_slice %arg10[%dma_start3A_119, %dma_start3A_120] : memref<10240x128xf32, #tpu.memory_space<vmem_shared>> -> memref<10240x128xf32, #tpu.memory_space<vmem_shared>>
    tpu.enqueue_indirect_dma source(%arg9 : memref<128x128xf32, #tpu.memory_space<vmem>>) target(%dma_start3A_121 : memref<10240x128xf32, #tpu.memory_space<vmem_shared>>) offsets(%dma_start3A_118 : memref<128xi32, #tpu.memory_space<vmem>>) semaphore(%arg14 : memref<!tpu.dma_semaphore, #tpu.memory_space<semaphore_mem>>) {add = true}
    %scan3A_122 = arith.constant 0 : i32
    %scan3A_123 = arith.constant 1 : i32
    %scan3A_124 = arith.constant 19 : i32
    %scan3A_125 = arith.addi %scan3A_123, %scan3A_124 : i32
    %scan3A_126 = arith.constant 1 : i32
    %scan3A_127 = scf.for %scan3A_144 = %scan3A_123 to %scan3A_125 step %scan3A_126 iter_args(%scan3A_145 = %scan3A_122) -> (i32)  : i32 {
      %dma_wait3A_146 = arith.constant 0 : i32
      %dma_wait3A_147 = arith.constant 0 : i32
      %dma_wait3A_148 = tpu.memref_slice %arg7[%dma_wait3A_146, %dma_wait3A_147] : memref<40x128xi32, #tpu.memory_space<vmem>> -> memref<1x128xi32, #tpu.memory_space<vmem>>
      %dma_wait3A_149 = tpu.memref_squeeze %dma_wait3A_148 : memref<1x128xi32, #tpu.memory_space<vmem>> -> memref<128xi32, #tpu.memory_space<vmem>>
      %dma_wait3A_150 = arith.constant 0 : i32
      %dma_wait3A_151 = arith.constant 0 : i32
      %dma_wait3A_152 = tpu.memref_slice %arg10[%dma_wait3A_150, %dma_wait3A_151] : memref<10240x128xf32, #tpu.memory_space<vmem_shared>> -> memref<10240x128xf32, #tpu.memory_space<vmem_shared>>
      tpu.wait_indirect_dma semaphore(%arg13 : memref<!tpu.dma_semaphore, #tpu.memory_space<semaphore_mem>>) src(%arg8 : memref<128x128xf32, #tpu.memory_space<vmem>>) dst(%dma_wait3A_152 : memref<10240x128xf32, #tpu.memory_space<vmem_shared>>)
      %mul3A_153 = arith.constant 2 : i32
      %mul3A_154 = arith.muli %mul3A_153, %scan3A_144 : i32
      %dma_start3A_155 = arith.constant 0 : i32
      %dma_start3A_156 = tpu.memref_slice %arg6[%mul3A_154, %dma_start3A_155] : memref<40x128xi32, #tpu.memory_space<vmem>> -> memref<1x128xi32, #tpu.memory_space<vmem>>
      %dma_start3A_157 = tpu.memref_squeeze %dma_start3A_156 : memref<1x128xi32, #tpu.memory_space<vmem>> -> memref<128xi32, #tpu.memory_space<vmem>>
      %dma_start3A_158 = arith.constant 0 : i32
      %dma_start3A_159 = arith.constant 0 : i32
      %dma_start3A_160 = tpu.memref_slice %arg2[%dma_start3A_158, %dma_start3A_159] : memref<10240x128xf32, #tpu.memory_space<hbm>> -> memref<10240x128xf32, #tpu.memory_space<hbm>>
      tpu.enqueue_indirect_dma source(%dma_start3A_160 : memref<10240x128xf32, #tpu.memory_space<hbm>>) target(%arg8 : memref<128x128xf32, #tpu.memory_space<vmem>>) offsets(%dma_start3A_157 : memref<128xi32, #tpu.memory_space<vmem>>) semaphore(%arg11 : memref<!tpu.dma_semaphore, #tpu.memory_space<semaphore_mem>>)
      %dma_wait3A_161 = arith.constant 0 : i32
      %dma_wait3A_162 = arith.constant 0 : i32
      %dma_wait3A_163 = tpu.memref_slice %arg7[%dma_wait3A_161, %dma_wait3A_162] : memref<40x128xi32, #tpu.memory_space<vmem>> -> memref<1x128xi32, #tpu.memory_space<vmem>>
      %dma_wait3A_164 = tpu.memref_squeeze %dma_wait3A_163 : memref<1x128xi32, #tpu.memory_space<vmem>> -> memref<128xi32, #tpu.memory_space<vmem>>
      %dma_wait3A_165 = arith.constant 0 : i32
      %dma_wait3A_166 = arith.constant 0 : i32
      %dma_wait3A_167 = tpu.memref_slice %arg10[%dma_wait3A_165, %dma_wait3A_166] : memref<10240x128xf32, #tpu.memory_space<vmem_shared>> -> memref<10240x128xf32, #tpu.memory_space<vmem_shared>>
      tpu.wait_indirect_dma semaphore(%arg14 : memref<!tpu.dma_semaphore, #tpu.memory_space<semaphore_mem>>) src(%arg9 : memref<128x128xf32, #tpu.memory_space<vmem>>) dst(%dma_wait3A_167 : memref<10240x128xf32, #tpu.memory_space<vmem_shared>>)
      %mul3A_168 = arith.constant 2 : i32
      %mul3A_169 = arith.muli %mul3A_168, %scan3A_144 : i32
      %add3A_170 = arith.constant 1 : i32
      %add3A_171 = arith.addi %mul3A_169, %add3A_170 : i32
      %dma_start3A_172 = arith.constant 0 : i32
      %dma_start3A_173 = tpu.memref_slice %arg6[%add3A_171, %dma_start3A_172] : memref<40x128xi32, #tpu.memory_space<vmem>> -> memref<1x128xi32, #tpu.memory_space<vmem>>
      %dma_start3A_174 = tpu.memref_squeeze %dma_start3A_173 : memref<1x128xi32, #tpu.memory_space<vmem>> -> memref<128xi32, #tpu.memory_space<vmem>>
      %dma_start3A_175 = arith.constant 0 : i32
      %dma_start3A_176 = arith.constant 0 : i32
      %dma_start3A_177 = tpu.memref_slice %arg2[%dma_start3A_175, %dma_start3A_176] : memref<10240x128xf32, #tpu.memory_space<hbm>> -> memref<10240x128xf32, #tpu.memory_space<hbm>>
      tpu.enqueue_indirect_dma source(%dma_start3A_177 : memref<10240x128xf32, #tpu.memory_space<hbm>>) target(%arg9 : memref<128x128xf32, #tpu.memory_space<vmem>>) offsets(%dma_start3A_174 : memref<128xi32, #tpu.memory_space<vmem>>) semaphore(%arg12 : memref<!tpu.dma_semaphore, #tpu.memory_space<semaphore_mem>>)
      %dma_wait3A_178 = arith.constant 0 : i32
      %dma_wait3A_179 = arith.constant 0 : i32
      %dma_wait3A_180 = tpu.memref_slice %arg6[%dma_wait3A_178, %dma_wait3A_179] : memref<40x128xi32, #tpu.memory_space<vmem>> -> memref<1x128xi32, #tpu.memory_space<vmem>>
      %dma_wait3A_181 = tpu.memref_squeeze %dma_wait3A_180 : memref<1x128xi32, #tpu.memory_space<vmem>> -> memref<128xi32, #tpu.memory_space<vmem>>
      %dma_wait3A_182 = arith.constant 0 : i32
      %dma_wait3A_183 = arith.constant 0 : i32
      %dma_wait3A_184 = tpu.memref_slice %arg2[%dma_wait3A_182, %dma_wait3A_183] : memref<10240x128xf32, #tpu.memory_space<hbm>> -> memref<10240x128xf32, #tpu.memory_space<hbm>>
      tpu.wait_indirect_dma semaphore(%arg11 : memref<!tpu.dma_semaphore, #tpu.memory_space<semaphore_mem>>) src(%dma_wait3A_184 : memref<10240x128xf32, #tpu.memory_space<hbm>>) dst(%arg8 : memref<128x128xf32, #tpu.memory_space<vmem>>)
      %mul3A_185 = arith.constant 2 : i32
      %mul3A_186 = arith.muli %mul3A_185, %scan3A_144 : i32
      %dma_start3A_187 = arith.constant 0 : i32
      %dma_start3A_188 = tpu.memref_slice %arg7[%mul3A_186, %dma_start3A_187] : memref<40x128xi32, #tpu.memory_space<vmem>> -> memref<1x128xi32, #tpu.memory_space<vmem>>
      %dma_start3A_189 = tpu.memref_squeeze %dma_start3A_188 : memref<1x128xi32, #tpu.memory_space<vmem>> -> memref<128xi32, #tpu.memory_space<vmem>>
      %dma_start3A_190 = arith.constant 0 : i32
      %dma_start3A_191 = arith.constant 0 : i32
      %dma_start3A_192 = tpu.memref_slice %arg10[%dma_start3A_190, %dma_start3A_191] : memref<10240x128xf32, #tpu.memory_space<vmem_shared>> -> memref<10240x128xf32, #tpu.memory_space<vmem_shared>>
      tpu.enqueue_indirect_dma source(%arg8 : memref<128x128xf32, #tpu.memory_space<vmem>>) target(%dma_start3A_192 : memref<10240x128xf32, #tpu.memory_space<vmem_shared>>) offsets(%dma_start3A_189 : memref<128xi32, #tpu.memory_space<vmem>>) semaphore(%arg13 : memref<!tpu.dma_semaphore, #tpu.memory_space<semaphore_mem>>) {add = true}
      %dma_wait3A_193 = arith.constant 0 : i32
      %dma_wait3A_194 = arith.constant 0 : i32
      %dma_wait3A_195 = tpu.memref_slice %arg6[%dma_wait3A_193, %dma_wait3A_194] : memref<40x128xi32, #tpu.memory_space<vmem>> -> memref<1x128xi32, #tpu.memory_space<vmem>>
      %dma_wait3A_196 = tpu.memref_squeeze %dma_wait3A_195 : memref<1x128xi32, #tpu.memory_space<vmem>> -> memref<128xi32, #tpu.memory_space<vmem>>
      %dma_wait3A_197 = arith.constant 0 : i32
      %dma_wait3A_198 = arith.constant 0 : i32
      %dma_wait3A_199 = tpu.memref_slice %arg2[%dma_wait3A_197, %dma_wait3A_198] : memref<10240x128xf32, #tpu.memory_space<hbm>> -> memref<10240x128xf32, #tpu.memory_space<hbm>>
      tpu.wait_indirect_dma semaphore(%arg12 : memref<!tpu.dma_semaphore, #tpu.memory_space<semaphore_mem>>) src(%dma_wait3A_199 : memref<10240x128xf32, #tpu.memory_space<hbm>>) dst(%arg9 : memref<128x128xf32, #tpu.memory_space<vmem>>)
      %mul3A_200 = arith.constant 2 : i32
      %mul3A_201 = arith.muli %mul3A_200, %scan3A_144 : i32
      %add3A_202 = arith.constant 1 : i32
      %add3A_203 = arith.addi %mul3A_201, %add3A_202 : i32
      %dma_start3A_204 = arith.constant 0 : i32
      %dma_start3A_205 = tpu.memref_slice %arg7[%add3A_203, %dma_start3A_204] : memref<40x128xi32, #tpu.memory_space<vmem>> -> memref<1x128xi32, #tpu.memory_space<vmem>>
      %dma_start3A_206 = tpu.memref_squeeze %dma_start3A_205 : memref<1x128xi32, #tpu.memory_space<vmem>> -> memref<128xi32, #tpu.memory_space<vmem>>
      %dma_start3A_207 = arith.constant 0 : i32
      %dma_start3A_208 = arith.constant 0 : i32
      %dma_start3A_209 = tpu.memref_slice %arg10[%dma_start3A_207, %dma_start3A_208] : memref<10240x128xf32, #tpu.memory_space<vmem_shared>> -> memref<10240x128xf32, #tpu.memory_space<vmem_shared>>
      tpu.enqueue_indirect_dma source(%arg9 : memref<128x128xf32, #tpu.memory_space<vmem>>) target(%dma_start3A_209 : memref<10240x128xf32, #tpu.memory_space<vmem_shared>>) offsets(%dma_start3A_206 : memref<128xi32, #tpu.memory_space<vmem>>) semaphore(%arg14 : memref<!tpu.dma_semaphore, #tpu.memory_space<semaphore_mem>>) {add = true}
      %scan3A_210 = arith.constant 0 : i32
      scf.yield %scan3A_210 : i32
    }
    %scan3A_128 = arith.constant 19 : i32
    %dma_wait3A_129 = arith.constant 0 : i32
    %dma_wait3A_130 = arith.constant 0 : i32
    %dma_wait3A_131 = tpu.memref_slice %arg7[%dma_wait3A_129, %dma_wait3A_130] : memref<40x128xi32, #tpu.memory_space<vmem>> -> memref<1x128xi32, #tpu.memory_space<vmem>>
    %dma_wait3A_132 = tpu.memref_squeeze %dma_wait3A_131 : memref<1x128xi32, #tpu.memory_space<vmem>> -> memref<128xi32, #tpu.memory_space<vmem>>
    %dma_wait3A_133 = arith.constant 0 : i32
    %dma_wait3A_134 = arith.constant 0 : i32
    %dma_wait3A_135 = tpu.memref_slice %arg10[%dma_wait3A_133, %dma_wait3A_134] : memref<10240x128xf32, #tpu.memory_space<vmem_shared>> -> memref<10240x128xf32, #tpu.memory_space<vmem_shared>>
    tpu.wait_indirect_dma semaphore(%arg13 : memref<!tpu.dma_semaphore, #tpu.memory_space<semaphore_mem>>) src(%arg8 : memref<128x128xf32, #tpu.memory_space<vmem>>) dst(%dma_wait3A_135 : memref<10240x128xf32, #tpu.memory_space<vmem_shared>>)
    %dma_wait3A_136 = arith.constant 0 : i32
    %dma_wait3A_137 = arith.constant 0 : i32
    %dma_wait3A_138 = tpu.memref_slice %arg7[%dma_wait3A_136, %dma_wait3A_137] : memref<40x128xi32, #tpu.memory_space<vmem>> -> memref<1x128xi32, #tpu.memory_space<vmem>>
    %dma_wait3A_139 = tpu.memref_squeeze %dma_wait3A_138 : memref<1x128xi32, #tpu.memory_space<vmem>> -> memref<128xi32, #tpu.memory_space<vmem>>
    %dma_wait3A_140 = arith.constant 0 : i32
    %dma_wait3A_141 = arith.constant 0 : i32
    %dma_wait3A_142 = tpu.memref_slice %arg10[%dma_wait3A_140, %dma_wait3A_141] : memref<10240x128xf32, #tpu.memory_space<vmem_shared>> -> memref<10240x128xf32, #tpu.memory_space<vmem_shared>>
    tpu.wait_indirect_dma semaphore(%arg14 : memref<!tpu.dma_semaphore, #tpu.memory_space<semaphore_mem>>) src(%arg9 : memref<128x128xf32, #tpu.memory_space<vmem>>) dst(%dma_wait3A_142 : memref<10240x128xf32, #tpu.memory_space<vmem_shared>>)
    %barrier3A_143 = arith.constant 0 : index
    tpu.barrier barrier_id(%barrier3A_143)
    "tpu.region"() ({
      %run_scoped3A = tpu.sem_alloc : memref<!tpu.dma_semaphore, #tpu.memory_space<semaphore_mem>>
      %dma_start3A_144 = arith.constant 0 : i32
      %dma_start3A_145 = tpu.memref_slice %arg5[%arg0, %mul3A_8, %dma_start3A_144] : memref<2x10240x128xf32, #tpu.memory_space<hbm>> -> memref<1x640x128xf32, #tpu.memory_space<hbm>>
      %dma_start3A_146 = tpu.memref_squeeze %dma_start3A_145 : memref<1x640x128xf32, #tpu.memory_space<hbm>> -> memref<640x128xf32, #tpu.memory_space<hbm>>
      %dma_start3A_147 = arith.constant 0 : i32
      %dma_start3A_148 = tpu.memref_slice %arg10[%mul3A_8, %dma_start3A_147] : memref<10240x128xf32, #tpu.memory_space<vmem_shared>> -> memref<640x128xf32, #tpu.memory_space<vmem_shared>>
      tpu.enqueue_dma source(%dma_start3A_148 : memref<640x128xf32, #tpu.memory_space<vmem_shared>>) target(%dma_start3A_146 : memref<640x128xf32, #tpu.memory_space<hbm>>) target_semaphore(%run_scoped3A : memref<!tpu.dma_semaphore, #tpu.memory_space<semaphore_mem>>)
      %dma_wait3A_149 = arith.constant 0 : i32
      %dma_wait3A_150 = tpu.memref_slice %arg5[%arg0, %mul3A_8, %dma_wait3A_149] : memref<2x10240x128xf32, #tpu.memory_space<hbm>> -> memref<1x640x128xf32, #tpu.memory_space<hbm>>
      %dma_wait3A_151 = tpu.memref_squeeze %dma_wait3A_150 : memref<1x640x128xf32, #tpu.memory_space<hbm>> -> memref<640x128xf32, #tpu.memory_space<hbm>>
      %dma_wait3A_152 = arith.constant 0 : i32
      %dma_wait3A_153 = tpu.memref_slice %arg10[%mul3A_8, %dma_wait3A_152] : memref<10240x128xf32, #tpu.memory_space<vmem_shared>> -> memref<640x128xf32, #tpu.memory_space<vmem_shared>>
      tpu.wait_dma2 semaphore(%run_scoped3A : memref<!tpu.dma_semaphore, #tpu.memory_space<semaphore_mem>>) src(%dma_wait3A_153 : memref<640x128xf32, #tpu.memory_space<vmem_shared>>) dst(%dma_wait3A_151 : memref<640x128xf32, #tpu.memory_space<hbm>>)
      tpu.yield
    }) : () -> ()
    return
  }
}

module attributes {stable_mosaic.version = 14 : i64} {
  func.func @_mm_body(%arg0: i32, %arg1: memref<256x128xf32, #tpu.memory_space<vmem>>, %arg2: memref<128x128xf32, #tpu.memory_space<vmem>>, %arg3: memref<256x128xf32, #tpu.memory_space<vmem>>) attributes {dimension_semantics = [#tpu.dimension_semantics<arbitrary>], iteration_bounds = array<i64: 40>, scalar_prefetch = 0 : i64, scratch_operands = 0 : i64, tpu.core_type = #tpu.core_type<tc>, window_params = [{transform_indices = @transform_0, window_bounds = array<i64: 256, 128>}, {pipeline_mode = #tpu.pipeline_mode<synchronous>, transform_indices = @transform_1, window_bounds = array<i64: 128, 128>}, {transform_indices = @transform_2, window_bounds = array<i64: 256, 128>}]} {
    %get3A = arith.constant 0 : index
    %get3A_0 = arith.constant 0 : index
    %get3A_1 = vector.load %arg1[%get3A, %get3A_0] : memref<256x128xf32, #tpu.memory_space<vmem>>, vector<256x128xf32>
    %get3A_2 = arith.constant 0 : index
    %get3A_3 = arith.constant 0 : index
    %get3A_4 = vector.load %arg2[%get3A_2, %get3A_3] : memref<128x128xf32, #tpu.memory_space<vmem>>, vector<128x128xf32>
    %dot_general3A = arith.constant dense<0.000000e+00> : vector<256x128xf32>
    %dot_general3A_5 = tpu.matmul %get3A_1, %get3A_4, %dot_general3A {dimension_numbers = #tpu.dot_dimension_numbers<[1], [0], [0], [1], [0, 0, 1, 1], [], []>, transpose_lhs_hint = false} : vector<256x128xf32>, vector<128x128xf32>, vector<256x128xf32> -> vector<256x128xf32>
    %swap3A = arith.constant 0 : index
    %swap3A_6 = arith.constant 0 : index
    %swap3A_7 = vector.load %arg3[%swap3A, %swap3A_6] : memref<256x128xf32, #tpu.memory_space<vmem>>, vector<256x128xf32>
    tpu.vector_store %arg3[%swap3A, %swap3A_6], %dot_general3A_5 {strides = array<i32>} : memref<256x128xf32, #tpu.memory_space<vmem>>, vector<256x128xf32>,
    return
  }
  func.func @transform_0(%arg0: i32) -> (i32, i32) {
    %c0_i32 = arith.constant 0 : i32
    %c0_i32_0 = arith.constant 0 : i32
    return %arg0, %c0_i32 : i32, i32
  }
  func.func @transform_1(%arg0: i32) -> (i32, i32) {
    %c0_i32 = arith.constant 0 : i32
    %c0_i32_0 = arith.constant 0 : i32
    %c0_i32_1 = arith.constant 0 : i32
    return %c0_i32, %c0_i32_0 : i32, i32
  }
  func.func @transform_2(%arg0: i32) -> (i32, i32) {
    %c0_i32 = arith.constant 0 : i32
    %c0_i32_0 = arith.constant 0 : i32
    return %arg0, %c0_i32 : i32, i32
  }
}

module attributes {stable_mosaic.version = 14 : i64} {
  func.func @_scale_body(%arg0: i32, %arg1: memref<256x128xf32, #tpu.memory_space<vmem>>, %arg2: memref<256x128xf32, #tpu.memory_space<vmem>>, %arg3: memref<256x128xf32, #tpu.memory_space<vmem>>, %arg4: memref<256x128xf32, #tpu.memory_space<vmem>>) attributes {dimension_semantics = [#tpu.dimension_semantics<arbitrary>], iteration_bounds = array<i64: 40>, scalar_prefetch = 0 : i64, scratch_operands = 0 : i64, tpu.core_type = #tpu.core_type<tc>, window_params = [{transform_indices = @transform_0, window_bounds = array<i64: 256, 128>}, {transform_indices = @transform_1, window_bounds = array<i64: 256, 128>}, {transform_indices = @transform_2, window_bounds = array<i64: 256, 128>}, {transform_indices = @transform_3, window_bounds = array<i64: 256, 128>}]} {
    %get3A = arith.constant 0 : index
    %get3A_0 = arith.constant 0 : index
    %get3A_1 = vector.load %arg3[%get3A, %get3A_0] : memref<256x128xf32, #tpu.memory_space<vmem>>, vector<256x128xf32>
    %get3A_2 = arith.constant 0 : index
    %get3A_3 = arith.constant 0 : index
    %get3A_4 = vector.load %arg1[%get3A_2, %get3A_3] : memref<256x128xf32, #tpu.memory_space<vmem>>, vector<256x128xf32>
    %get3A_5 = arith.constant 0 : index
    %get3A_6 = arith.constant 0 : index
    %get3A_7 = vector.load %arg2[%get3A_5, %get3A_6] : memref<256x128xf32, #tpu.memory_space<vmem>>, vector<256x128xf32>
    %add3A = arith.addf %get3A_4, %get3A_7 : vector<256x128xf32>
    %add3A_8 = arith.constant 1.000000e+00 : f32
    %add3A_9 = vector.broadcast %add3A_8 : f32 to vector<256x128xf32>
    %add3A_10 = arith.addf %add3A, %add3A_9 : vector<256x128xf32>
    %rsqrt3A = math.rsqrt %add3A_10 : vector<256x128xf32>
    %mul3A = arith.mulf %get3A_1, %rsqrt3A : vector<256x128xf32>
    %swap3A = arith.constant 0 : index
    %swap3A_11 = arith.constant 0 : index
    %swap3A_12 = vector.load %arg4[%swap3A, %swap3A_11] : memref<256x128xf32, #tpu.memory_space<vmem>>, vector<256x128xf32>
    tpu.vector_store %arg4[%swap3A, %swap3A_11], %mul3A {strides = array<i32>} : memref<256x128xf32, #tpu.memory_space<vmem>>, vector<256x128xf32>,
    return
  }
  func.func @transform_0(%arg0: i32) -> (i32, i32) {
    %c0_i32 = arith.constant 0 : i32
    %c0_i32_0 = arith.constant 0 : i32
    return %arg0, %c0_i32 : i32, i32
  }
  func.func @transform_1(%arg0: i32) -> (i32, i32) {
    %c0_i32 = arith.constant 0 : i32
    %c0_i32_0 = arith.constant 0 : i32
    return %arg0, %c0_i32 : i32, i32
  }
  func.func @transform_2(%arg0: i32) -> (i32, i32) {
    %c0_i32 = arith.constant 0 : i32
    %c0_i32_0 = arith.constant 0 : i32
    return %arg0, %c0_i32 : i32, i32
  }
  func.func @transform_3(%arg0: i32) -> (i32, i32) {
    %c0_i32 = arith.constant 0 : i32
    %c0_i32_0 = arith.constant 0 : i32
    return %arg0, %c0_i32 : i32, i32
  }
}

module attributes {stable_mosaic.version = 14 : i64} {
  func.func @_mid_body(%arg0: i32, %arg1: memref<256x128xf32, #tpu.memory_space<vmem>>, %arg2: memref<256x128xf32, #tpu.memory_space<vmem>>, %arg3: memref<256x128xf32, #tpu.memory_space<vmem>>, %arg4: memref<256x128xf32, #tpu.memory_space<vmem>>, %arg5: memref<256x128xf32, #tpu.memory_space<vmem>>, %arg6: memref<1x128xf32, #tpu.memory_space<vmem>>, %arg7: memref<128x128xf32, #tpu.memory_space<vmem>>, %arg8: memref<256x128xf32, #tpu.memory_space<vmem>>) attributes {dimension_semantics = [#tpu.dimension_semantics<arbitrary>], iteration_bounds = array<i64: 40>, scalar_prefetch = 0 : i64, scratch_operands = 0 : i64, tpu.core_type = #tpu.core_type<tc>, window_params = [{transform_indices = @transform_0, window_bounds = array<i64: 256, 128>}, {transform_indices = @transform_1, window_bounds = array<i64: 256, 128>}, {transform_indices = @transform_2, window_bounds = array<i64: 256, 128>}, {transform_indices = @transform_3, window_bounds = array<i64: 256, 128>}, {transform_indices = @transform_4, window_bounds = array<i64: 256, 128>}, {pipeline_mode = #tpu.pipeline_mode<synchronous>, transform_indices = @transform_5, window_bounds = array<i64: 1, 128>}, {pipeline_mode = #tpu.pipeline_mode<synchronous>, transform_indices = @transform_6, window_bounds = array<i64: 128, 128>}, {transform_indices = @transform_7, window_bounds = array<i64: 256, 128>}]} {
    %get3A = arith.constant 0 : index
    %get3A_0 = arith.constant 0 : index
    %get3A_1 = vector.load %arg1[%get3A, %get3A_0] : memref<256x128xf32, #tpu.memory_space<vmem>>, vector<256x128xf32>
    %get3A_2 = arith.constant 0 : index
    %get3A_3 = arith.constant 0 : index
    %get3A_4 = vector.load %arg2[%get3A_2, %get3A_3] : memref<256x128xf32, #tpu.memory_space<vmem>>, vector<256x128xf32>
    %add3A = arith.addf %get3A_1, %get3A_4 : vector<256x128xf32>
    %add3A_5 = arith.constant 1.000000e+00 : f32
    %add3A_6 = vector.broadcast %add3A_5 : f32 to vector<256x128xf32>
    %add3A_7 = arith.addf %add3A, %add3A_6 : vector<256x128xf32>
    %rsqrt3A = math.rsqrt %add3A_7 : vector<256x128xf32>
    %get3A_8 = arith.constant 0 : index
    %get3A_9 = arith.constant 0 : index
    %get3A_10 = vector.load %arg3[%get3A_8, %get3A_9] : memref<256x128xf32, #tpu.memory_space<vmem>>, vector<256x128xf32>
    %get3A_11 = arith.constant 0 : index
    %get3A_12 = arith.constant 0 : index
    %get3A_13 = vector.load %arg4[%get3A_11, %get3A_12] : memref<256x128xf32, #tpu.memory_space<vmem>>, vector<256x128xf32>
    %add3A_14 = arith.addf %get3A_10, %get3A_13 : vector<256x128xf32>
    %get3A_15 = arith.constant 0 : index
    %get3A_16 = arith.constant 0 : index
    %get3A_17 = vector.load %arg5[%get3A_15, %get3A_16] : memref<256x128xf32, #tpu.memory_space<vmem>>, vector<256x128xf32>
    %add3A_18 = arith.addf %add3A_14, %get3A_17 : vector<256x128xf32>
    %mul3A = arith.mulf %add3A_18, %rsqrt3A : vector<256x128xf32>
    %get3A_19 = arith.constant 0 : index
    %get3A_20 = arith.constant 0 : index
    %get3A_21 = vector.load %arg6[%get3A_19, %get3A_20] : memref<1x128xf32, #tpu.memory_space<vmem>>, vector<1x128xf32>
    %add3A_22 = vector.broadcast %get3A_21 : vector<1x128xf32> to vector<256x128xf32>
    %add3A_23 = arith.addf %mul3A, %add3A_22 : vector<256x128xf32>
    %max3A = arith.constant 0.000000e+00 : f32
    %max3A_24 = vector.broadcast %max3A : f32 to vector<256x128xf32>
    %max3A_25 = arith.maximumf %add3A_23, %max3A_24 : vector<256x128xf32>
    %get3A_26 = arith.constant 0 : index
    %get3A_27 = arith.constant 0 : index
    %get3A_28 = vector.load %arg7[%get3A_26, %get3A_27] : memref<128x128xf32, #tpu.memory_space<vmem>>, vector<128x128xf32>
    %dot_general3A = arith.constant dense<0.000000e+00> : vector<256x128xf32>
    %dot_general3A_29 = tpu.matmul %max3A_25, %get3A_28, %dot_general3A {dimension_numbers = #tpu.dot_dimension_numbers<[1], [0], [0], [1], [0, 0, 1, 1], [], []>, transpose_lhs_hint = false} : vector<256x128xf32>, vector<128x128xf32>, vector<256x128xf32> -> vector<256x128xf32>
    %mul3A_30 = arith.mulf %dot_general3A_29, %rsqrt3A : vector<256x128xf32>
    %swap3A = arith.constant 0 : index
    %swap3A_31 = arith.constant 0 : index
    %swap3A_32 = vector.load %arg8[%swap3A, %swap3A_31] : memref<256x128xf32, #tpu.memory_space<vmem>>, vector<256x128xf32>
    tpu.vector_store %arg8[%swap3A, %swap3A_31], %mul3A_30 {strides = array<i32>} : memref<256x128xf32, #tpu.memory_space<vmem>>, vector<256x128xf32>,
    return
  }
  func.func @transform_0(%arg0: i32) -> (i32, i32) {
    %c0_i32 = arith.constant 0 : i32
    %c0_i32_0 = arith.constant 0 : i32
    return %arg0, %c0_i32 : i32, i32
  }
  func.func @transform_1(%arg0: i32) -> (i32, i32) {
    %c0_i32 = arith.constant 0 : i32
    %c0_i32_0 = arith.constant 0 : i32
    return %arg0, %c0_i32 : i32, i32
  }
  func.func @transform_2(%arg0: i32) -> (i32, i32) {
    %c0_i32 = arith.constant 0 : i32
    %c0_i32_0 = arith.constant 0 : i32
    return %arg0, %c0_i32 : i32, i32
  }
  func.func @transform_3(%arg0: i32) -> (i32, i32) {
    %c0_i32 = arith.constant 0 : i32
    %c0_i32_0 = arith.constant 0 : i32
    return %arg0, %c0_i32 : i32, i32
  }
  func.func @transform_4(%arg0: i32) -> (i32, i32) {
    %c0_i32 = arith.constant 0 : i32
    %c0_i32_0 = arith.constant 0 : i32
    return %arg0, %c0_i32 : i32, i32
  }
  func.func @transform_5(%arg0: i32) -> (i32, i32) {
    %c0_i32 = arith.constant 0 : i32
    %c0_i32_0 = arith.constant 0 : i32
    %c0_i32_1 = arith.constant 0 : i32
    return %c0_i32, %c0_i32_0 : i32, i32
  }
  func.func @transform_6(%arg0: i32) -> (i32, i32) {
    %c0_i32 = arith.constant 0 : i32
    %c0_i32_0 = arith.constant 0 : i32
    %c0_i32_1 = arith.constant 0 : i32
    return %c0_i32, %c0_i32_0 : i32, i32
  }
  func.func @transform_7(%arg0: i32) -> (i32, i32) {
    %c0_i32 = arith.constant 0 : i32
    %c0_i32_0 = arith.constant 0 : i32
    return %arg0, %c0_i32 : i32, i32
  }
}

module attributes {stable_mosaic.version = 14 : i64} {
  func.func @_final_body(%arg0: i32, %arg1: memref<256x128xf32, #tpu.memory_space<vmem>>, %arg2: memref<256x128xf32, #tpu.memory_space<vmem>>, %arg3: memref<256x128xf32, #tpu.memory_space<vmem>>, %arg4: memref<256x128xf32, #tpu.memory_space<vmem>>, %arg5: memref<256x128xf32, #tpu.memory_space<vmem>>, %arg6: memref<1x128xf32, #tpu.memory_space<vmem>>, %arg7: memref<256x128xf32, #tpu.memory_space<vmem>>) attributes {dimension_semantics = [#tpu.dimension_semantics<arbitrary>], iteration_bounds = array<i64: 40>, scalar_prefetch = 0 : i64, scratch_operands = 0 : i64, tpu.core_type = #tpu.core_type<tc>, window_params = [{transform_indices = @transform_0, window_bounds = array<i64: 256, 128>}, {transform_indices = @transform_1, window_bounds = array<i64: 256, 128>}, {transform_indices = @transform_2, window_bounds = array<i64: 256, 128>}, {transform_indices = @transform_3, window_bounds = array<i64: 256, 128>}, {transform_indices = @transform_4, window_bounds = array<i64: 256, 128>}, {pipeline_mode = #tpu.pipeline_mode<synchronous>, transform_indices = @transform_5, window_bounds = array<i64: 1, 128>}, {transform_indices = @transform_6, window_bounds = array<i64: 256, 128>}]} {
    %get3A = arith.constant 0 : index
    %get3A_0 = arith.constant 0 : index
    %get3A_1 = vector.load %arg1[%get3A, %get3A_0] : memref<256x128xf32, #tpu.memory_space<vmem>>, vector<256x128xf32>
    %get3A_2 = arith.constant 0 : index
    %get3A_3 = arith.constant 0 : index
    %get3A_4 = vector.load %arg2[%get3A_2, %get3A_3] : memref<256x128xf32, #tpu.memory_space<vmem>>, vector<256x128xf32>
    %add3A = arith.addf %get3A_1, %get3A_4 : vector<256x128xf32>
    %add3A_5 = arith.constant 1.000000e+00 : f32
    %add3A_6 = vector.broadcast %add3A_5 : f32 to vector<256x128xf32>
    %add3A_7 = arith.addf %add3A, %add3A_6 : vector<256x128xf32>
    %rsqrt3A = math.rsqrt %add3A_7 : vector<256x128xf32>
    %get3A_8 = arith.constant 0 : index
    %get3A_9 = arith.constant 0 : index
    %get3A_10 = vector.load %arg3[%get3A_8, %get3A_9] : memref<256x128xf32, #tpu.memory_space<vmem>>, vector<256x128xf32>
    %get3A_11 = arith.constant 0 : index
    %get3A_12 = arith.constant 0 : index
    %get3A_13 = vector.load %arg4[%get3A_11, %get3A_12] : memref<256x128xf32, #tpu.memory_space<vmem>>, vector<256x128xf32>
    %add3A_14 = arith.addf %get3A_10, %get3A_13 : vector<256x128xf32>
    %get3A_15 = arith.constant 0 : index
    %get3A_16 = arith.constant 0 : index
    %get3A_17 = vector.load %arg5[%get3A_15, %get3A_16] : memref<256x128xf32, #tpu.memory_space<vmem>>, vector<256x128xf32>
    %add3A_18 = arith.addf %add3A_14, %get3A_17 : vector<256x128xf32>
    %mul3A = arith.mulf %add3A_18, %rsqrt3A : vector<256x128xf32>
    %get3A_19 = arith.constant 0 : index
    %get3A_20 = arith.constant 0 : index
    %get3A_21 = vector.load %arg6[%get3A_19, %get3A_20] : memref<1x128xf32, #tpu.memory_space<vmem>>, vector<1x128xf32>
    %add3A_22 = vector.broadcast %get3A_21 : vector<1x128xf32> to vector<256x128xf32>
    %add3A_23 = arith.addf %mul3A, %add3A_22 : vector<256x128xf32>
    %reduce_max3A = arith.constant dense<0xFF800000> : vector<256xf32>
    %reduce_max3A_24 = vector.multi_reduction <maximumf>, %add3A_23, %reduce_max3A [1] : vector<256x128xf32> to vector<256xf32>
    %broadcast_in_dim3A = vector.shape_cast %reduce_max3A_24 : vector<256xf32> to vector<256x1xf32>
    %sub3A = vector.broadcast %broadcast_in_dim3A : vector<256x1xf32> to vector<256x128xf32>
    %sub3A_25 = arith.subf %add3A_23, %sub3A : vector<256x128xf32>
    %exp3A = math.exp %sub3A_25 : vector<256x128xf32>
    %reduce_sum3A = arith.constant dense<0.000000e+00> : vector<256xf32>
    %reduce_sum3A_26 = vector.multi_reduction <add>, %exp3A, %reduce_sum3A [1] : vector<256x128xf32> to vector<256xf32>
    %broadcast_in_dim3A_27 = vector.shape_cast %reduce_sum3A_26 : vector<256xf32> to vector<256x1xf32>
    %log3A = math.log %broadcast_in_dim3A_27 : vector<256x1xf32>
    %sub3A_28 = vector.broadcast %log3A : vector<256x1xf32> to vector<256x128xf32>
    %sub3A_29 = arith.subf %sub3A_25, %sub3A_28 : vector<256x128xf32>
    %swap3A = arith.constant 0 : index
    %swap3A_30 = arith.constant 0 : index
    %swap3A_31 = vector.load %arg7[%swap3A, %swap3A_30] : memref<256x128xf32, #tpu.memory_space<vmem>>, vector<256x128xf32>
    tpu.vector_store %arg7[%swap3A, %swap3A_30], %sub3A_29 {strides = array<i32>} : memref<256x128xf32, #tpu.memory_space<vmem>>, vector<256x128xf32>,
    return
  }
  func.func @transform_0(%arg0: i32) -> (i32, i32) {
    %c0_i32 = arith.constant 0 : i32
    %c0_i32_0 = arith.constant 0 : i32
    return %arg0, %c0_i32 : i32, i32
  }
  func.func @transform_1(%arg0: i32) -> (i32, i32) {
    %c0_i32 = arith.constant 0 : i32
    %c0_i32_0 = arith.constant 0 : i32
    return %arg0, %c0_i32 : i32, i32
  }
  func.func @transform_2(%arg0: i32) -> (i32, i32) {
    %c0_i32 = arith.constant 0 : i32
    %c0_i32_0 = arith.constant 0 : i32
    return %arg0, %c0_i32 : i32, i32
  }
  func.func @transform_3(%arg0: i32) -> (i32, i32) {
    %c0_i32 = arith.constant 0 : i32
    %c0_i32_0 = arith.constant 0 : i32
    return %arg0, %c0_i32 : i32, i32
  }
  func.func @transform_4(%arg0: i32) -> (i32, i32) {
    %c0_i32 = arith.constant 0 : i32
    %c0_i32_0 = arith.constant 0 : i32
    return %arg0, %c0_i32 : i32, i32
  }
  func.func @transform_5(%arg0: i32) -> (i32, i32) {
    %c0_i32 = arith.constant 0 : i32
    %c0_i32_0 = arith.constant 0 : i32
    %c0_i32_1 = arith.constant 0 : i32
    return %c0_i32, %c0_i32_0 : i32, i32
  }
  func.func @transform_6(%arg0: i32) -> (i32, i32) {
    %c0_i32 = arith.constant 0 : i32
    %c0_i32_0 = arith.constant 0 : i32
    return %arg0, %c0_i32 : i32, i32
  }
}

</mosaic_0001>

<sc_bundles>
// kernel: kernel.12.cloned.1.call-start
scs
__scs_entry_jumppad:
0x0: {  	(pc) =	sbr.rel $0x88, $3  }
0x1: {  	(tag) =	ssettag $0x0;
	lr =	simm.s32 $0x1  }
0x2: {  	[smem:$0x3F9B] =	sst lr;
	_ =	strace $0xD0000000  }
0x3: {  	_ = 	snop  }
0x4: {  	_ = 	snop  }
0x5: {  	_ = 	snop  }
0x6: {  	_ = 	snop  }
0x7: {  	_ = 	snop  }
__scs_overlays_trampoline_lowered:
0x8: {  	[smem:$0x3FAA] =	sst s0  }
0x9: {  	[smem:$0x3FAB] =	sst s1  }
0xa: {  	[smem:$0x3FAC] =	sst s2  }
0xb: {  	[smem:$0x3FAD] =	sst s3  }
0xc: {  	[smem:$0x3FAE] =	sst s4  }
0xd: {  	[smem:$0x3FAF] =	sst s5  }
0xe: {  	[smem:$0x3FB0] =	sst s6  }
0xf: {  	[smem:$0x3FB1] =	sst s7  }
0x10: {  	[smem:$0x3FB2] =	sst s8  }
0x11: {  	[smem:$0x3FB3] =	sst s9;
	s0 =	simm.s32 @!p0 $0x0  }
0x12: {  	s1 =	sld [smem:$0x3F99];
	s0 =	simm.s32 @p0 $0x1  }
0x13: {  	[smem:$0x3FB4] =	sst s0;
	s0 =	simm.s32 @!p1 $0x0  }
0x14: {  	s2 =	sld [smem:$0x3F98];
	s0 =	simm.s32 @p1 $0x1  }
0x15: {  	[smem:$0x3FB5] =	sst s0;
	s0 =	simm.s32 @!p2 $0x0  }
0x16: {  	s3 =	sld [smem:$0x3FDB];
	s0 =	simm.s32 @p2 $0x1  }
0x17: {  	s4 =	simm.s32 $0x1BF5;
	[smem:$0x3FB7] =	sst s0  }
0x18: {  	s0 =	sld [smem:$0x3F9A];
	_ =	swait.ge [sflag:s4], $0x0  }
0x19: {  	s7 =	sld [smem:$0x3F9B]  }
0x1a: {  	s8 =	sadd.s32 $0xFFFFE003, lr  }
0x1b: {  	s9 =	sadd.s32 $0xFFFFFEF7, lr;
	s5 =	simm.s32 $0xFFFFFFFF;
	p2 =	slt.u32 s8, $0xFFFFF086  }
0x1c: {  	p1 =	slt.u32 s9, $0xF7A;
	s5 =	simm.s32 @!p2 $0x0  }
0x1d: {  	s5 =	simm.s32 @p1 $0x1;
	p0 =	seq.s32 s7, s2  }
0x1e: {  	s7 =	smul.u32 @!p0 $0xF7A, s2;
	p2 =	seq.s32 @!p0 s5, $0x0  }
0x1f: {  	s9 =	smul.u32 $0xF7A, s1;
	s8 =	simm.s32 @!p0 $0x1BF5;
	p2 =	por !p2, p0  }
0x20: {  	[sflag:s8] =	ssyncset.s32 @!p0 $0xFFFFF086;
	s6 =	sadd.s32 @!p0 s3, s7;
	s7 =	simm.s32 @!p0 $0x108  }
0x21: {  	s3 =	sadd.s32 s3, s9;
	s6 =	sadd.s32 @!p0 $0x88, s6;
	s7 =	simm.s32 @p2 $0x1082  }
0x22: {  	[simem:s7], [sflag:s8] =	dma.local @!p0 [hbm:s6], $0xF7A  }
0x23: {  	s9 =	sor.u32 $0xD0000000, s2;
	s6 =	simm.s32 $0x108;
	_ =	swait.ge @!p0 [sflag:s8], $0x0  }
0x24: {  	s3 =	sadd.s32 $0x88, s3;
	s6 =	simm.s32 @!p1 $0x1082;
	[sflag:s4] =	ssyncset.s32 $0xFFFFF086  }
0x25: {  	[simem:s6], [sflag:s4] =	dma.local [hbm:s3], $0xF7A  }
0x26: {  	[smem:$0x3F9B] =	sst s1;
	(tag) =	ssettag s2;
	_ =	strace s9  }
0x27: {  	s1 =	sld [smem:$0x3FAB]  }
0x28: {  	s2 =	sld [smem:$0x3FAC]  }
0x29: {  	s4 =	sld [smem:$0x3FAE]  }
0x2a: {  	p0 =	seq.s32 s5, $0x0;
	s5 =	sld [smem:$0x3FAF]  }
0x2b: {  	s6 =	sld [smem:$0x3FB0]  }
0x2c: {  	s7 =	sld [smem:$0x3FB1]  }
0x2d: {  	s3 =	simm.s32 $0x108;
	s8 =	sld [smem:$0x3FB2]  }
0x2e: {  	s3 =	simm.s32 @!p0 $0x1082;
	s9 =	sld [smem:$0x3FB3]  }
0x2f: {  	lr =	sadd.s32 s0, s3;
	s0 =	sld [smem:$0x3FAA]  }
0x30: {  	s3 =	sld [smem:$0x3FAD]  }
0x31: {  	[smem:$0x3FB6] =	sst s10  }
0x32: {  	s10 =	sld [smem:$0x3FB4];
	_ =	sdelay $0x3  }
0x33: {  	p0 =	seq.s32 s10, $0x1;
	s10 =	sld [smem:$0x3FB6];
	_ =	sdelay $0x3  }
0x34: {  	[smem:$0x3FB6] =	sst s10  }
0x35: {  	s10 =	sld [smem:$0x3FB5];
	_ =	sdelay $0x3  }
0x36: {  	p1 =	seq.s32 s10, $0x1;
	s10 =	sld [smem:$0x3FB6];
	_ =	sdelay $0x3  }
0x37: {  	[smem:$0x3FB6] =	sst s10  }
0x38: {  	s10 =	sld [smem:$0x3FB7]  }
0x39: {  	_ = 	snop;
	(pc) =	sbr.ind lr, $3  }
0x3a: {  	_ = 	snop  }
0x3b: {  	_ = 	snop  }
0x3c: {  	p2 =	seq.s32 s10, $0x1;
	s10 =	sld [smem:$0x3FB6]  }
0x3d: {  	_ =	shalt  }
0x3e: {  	_ =	shalt  }
0x3f: {  	_ =	shalt  }
0x40: {  	_ =	shalt  }
0x41: {  	_ =	shalt  }
0x42: {  	_ =	shalt  }
0x43: {  	_ =	shalt  }
0x44: {  	_ =	shalt  }
0x45: {  	_ =	shalt  }
0x46: {  	_ =	shalt  }
0x47: {  	_ =	shalt  }
0x48: {  	_ =	shalt  }
0x49: {  	_ =	shalt  }
0x4a: {  	_ =	shalt  }
0x4b: {  	_ =	shalt  }
0x4c: {  	_ =	shalt  }
0x4d: {  	_ =	shalt  }
0x4e: {  	_ =	shalt  }
0x4f: {  	_ =	shalt  }
0x50: {  	_ =	shalt  }
0x51: {  	_ =	shalt  }
0x52: {  	_ =	shalt  }
0x53: {  	_ =	shalt  }
0x54: {  	_ =	shalt  }
0x55: {  	_ =	shalt  }
0x56: {  	_ =	shalt  }
0x57: {  	_ =	shalt  }
0x58: {  	_ =	shalt  }
0x59: {  	_ =	shalt  }
0x5a: {  	_ =	shalt  }
0x5b: {  	_ =	shalt  }
0x5c: {  	_ =	shalt  }
0x5d: {  	_ =	shalt  }
0x5e: {  	_ =	shalt  }
0x5f: {  	_ =	shalt  }
0x60: {  	_ =	shalt  }
0x61: {  	_ =	shalt  }
0x62: {  	_ =	shalt  }
0x63: {  	_ =	shalt  }
0x64: {  	_ =	shalt  }
0x65: {  	_ =	shalt  }
0x66: {  	_ =	shalt  }
0x67: {  	_ =	shalt  }
0x68: {  	_ =	shalt  }
0x69: {  	_ =	shalt  }
0x6a: {  	_ =	shalt  }
0x6b: {  	_ =	shalt  }
0x6c: {  	_ =	shalt  }
0x6d: {  	_ =	shalt  }
0x6e: {  	_ =	shalt  }
0x6f: {  	_ =	shalt  }
0x70: {  	_ =	shalt  }
0x71: {  	_ =	shalt  }
0x72: {  	_ =	shalt  }
0x73: {  	_ =	shalt  }
0x74: {  	_ =	shalt  }
0x75: {  	_ =	shalt  }
0x76: {  	_ =	shalt  }
0x77: {  	_ =	shalt  }
0x78: {  	_ =	shalt  }
0x79: {  	_ =	shalt  }
0x7a: {  	_ =	shalt  }
0x7b: {  	_ =	shalt  }
0x7c: {  	_ =	shalt  }
0x7d: {  	_ =	shalt  }
0x7e: {  	_ =	shalt  }
0x7f: {  	_ =	shalt  }
0x80: {  	_ =	shalt  }
0x81: {  	_ =	shalt  }
0x82: {  	_ =	shalt  }
0x83: {  	_ =	shalt  }
0x84: {  	_ =	shalt  }
0x85: {  	_ =	shalt  }
0x86: {  	_ =	shalt  }
0x87: {  	_ =	shalt  }
.Lfunc_end0:
.L_simem_size_0:
called_computation.1_lowered:
.L_overlay_start_0:
0x88: {  	s2 =	sld [smem:$0x3FD9]  }
0x89: {  	s3 =	sld [smem:$0x3FFE];
	_ =	sdelay $0x1  }
0x8a: {  	s1 =	srdreg.scid  }
0x8b: {  	s0 =	sand.u32 $0x1, s1  }
0x8c: {  	s17 =	sshll.u32 s0, $0xA;
	s2 =	sadd.s32 s3, s2  }
0x8d: {  	s2 =	sadd.s32 s2, s17  }
0x8e: {  	[smem:$0x3FC2] =	sst s2  }
0x8f: {  	_ = 	snop  }
0x90: {  	s2 =	sld [smem:$0x3FD0];
	(tm) =	ssettm $0x1  }
0x91: {  	s18 =	sld [smem:$0x3FFB];
	_ =	sdelay $0x3  }
0x92: {  	_ =	strace s18  }
0x93: {  	s3 =	sld [smem:$0x3FFC];
	_ =	sdelay $0x3  }
0x94: {  	_ =	strace s3  }
0x95: {  	s3 =	sld [smem:$0x3FFD];
	_ =	sdelay $0x3  }
0x96: {  	_ =	strace s3  }
0x97: {  	_ =	strace $0x8FFFFFFF  }
0x98: {  	s19 =	sld [smem:$0x3FDB];
	_ =	sdelay $0x1  }
0x99: {  	s4 =	simm.s32 $_scs_section_size  }
0x9a: {  	s5 =	simm.s32 $_size__tile_overlayer_lowered;
	s6 =	simm.s32 $_tile_overlayer_lowered  }
0x9b: {  	s22 =	simm.s32 $0x1BFF;
	s21 =	sshll.u32 s6, $0x1;
	s3 =	sadd.s32 s4, s19  }
0x9c: {  	s7 =	simm.s32 $0x0;
	s20 =	sshll.u32 s5, $0x1;
	s5 =	sadd.s32 s21, s3  }
0x9d: {  	[timem:s7], [sflag:s22] =	dma.local [hbm:s5], s20  }
0x9e: {  	_ =	swait.ge [sflag:s22], s20  }
0x9f: {  	s4 =	ssub.s32 $0x0, s20;
	[sflag:s22] =	ssyncset.done $0x0  }
0xa0: {  	[sflag:s22] =	ssyncadd.s32 s4;
	_ =	sdelay $0x1  }
0xa1: {  	s23 =	simm.s32 $0x1B8B  }
0xa2: {  	_ =	swait.ge [sflag:s23], $0x1  }
0xa3: {  	[sflag:s23] =	ssyncset.done $0x0  }
0xa4: {  	s25 =	simm.s32 $0x1B8E;
	s24 =	sld [smem:$0x3FFE];
	[sflag:s23] =	ssyncadd.s32 $0xFFFFFFFF  }
0xa5: {  	s26 =	simm.s32 $execute0_lowered;
	[smem:$0x3FD2] =	sst s25  }
0xa6: {  	s5 =	sshll.u32 s26, $0x1;
	_ =	strace $0x80000049;
	[dreg:$0x1] =	wrdreg $0xFFFFFFFF  }
0xa7: {  	s28 =	simm.s32 $_size_execute0_lowered;
	s3 =	sadd.s32 s3, s5;
	[dreg:$0x0] =	wrdreg $0x0  }
0xa8: {  	s5 =	sshll.u32 s28, $0x1;
	[dreg:$0x2] =	wrdreg s3  }
0xa9: {  	[dreg:$0x3] =	wrdreg s5  }
0xaa: {  	[dreg:$0x4] =	wrdreg $0xC0  }
0xab: {  	_ =	task [dreg:s7], $0x5FFFF  }
0xac: {  	[dreg:$0x1] =	wrdreg $0xFFFFFFFF  }
0xad: {  	[dreg:$0x0] =	wrdreg $0x60  }
0xae: {  	[dreg:$0x2] =	wrdreg s24  }
0xaf: {  	[dreg:$0x3] =	wrdreg s2  }
0xb0: {  	[dreg:$0x4] =	wrdreg $0xA8000  }
0xb1: {  	[dreg:$0x5] =	wrdreg $0x9  }
0xb2: {  	_ =	task.clear_ibuf [dreg:s7], $0x6FFFF;
	_ =	strace $0x90000049  }
0xb3: {  	s29 =	simm.s32 $0x9;
	_ =	strace $0x8000004B  }
0xb4: {  	_ =	swait.ge [sflag:s29], $0x1  }
0xb5: {  	[sflag:s29] =	ssyncadd.s32 $0xFFFFFFFF  }
0xb6: {  	_ =	strace $0x9000004B  }
0xb7: {  	_ =	sfence  }
0xb8: {  	s30 =	sld [smem:$0x0];
	_ =	sdelay $0x2  }
0xb9: {  	s31 =	sshll.u32 s1, $0xD;
	s1 =	sshrl.u32 s1, $0x2  }
0xba: {  	s3 =	sand.u32 $0x4000, s31;
	s1 =	sadd.s32 s1, s30  }
0xbb: {  	s0 =	sor.u32 s3, s0;
	s1 =	sshll.u32 s1, $0x11  }
0xbc: {  	s0 =	sor.u32 s1, s0  }
0xbd: {  	s0 =	sadd.s32 $0x8F2B, s0  }
0xbe: {  	[sflag:s0] =	ssyncadd.remote.s32 $0x1  }
0xbf: {  	_ =	sfence.sel $0xFFFF  }
0xc0: {  	[dreg:$0x0] =	wrdreg $0xFFFFFFFF;
	(pc) =	sbr.abs _section_cstart, $3  }
0xc1: {  	[dreg:$0x1] =	wrdreg $0xFFFFFFFF  }
0xc2: {  	_ =	task.clear_ibuf [dreg:s7], $0x2FFFF;
	_ =	strace $0x9FFFFFFF  }
0xc3: {  	(tm) =	ssettm $0x7FFFFFFF  }
tec
execute0_lowered:
.L_overlay_start_1:
0x0: {  	(tag) =	ssettag $0x1  }
0x1: {  	s5 =	rddreg [dreg:$0x0]  }
0x2: {  	s13 =	rddreg [dreg:$0x1]  }
0x3: {  	s0 =	srdreg.scid;
	s2 =	rddreg [dreg:$0x2]  }
0x4: {  	s1 =	stileid.u32;
	s3 =	simm.s32 $0x0;
	s17 =	simm.s32 $0x5  }
0x5: {  	s18 =	simm.s32 $0x1400;
	s19 =	simm.s32 $0x80;
	s20 =	simm.s32 $0x6800  }
0x6: {  	s21 =	simm.s32 $0x1;
	s22 =	simm.s32 $0x2;
	s23 =	simm.s32 $0x1480  }
0x7: {  	s24 =	simm.s32 $0x3;
	s25 =	simm.s32 $0x4;
	s26 =	simm.s32 $0x0  }
0x8: {  	s6 =	sand.u32 $0x1, s0;
	s0 =	rddreg [dreg:$0x3];
	s7 =	smul.u32 $0x14000, s1  }
0x9: {  	[smem:$0x7FF] =	sst s3;
	s8 =	smul.u32 $0x50000, s1;
	s12 =	sadd.s32 $0x2000, s5  }
0xa: {  	s4 =	smul.u32 $0x140000, s6;
	_ =	strace $0x8000004A;
	s28 =	sshll.u32 s6, $0x4  }
0xb: {  	s6 =	ssub.s32 $0x2, s6;
	s29 =	sor.u32 s1, s28;
	s30 =	sshrl.u32 s8, $0x2  }
0xc: {  	s31 =	sshrl.u32 s6, $0x1;
	s7 =	sadd.s32 s7, s4;
	s4 =	sadd.s32 $0xC000, s5  }
0xd: {  	s10 =	smul.u32 $0x2800, s29;
	s15 =	ssub.s32 s6, s31;
	s7 =	sshrl.u32 s7, $0x3  }
0xe: {  	s15 =	smax.u32 s15, $0x1;
	s14 =	sadd.s32 s7, s5;
	s5 =	sadd.s32 s30, s2  }
0xf: {  	s16 =	sshrl.u32 s10, $0x3;
	s6 =	sadd.s32 $0x4000, s5;
	s7 =	sadd.s32 $0x8000, s5  }
0x10: {  	s8 =	sadd.s32 $0xC000, s5;
	s9 =	sadd.s32 $0x10000, s5;
	s10 =	sadd.s32 s12, s16  }
0x11: {  	s11 =	sadd.s32 s13, s16;
	s16 =	sadd.s32 $0x280, s16;
	s14 =	sadd.s32 $0x34000, s14  }
0x12: {  	v0 =	vimm.f32 $0.0e+00;
	s12 =	sadd.s32 s12, s16;
	s13 =	sadd.s32 s13, s16;
	s16 =	simm.s32 $0x2800  }
.LBB2_1:
0x13: {  	s28 =	simm.s32 $0x0;
	s29 =	simm.s32 $0x200  }
.LBB2_2:
0x14: {  	p0 =	sne.s32 s29, $0xFE00;
	[tilespmem:s28+$0x2870] =	vst v0  }
0x15: {  	[tilespmem:s28+$0x2800] =	vst v0  }
0x16: {  	[tilespmem:s28+$0x2810] =	vst v0  }
.Ltmp0:
0x17: {  	[tilespmem:s28+$0x2820] =	vst v0;
	(pc) =	sbr.rel @p0 .LBB2_2-.Ltmp0, $4  }
0x18: {  	[tilespmem:s28+$0x2830] =	vst v0  }
0x19: {  	[tilespmem:s28+$0x2840] =	vst v0  }
0x1a: {  	[tilespmem:s28+$0x2850] =	vst v0  }
0x1b: {  	[tilespmem:s28+$0x2860] =	vst v0;
	s28 =	sshra.s32 s29, $0x2;
	s29 =	sadd.s32 $0x200, s29  }
0x1c: {  	[tilespmem:s28+$0x2870] =	vst v0  }
0x1d: {  	[tilespmem:s28+$0x2800] =	vst v0  }
0x1e: {  	[tilespmem:s28+$0x2810] =	vst v0  }
0x1f: {  	[tilespmem:s28+$0x2820] =	vst v0  }
0x20: {  	[tilespmem:s28+$0x2830] =	vst v0  }
0x21: {  	[tilespmem:s28+$0x2840] =	vst v0  }
0x22: {  	[tilespmem:s28+$0x2850] =	vst v0  }
0x23: {  	[tilespmem:s28+$0x2860] =	vst v0  }
0x24: {  	[spmem:s5] =	stream.linear.scatter [tilespmem:s16], [sflag:$0x5], $0x4000, $0x38;
	[tilespmem:$0x1E800] =	vst v63  }
0x25: {  	_ =	swait.ge [sflag:s17], $0x4000  }
0x26: {  	[sflag:s17] =	ssyncset.done $0x0  }
0x27: {  	[sflag:s17] =	ssyncadd.s32 $0xFFFFC000  }
0x28: {  	[spmem:s6] =	stream.linear.scatter [tilespmem:s16], [sflag:$0x5], $0x4000, $0x38;
	[tilespmem:$0x1E800] =	vst v63  }
0x29: {  	_ =	swait.ge [sflag:s17], $0x4000  }
0x2a: {  	[sflag:s17] =	ssyncset.done $0x0  }
0x2b: {  	[sflag:s17] =	ssyncadd.s32 $0xFFFFC000  }
0x2c: {  	[spmem:s7] =	stream.linear.scatter [tilespmem:s16], [sflag:$0x5], $0x4000, $0x38;
	[tilespmem:$0x1E800] =	vst v63  }
0x2d: {  	_ =	swait.ge [sflag:s17], $0x4000  }
0x2e: {  	[sflag:s17] =	ssyncset.done $0x0  }
0x2f: {  	[sflag:s17] =	ssyncadd.s32 $0xFFFFC000  }
0x30: {  	[spmem:s8] =	stream.linear.scatter [tilespmem:s16], [sflag:$0x5], $0x4000, $0x38;
	[tilespmem:$0x1E800] =	vst v63  }
0x31: {  	_ =	swait.ge [sflag:s17], $0x4000  }
0x32: {  	[sflag:s17] =	ssyncset.done $0x0  }
0x33: {  	[sflag:s17] =	ssyncadd.s32 $0xFFFFC000  }
0x34: {  	[spmem:s9] =	stream.linear.scatter [tilespmem:s16], [sflag:$0x5], $0x4000, $0x38;
	[tilespmem:$0x1E800] =	vst v63  }
0x35: {  	_ =	swait.ge [sflag:s17], $0x4000  }
0x36: {  	[sflag:s17] =	ssyncset.done $0x0  }
0x37: {  	[sflag:s17] =	ssyncadd.s32 $0xFFFFC000  }
0x38: {  	[bflag:$0x0] =	sbarrier.arrive $0xFFFF  }
0x39: {  	[tilespmem:s3], [sflag:$0x5] =	stream.linear.gather [hbm4b:s10+s3], $0x1400, $0x38;
	[tilespmem:$0x1E800] =	vst v63  }
0x3a: {  	_ =	swait.ge [sflag:s17], $0x1400  }
0x3b: {  	[sflag:s17] =	ssyncset.done $0x0  }
0x3c: {  	[sflag:s17] =	ssyncadd.s32 $0xFFFFEC00  }
0x3d: {  	[tilespmem:s18], [sflag:$0x5] =	stream.linear.gather [hbm4b:s11+s3], $0x1400, $0x38;
	[tilespmem:$0x1E800] =	vst v63  }
0x3e: {  	_ =	swait.ge [sflag:s17], $0x1400  }
0x3f: {  	[sflag:s17] =	ssyncset.done $0x0  }
0x40: {  	[sflag:s17] =	ssyncadd.s32 $0xFFFFEC00  }
0x41: {  	[tilespmem:s16], [sflag:$0x1] =	stream.indirect.gather [hbm4b:s4+s19], $0x80, s3, s19, $0xb8;
	[tilespmem:$0x1E800] =	vst v63  }
0x42: {  	_ = 	snop  }
0x43: {  	[tilespmem:s20], [sflag:$0x2] =	stream.indirect.gather [hbm4b:s4+s19], $0x80, s19, s19, $0xb8;
	[tilespmem:$0x1E800] =	vst v63  }
0x44: {  	_ =	swait.ge [sflag:s21], $0x4000  }
0x45: {  	[sflag:s21] =	ssyncset.done $0x0  }
0x46: {  	[sflag:s21] =	ssyncadd.s32 $0xFFFFC000  }
0x47: {  	[spmem:s2] =	stream.indirect.scatter.add.f32 [tilespmem:s16], [sflag:$0x3], $0x80, s18, s19, $0xb8;
	[tilespmem:$0x1E800] =	vst v63  }
0x48: {  	_ =	swait.ge [sflag:s22], $0x4000  }
0x49: {  	[sflag:s22] =	ssyncset.done $0x0  }
0x4a: {  	[sflag:s22] =	ssyncadd.s32 $0xFFFFC000  }
0x4b: {  	[spmem:s2] =	stream.indirect.scatter.add.f32 [tilespmem:s20], [sflag:$0x4], $0x80, s23, s19, $0xb8;
	[tilespmem:$0x1E800] =	vst v63  }
0x4c: {  	_ =	swait.ge [sflag:s24], $0x4000  }
0x4d: {  	[sflag:s24] =	ssyncset.done $0x0  }
0x4e: {  	s28 =	simm.s32 $0x100;
	[sflag:s24] =	ssyncadd.s32 $0xFFFFC000  }
0x4f: {  	[tilespmem:s16], [sflag:$0x1] =	stream.indirect.gather [hbm4b:s4+s19], $0x80, s28, s19, $0xb8;
	[tilespmem:$0x1E800] =	vst v63  }
0x50: {  	_ =	swait.ge [sflag:s25], $0x4000  }
0x51: {  	[sflag:s25] =	ssyncset.done $0x0  }
0x52: {  	s28 =	simm.s32 $0x180;
	[sflag:s25] =	ssyncadd.s32 $0xFFFFC000  }
0x53: {  	[tilespmem:s20], [sflag:$0x2] =	stream.indirect.gather [hbm4b:s4+s19], $0x80, s28, s19, $0xb8;
	[tilespmem:$0x1E800] =	vst v63  }
0x54: {  	_ =	swait.ge [sflag:s21], $0x4000  }
0x55: {  	[sflag:s21] =	ssyncset.done $0x0  }
0x56: {  	s28 =	simm.s32 $0x1500;
	[sflag:s21] =	ssyncadd.s32 $0xFFFFC000  }
0x57: {  	[spmem:s2] =	stream.indirect.scatter.add.f32 [tilespmem:s16], [sflag:$0x3], $0x80, s28, s19, $0xb8;
	[tilespmem:$0x1E800] =	vst v63  }
0x58: {  	_ =	swait.ge [sflag:s22], $0x4000  }
0x59: {  	[sflag:s22] =	ssyncset.done $0x0  }
0x5a: {  	s29 =	simm.s32 $0x1580;
	s28 =	simm.s32 $0xFFFFB800;
	[sflag:s22] =	ssyncadd.s32 $0xFFFFC000  }
.LBB2_4:
0x5b: {  	[spmem:s2] =	stream.indirect.scatter.add.f32 [tilespmem:s20], [sflag:$0x4], $0x80, s29, s19, $0xb8;
	[tilespmem:$0x1E800] =	vst v63  }
0x5c: {  	s29 =	smov.u32 s28  }
0x5d: {  	p0 =	sne.s32 s28, $0xFFFFFC00;
	s28 =	sadd.s32 $0x400, s28;
	_ =	swait.ge [sflag:s24], $0x4000  }
0x5e: {  	s29 =	sshra.s32 s29, $0x2;
	[sflag:s24] =	ssyncset.done $0x0  }
0x5f: {  	s30 =	sadd.s32 $0x1400, s29;
	[sflag:s24] =	ssyncadd.s32 $0xFFFFC000  }
0x60: {  	[tilespmem:s16], [sflag:$0x1] =	stream.indirect.gather [hbm4b:s4+s19], $0x80, s30, s19, $0xb8;
	[tilespmem:$0x1E800] =	vst v63  }
0x61: {  	_ =	swait.ge [sflag:s25], $0x4000  }
0x62: {  	[sflag:s25] =	ssyncset.done $0x0  }
0x63: {  	s30 =	sadd.s32 $0x1480, s29;
	[sflag:s25] =	ssyncadd.s32 $0xFFFFC000  }
0x64: {  	[tilespmem:s20], [sflag:$0x2] =	stream.indirect.gather [hbm4b:s4+s19], $0x80, s30, s19, $0xb8;
	[tilespmem:$0x1E800] =	vst v63  }
0x65: {  	_ =	swait.ge [sflag:s21], $0x4000  }
0x66: {  	[sflag:s21] =	ssyncset.done $0x0  }
.Ltmp1:
0x67: {  	s30 =	sadd.s32 $0x2800, s29;
	[sflag:s21] =	ssyncadd.s32 $0xFFFFC000;
	(pc) =	sbr.rel @p0 .LBB2_4-.Ltmp1, $4  }
0x68: {  	[spmem:s2] =	stream.indirect.scatter.add.f32 [tilespmem:s16], [sflag:$0x3], $0x80, s30, s19, $0xb8;
	[tilespmem:$0x1E800] =	vst v63  }
0x69: {  	_ =	swait.ge [sflag:s22], $0x4000  }
0x6a: {  	[sflag:s22] =	ssyncset.done $0x0  }
0x6b: {  	s29 =	sadd.s32 $0x2880, s29;
	[sflag:s22] =	ssyncadd.s32 $0xFFFFC000  }
0x6c: {  	[spmem:s2] =	stream.indirect.scatter.add.f32 [tilespmem:s20], [sflag:$0x4], $0x80, s29, s19, $0xb8;
	[tilespmem:$0x1E800] =	vst v63  }
0x6d: {  	_ =	swait.ge [sflag:s24], $0x4000  }
0x6e: {  	[sflag:s24] =	ssyncset.done $0x0  }
0x6f: {  	[sflag:s24] =	ssyncadd.s32 $0xFFFFC000  }
0x70: {  	_ =	swait.ge [sflag:s25], $0x4000  }
0x71: {  	[sflag:s25] =	ssyncset.done $0x0  }
0x72: {  	[sflag:s25] =	ssyncadd.s32 $0xFFFFC000  }
0x73: {  	[tilespmem:s3], [sflag:$0x5] =	stream.linear.gather [hbm4b:s12+s3], $0x1400, $0x38;
	[tilespmem:$0x1E800] =	vst v63  }
0x74: {  	_ =	swait.ge [sflag:s17], $0x1400  }
0x75: {  	[sflag:s17] =	ssyncset.done $0x0  }
0x76: {  	[sflag:s17] =	ssyncadd.s32 $0xFFFFEC00  }
0x77: {  	[tilespmem:s18], [sflag:$0x5] =	stream.linear.gather [hbm4b:s13+s3], $0x1400, $0x38;
	[tilespmem:$0x1E800] =	vst v63  }
0x78: {  	_ =	swait.ge [sflag:s17], $0x1400  }
0x79: {  	[sflag:s17] =	ssyncset.done $0x0  }
0x7a: {  	[sflag:s17] =	ssyncadd.s32 $0xFFFFEC00  }
0x7b: {  	[tilespmem:s16], [sflag:$0x1] =	stream.indirect.gather [hbm4b:s4+s19], $0x80, s3, s19, $0xb8;
	[tilespmem:$0x1E800] =	vst v63  }
0x7c: {  	_ = 	snop  }
0x7d: {  	[tilespmem:s20], [sflag:$0x2] =	stream.indirect.gather [hbm4b:s4+s19], $0x80, s19, s19, $0xb8;
	[tilespmem:$0x1E800] =	vst v63  }
0x7e: {  	_ =	swait.ge [sflag:s21], $0x4000  }
0x7f: {  	[sflag:s21] =	ssyncset.done $0x0  }
0x80: {  	[sflag:s21] =	ssyncadd.s32 $0xFFFFC000  }
0x81: {  	[spmem:s2] =	stream.indirect.scatter.add.f32 [tilespmem:s16], [sflag:$0x3], $0x80, s18, s19, $0xb8;
	[tilespmem:$0x1E800] =	vst v63  }
0x82: {  	_ =	swait.ge [sflag:s22], $0x4000  }
0x83: {  	[sflag:s22] =	ssyncset.done $0x0  }
0x84: {  	[sflag:s22] =	ssyncadd.s32 $0xFFFFC000  }
0x85: {  	[spmem:s2] =	stream.indirect.scatter.add.f32 [tilespmem:s20], [sflag:$0x4], $0x80, s23, s19, $0xb8;
	[tilespmem:$0x1E800] =	vst v63  }
0x86: {  	_ =	swait.ge [sflag:s24], $0x4000  }
0x87: {  	[sflag:s24] =	ssyncset.done $0x0  }
0x88: {  	s28 =	simm.s32 $0x100;
	[sflag:s24] =	ssyncadd.s32 $0xFFFFC000  }
0x89: {  	[tilespmem:s16], [sflag:$0x1] =	stream.indirect.gather [hbm4b:s4+s19], $0x80, s28, s19, $0xb8;
	[tilespmem:$0x1E800] =	vst v63  }
0x8a: {  	_ =	swait.ge [sflag:s25], $0x4000  }
0x8b: {  	[sflag:s25] =	ssyncset.done $0x0  }
0x8c: {  	s28 =	simm.s32 $0x180;
	[sflag:s25] =	ssyncadd.s32 $0xFFFFC000  }
0x8d: {  	[tilespmem:s20], [sflag:$0x2] =	stream.indirect.gather [hbm4b:s4+s19], $0x80, s28, s19, $0xb8;
	[tilespmem:$0x1E800] =	vst v63  }
0x8e: {  	_ =	swait.ge [sflag:s21], $0x4000  }
0x8f: {  	[sflag:s21] =	ssyncset.done $0x0  }
0x90: {  	s28 =	simm.s32 $0x1500;
	[sflag:s21] =	ssyncadd.s32 $0xFFFFC000  }
0x91: {  	[spmem:s2] =	stream.indirect.scatter.add.f32 [tilespmem:s16], [sflag:$0x3], $0x80, s28, s19, $0xb8;
	[tilespmem:$0x1E800] =	vst v63  }
0x92: {  	_ =	swait.ge [sflag:s22], $0x4000  }
0x93: {  	[sflag:s22] =	ssyncset.done $0x0  }
0x94: {  	s29 =	simm.s32 $0x1580;
	s28 =	simm.s32 $0xFFFFB800;
	[sflag:s22] =	ssyncadd.s32 $0xFFFFC000  }
.LBB2_6:
0x95: {  	[spmem:s2] =	stream.indirect.scatter.add.f32 [tilespmem:s20], [sflag:$0x4], $0x80, s29, s19, $0xb8;
	[tilespmem:$0x1E800] =	vst v63  }
0x96: {  	s29 =	smov.u32 s28  }
0x97: {  	p0 =	sne.s32 s28, $0xFFFFFC00;
	s28 =	sadd.s32 $0x400, s28;
	_ =	swait.ge [sflag:s24], $0x4000  }
0x98: {  	s29 =	sshra.s32 s29, $0x2;
	[sflag:s24] =	ssyncset.done $0x0  }
0x99: {  	s30 =	sadd.s32 $0x1400, s29;
	[sflag:s24] =	ssyncadd.s32 $0xFFFFC000  }
0x9a: {  	[tilespmem:s16], [sflag:$0x1] =	stream.indirect.gather [hbm4b:s4+s19], $0x80, s30, s19, $0xb8;
	[tilespmem:$0x1E800] =	vst v63  }
0x9b: {  	_ =	swait.ge [sflag:s25], $0x4000  }
0x9c: {  	[sflag:s25] =	ssyncset.done $0x0  }
0x9d: {  	s30 =	sadd.s32 $0x1480, s29;
	[sflag:s25] =	ssyncadd.s32 $0xFFFFC000  }
0x9e: {  	[tilespmem:s20], [sflag:$0x2] =	stream.indirect.gather [hbm4b:s4+s19], $0x80, s30, s19, $0xb8;
	[tilespmem:$0x1E800] =	vst v63  }
0x9f: {  	_ =	swait.ge [sflag:s21], $0x4000  }
0xa0: {  	[sflag:s21] =	ssyncset.done $0x0  }
.Ltmp2:
0xa1: {  	s30 =	sadd.s32 $0x2800, s29;
	[sflag:s21] =	ssyncadd.s32 $0xFFFFC000;
	(pc) =	sbr.rel @p0 .LBB2_6-.Ltmp2, $4  }
0xa2: {  	[spmem:s2] =	stream.indirect.scatter.add.f32 [tilespmem:s16], [sflag:$0x3], $0x80, s30, s19, $0xb8;
	[tilespmem:$0x1E800] =	vst v63  }
0xa3: {  	_ =	swait.ge [sflag:s22], $0x4000  }
0xa4: {  	[sflag:s22] =	ssyncset.done $0x0  }
0xa5: {  	s29 =	sadd.s32 $0x2880, s29;
	[sflag:s22] =	ssyncadd.s32 $0xFFFFC000  }
0xa6: {  	[spmem:s2] =	stream.indirect.scatter.add.f32 [tilespmem:s20], [sflag:$0x4], $0x80, s29, s19, $0xb8;
	[tilespmem:$0x1E800] =	vst v63  }
0xa7: {  	_ =	swait.ge [sflag:s24], $0x4000  }
0xa8: {  	[sflag:s24] =	ssyncset.done $0x0  }
0xa9: {  	[sflag:s24] =	ssyncadd.s32 $0xFFFFC000  }
0xaa: {  	_ =	swait.ge [sflag:s25], $0x4000  }
0xab: {  	s28 =	sshll.u32 s1, $0x6;
	s26 =	sadd.s32 $0x1, s26;
	[sflag:s25] =	ssyncset.done $0x0  }
0xac: {  	s31 =	sshrl.u32 s5, $0x3;
	p0 =	sne.s32 s26, s15;
	[sflag:s25] =	ssyncadd.s32 $0xFFFFC000  }
.Ltmp3:
0xad: {  	s28 =	sor.u32 $0x1C05, s28;
	[bflag:$0x0] =	sbarrier.arrive $0xFFFF;
	(pc) =	sbr.rel @p0 .LBB2_1-.Ltmp3, $4  }
0xae: {  	[hbm:s14], [sflag:s28] =	dma.local [spmem:s31], $0x2800  }
0xaf: {  	_ =	swait.ge [sflag:s17], $0x2800  }
0xb0: {  	[sflag:s17] =	ssyncset.done $0x0  }
0xb1: {  	[sflag:s17] =	ssyncadd.s32 $0xFFFFD800  }
0xb2: {  	_ =	sfence.sel $0x180000  }
0xb3: {  	[bflag:$0x0] =	sbarrier.arrive $0xFFFF  }
0xb4: {  	p0 =	sne.s32 s1, $0x0;
	_ =	strace $0x9000004A  }
0xb5: {  	s0 =	sadd.s32 @!p0 $0x100000, s0;
	[bflag:$0x2] =	sbarrier.arrive $0xFFFF  }
0xb6: {  	[sflag:s0] =	ssyncadd.tile.s32 @!p0 $0x1;
	_ =	shalt  }
.Lfunc_end2:
_tile_overlayer_lowered:
.L_overlay_start_2:
0xb7: {  	(tag) =	ssettag $0x2  }
0xb8: {  	s0 =	rddreg [dreg:$0x0];
	s2 =	stileid.u32  }
0xb9: {  	s1 =	rddreg [dreg:$0x1];
	p0 =	sne.s32 s2, $0x0  }
0xba: {  	s3 =	rddreg [dreg:$0x2];
	[bflag:$0x3] =	sbarrier.arrive $0xFFFF;
	s2 =	simm.s32 @!p0 $0x1C05  }
0xbb: {  	[timem:s3], [sflag:s2] =	dma.local @!p0 [hbm:s0], s1  }
0xbc: {  	s0 =	simm.s32 @!p0 $0x5  }
0xbd: {  	_ =	swait.ge @!p0 [sflag:s0], s1  }
0xbe: {  	s1 =	ssub.s32 @!p0 $0x0, s1;
	[sflag:s0] =	ssyncset.done @!p0 $0x0  }
0xbf: {  	[sflag:s0] =	ssyncadd.s32 @!p0 s1  }
0xc0: {  	[bflag:$0x3] =	sbarrier.arrive $0xFFFF  }
0xc1: {  	_ =	shalt  }

// kernel: kernel.15.cloned.1.call-start
scs
__scs_entry_jumppad:
0x0: {  	(pc) =	sbr.rel $0x88, $3  }
0x1: {  	(tag) =	ssettag $0x0;
	lr =	simm.s32 $0x1  }
0x2: {  	[smem:$0x3F9B] =	sst lr;
	_ =	strace $0xD0000000  }
0x3: {  	_ = 	snop  }
0x4: {  	_ = 	snop  }
0x5: {  	_ = 	snop  }
0x6: {  	_ = 	snop  }
0x7: {  	_ = 	snop  }
__scs_overlays_trampoline_lowered:
0x8: {  	[smem:$0x3FAA] =	sst s0  }
0x9: {  	[smem:$0x3FAB] =	sst s1  }
0xa: {  	[smem:$0x3FAC] =	sst s2  }
0xb: {  	[smem:$0x3FAD] =	sst s3  }
0xc: {  	[smem:$0x3FAE] =	sst s4  }
0xd: {  	[smem:$0x3FAF] =	sst s5  }
0xe: {  	[smem:$0x3FB0] =	sst s6  }
0xf: {  	[smem:$0x3FB1] =	sst s7  }
0x10: {  	[smem:$0x3FB2] =	sst s8  }
0x11: {  	[smem:$0x3FB3] =	sst s9;
	s0 =	simm.s32 @!p0 $0x0  }
0x12: {  	s1 =	sld [smem:$0x3F99];
	s0 =	simm.s32 @p0 $0x1  }
0x13: {  	[smem:$0x3FB4] =	sst s0;
	s0 =	simm.s32 @!p1 $0x0  }
0x14: {  	s2 =	sld [smem:$0x3F98];
	s0 =	simm.s32 @p1 $0x1  }
0x15: {  	[smem:$0x3FB5] =	sst s0;
	s0 =	simm.s32 @!p2 $0x0  }
0x16: {  	s3 =	sld [smem:$0x3FDB];
	s0 =	simm.s32 @p2 $0x1  }
0x17: {  	s4 =	simm.s32 $0x1BF5;
	[smem:$0x3FB7] =	sst s0  }
0x18: {  	s0 =	sld [smem:$0x3F9A];
	_ =	swait.ge [sflag:s4], $0x0  }
0x19: {  	s7 =	sld [smem:$0x3F9B]  }
0x1a: {  	s8 =	sadd.s32 $0xFFFFE003, lr  }
0x1b: {  	s9 =	sadd.s32 $0xFFFFFEF7, lr;
	s5 =	simm.s32 $0xFFFFFFFF;
	p2 =	slt.u32 s8, $0xFFFFF086  }
0x1c: {  	p1 =	slt.u32 s9, $0xF7A;
	s5 =	simm.s32 @!p2 $0x0  }
0x1d: {  	s5 =	simm.s32 @p1 $0x1;
	p0 =	seq.s32 s7, s2  }
0x1e: {  	s7 =	smul.u32 @!p0 $0xF7A, s2;
	p2 =	seq.s32 @!p0 s5, $0x0  }
0x1f: {  	s9 =	smul.u32 $0xF7A, s1;
	s8 =	simm.s32 @!p0 $0x1BF5;
	p2 =	por !p2, p0  }
0x20: {  	[sflag:s8] =	ssyncset.s32 @!p0 $0xFFFFF086;
	s6 =	sadd.s32 @!p0 s3, s7;
	s7 =	simm.s32 @!p0 $0x108  }
0x21: {  	s3 =	sadd.s32 s3, s9;
	s6 =	sadd.s32 @!p0 $0x88, s6;
	s7 =	simm.s32 @p2 $0x1082  }
0x22: {  	[simem:s7], [sflag:s8] =	dma.local @!p0 [hbm:s6], $0xF7A  }
0x23: {  	s9 =	sor.u32 $0xD0000000, s2;
	s6 =	simm.s32 $0x108;
	_ =	swait.ge @!p0 [sflag:s8], $0x0  }
0x24: {  	s3 =	sadd.s32 $0x88, s3;
	s6 =	simm.s32 @!p1 $0x1082;
	[sflag:s4] =	ssyncset.s32 $0xFFFFF086  }
0x25: {  	[simem:s6], [sflag:s4] =	dma.local [hbm:s3], $0xF7A  }
0x26: {  	[smem:$0x3F9B] =	sst s1;
	(tag) =	ssettag s2;
	_ =	strace s9  }
0x27: {  	s1 =	sld [smem:$0x3FAB]  }
0x28: {  	s2 =	sld [smem:$0x3FAC]  }
0x29: {  	s4 =	sld [smem:$0x3FAE]  }
0x2a: {  	p0 =	seq.s32 s5, $0x0;
	s5 =	sld [smem:$0x3FAF]  }
0x2b: {  	s6 =	sld [smem:$0x3FB0]  }
0x2c: {  	s7 =	sld [smem:$0x3FB1]  }
0x2d: {  	s3 =	simm.s32 $0x108;
	s8 =	sld [smem:$0x3FB2]  }
0x2e: {  	s3 =	simm.s32 @!p0 $0x1082;
	s9 =	sld [smem:$0x3FB3]  }
0x2f: {  	lr =	sadd.s32 s0, s3;
	s0 =	sld [smem:$0x3FAA]  }
0x30: {  	s3 =	sld [smem:$0x3FAD]  }
0x31: {  	[smem:$0x3FB6] =	sst s10  }
0x32: {  	s10 =	sld [smem:$0x3FB4];
	_ =	sdelay $0x3  }
0x33: {  	p0 =	seq.s32 s10, $0x1;
	s10 =	sld [smem:$0x3FB6];
	_ =	sdelay $0x3  }
0x34: {  	[smem:$0x3FB6] =	sst s10  }
0x35: {  	s10 =	sld [smem:$0x3FB5];
	_ =	sdelay $0x3  }
0x36: {  	p1 =	seq.s32 s10, $0x1;
	s10 =	sld [smem:$0x3FB6];
	_ =	sdelay $0x3  }
0x37: {  	[smem:$0x3FB6] =	sst s10  }
0x38: {  	s10 =	sld [smem:$0x3FB7]  }
0x39: {  	_ = 	snop;
	(pc) =	sbr.ind lr, $3  }
0x3a: {  	_ = 	snop  }
0x3b: {  	_ = 	snop  }
0x3c: {  	p2 =	seq.s32 s10, $0x1;
	s10 =	sld [smem:$0x3FB6]  }
0x3d: {  	_ =	shalt  }
0x3e: {  	_ =	shalt  }
0x3f: {  	_ =	shalt  }
0x40: {  	_ =	shalt  }
0x41: {  	_ =	shalt  }
0x42: {  	_ =	shalt  }
0x43: {  	_ =	shalt  }
0x44: {  	_ =	shalt  }
0x45: {  	_ =	shalt  }
0x46: {  	_ =	shalt  }
0x47: {  	_ =	shalt  }
0x48: {  	_ =	shalt  }
0x49: {  	_ =	shalt  }
0x4a: {  	_ =	shalt  }
0x4b: {  	_ =	shalt  }
0x4c: {  	_ =	shalt  }
0x4d: {  	_ =	shalt  }
0x4e: {  	_ =	shalt  }
0x4f: {  	_ =	shalt  }
0x50: {  	_ =	shalt  }
0x51: {  	_ =	shalt  }
0x52: {  	_ =	shalt  }
0x53: {  	_ =	shalt  }
0x54: {  	_ =	shalt  }
0x55: {  	_ =	shalt  }
0x56: {  	_ =	shalt  }
0x57: {  	_ =	shalt  }
0x58: {  	_ =	shalt  }
0x59: {  	_ =	shalt  }
0x5a: {  	_ =	shalt  }
0x5b: {  	_ =	shalt  }
0x5c: {  	_ =	shalt  }
0x5d: {  	_ =	shalt  }
0x5e: {  	_ =	shalt  }
0x5f: {  	_ =	shalt  }
0x60: {  	_ =	shalt  }
0x61: {  	_ =	shalt  }
0x62: {  	_ =	shalt  }
0x63: {  	_ =	shalt  }
0x64: {  	_ =	shalt  }
0x65: {  	_ =	shalt  }
0x66: {  	_ =	shalt  }
0x67: {  	_ =	shalt  }
0x68: {  	_ =	shalt  }
0x69: {  	_ =	shalt  }
0x6a: {  	_ =	shalt  }
0x6b: {  	_ =	shalt  }
0x6c: {  	_ =	shalt  }
0x6d: {  	_ =	shalt  }
0x6e: {  	_ =	shalt  }
0x6f: {  	_ =	shalt  }
0x70: {  	_ =	shalt  }
0x71: {  	_ =	shalt  }
0x72: {  	_ =	shalt  }
0x73: {  	_ =	shalt  }
0x74: {  	_ =	shalt  }
0x75: {  	_ =	shalt  }
0x76: {  	_ =	shalt  }
0x77: {  	_ =	shalt  }
0x78: {  	_ =	shalt  }
0x79: {  	_ =	shalt  }
0x7a: {  	_ =	shalt  }
0x7b: {  	_ =	shalt  }
0x7c: {  	_ =	shalt  }
0x7d: {  	_ =	shalt  }
0x7e: {  	_ =	shalt  }
0x7f: {  	_ =	shalt  }
0x80: {  	_ =	shalt  }
0x81: {  	_ =	shalt  }
0x82: {  	_ =	shalt  }
0x83: {  	_ =	shalt  }
0x84: {  	_ =	shalt  }
0x85: {  	_ =	shalt  }
0x86: {  	_ =	shalt  }
0x87: {  	_ =	shalt  }
.Lfunc_end0:
.L_simem_size_0:
called_computation.2_lowered:
.L_overlay_start_0:
0x88: {  	s2 =	sld [smem:$0x3FD9]  }
0x89: {  	s3 =	sld [smem:$0x3FFE];
	_ =	sdelay $0x1  }
0x8a: {  	s1 =	srdreg.scid  }
0x8b: {  	s0 =	sand.u32 $0x1, s1  }
0x8c: {  	s17 =	sshll.u32 s0, $0xA;
	s2 =	sadd.s32 s3, s2  }
0x8d: {  	s2 =	sadd.s32 s2, s17  }
0x8e: {  	[smem:$0x3FC2] =	sst s2  }
0x8f: {  	_ = 	snop  }
0x90: {  	s2 =	sld [smem:$0x3FD0];
	(tm) =	ssettm $0x1  }
0x91: {  	s18 =	sld [smem:$0x3FFB];
	_ =	sdelay $0x3  }
0x92: {  	_ =	strace s18  }
0x93: {  	s3 =	sld [smem:$0x3FFC];
	_ =	sdelay $0x3  }
0x94: {  	_ =	strace s3  }
0x95: {  	s3 =	sld [smem:$0x3FFD];
	_ =	sdelay $0x3  }
0x96: {  	_ =	strace s3  }
0x97: {  	_ =	strace $0x8FFFFFFF  }
0x98: {  	s19 =	sld [smem:$0x3FDB];
	_ =	sdelay $0x1  }
0x99: {  	s4 =	simm.s32 $_scs_section_size  }
0x9a: {  	s5 =	simm.s32 $_size__tile_overlayer_lowered;
	s6 =	simm.s32 $_tile_overlayer_lowered  }
0x9b: {  	s22 =	simm.s32 $0x1BFF;
	s21 =	sshll.u32 s6, $0x1;
	s3 =	sadd.s32 s4, s19  }
0x9c: {  	s7 =	simm.s32 $0x0;
	s20 =	sshll.u32 s5, $0x1;
	s5 =	sadd.s32 s21, s3  }
0x9d: {  	[timem:s7], [sflag:s22] =	dma.local [hbm:s5], s20  }
0x9e: {  	_ =	swait.ge [sflag:s22], s20  }
0x9f: {  	s4 =	ssub.s32 $0x0, s20;
	[sflag:s22] =	ssyncset.done $0x0  }
0xa0: {  	[sflag:s22] =	ssyncadd.s32 s4;
	_ =	sdelay $0x1  }
0xa1: {  	s23 =	simm.s32 $0x1B8B  }
0xa2: {  	_ =	swait.ge [sflag:s23], $0x1  }
0xa3: {  	[sflag:s23] =	ssyncset.done $0x0  }
0xa4: {  	s25 =	simm.s32 $0x1B8E;
	s24 =	sld [smem:$0x3FFE];
	[sflag:s23] =	ssyncadd.s32 $0xFFFFFFFF  }
0xa5: {  	s26 =	simm.s32 $execute0_lowered;
	[smem:$0x3FD2] =	sst s25  }
0xa6: {  	s5 =	sshll.u32 s26, $0x1;
	_ =	strace $0x8000004C;
	[dreg:$0x1] =	wrdreg $0xFFFFFFFF  }
0xa7: {  	s28 =	simm.s32 $_size_execute0_lowered;
	s3 =	sadd.s32 s3, s5;
	[dreg:$0x0] =	wrdreg $0x0  }
0xa8: {  	s5 =	sshll.u32 s28, $0x1;
	[dreg:$0x2] =	wrdreg s3  }
0xa9: {  	[dreg:$0x3] =	wrdreg s5  }
0xaa: {  	[dreg:$0x4] =	wrdreg $0xC0  }
0xab: {  	_ =	task [dreg:s7], $0x5FFFF  }
0xac: {  	[dreg:$0x1] =	wrdreg $0xFFFFFFFF  }
0xad: {  	[dreg:$0x0] =	wrdreg $0x60  }
0xae: {  	[dreg:$0x2] =	wrdreg s24  }
0xaf: {  	[dreg:$0x3] =	wrdreg s2  }
0xb0: {  	[dreg:$0x4] =	wrdreg $0xA8000  }
0xb1: {  	[dreg:$0x5] =	wrdreg $0x9  }
0xb2: {  	_ =	task.clear_ibuf [dreg:s7], $0x6FFFF;
	_ =	strace $0x9000004C  }
0xb3: {  	s29 =	simm.s32 $0x9;
	_ =	strace $0x8000004E  }
0xb4: {  	_ =	swait.ge [sflag:s29], $0x1  }
0xb5: {  	[sflag:s29] =	ssyncadd.s32 $0xFFFFFFFF  }
0xb6: {  	_ =	strace $0x9000004E  }
0xb7: {  	_ =	sfence  }
0xb8: {  	s30 =	sld [smem:$0x0];
	_ =	sdelay $0x2  }
0xb9: {  	s31 =	sshll.u32 s1, $0xD;
	s1 =	sshrl.u32 s1, $0x2  }
0xba: {  	s3 =	sand.u32 $0x4000, s31;
	s1 =	sadd.s32 s1, s30  }
0xbb: {  	s0 =	sor.u32 s3, s0;
	s1 =	sshll.u32 s1, $0x11  }
0xbc: {  	s0 =	sor.u32 s1, s0  }
0xbd: {  	s0 =	sadd.s32 $0x8F2B, s0  }
0xbe: {  	[sflag:s0] =	ssyncadd.remote.s32 $0x1  }
0xbf: {  	_ =	sfence.sel $0xFFFF  }
0xc0: {  	[dreg:$0x0] =	wrdreg $0xFFFFFFFF;
	(pc) =	sbr.abs _section_cstart, $3  }
0xc1: {  	[dreg:$0x1] =	wrdreg $0xFFFFFFFF  }
0xc2: {  	_ =	task.clear_ibuf [dreg:s7], $0x2FFFF;
	_ =	strace $0x9FFFFFFF  }
0xc3: {  	(tm) =	ssettm $0x7FFFFFFF  }
tec
execute0_lowered:
.L_overlay_start_1:
0x0: {  	(tag) =	ssettag $0x1  }
0x1: {  	s5 =	rddreg [dreg:$0x0]  }
0x2: {  	s13 =	rddreg [dreg:$0x1]  }
0x3: {  	s0 =	srdreg.scid;
	s2 =	rddreg [dreg:$0x2]  }
0x4: {  	s1 =	stileid.u32;
	s3 =	simm.s32 $0x0;
	s17 =	simm.s32 $0x5  }
0x5: {  	s18 =	simm.s32 $0x1400;
	s19 =	simm.s32 $0x80;
	s20 =	simm.s32 $0x6800  }
0x6: {  	s21 =	simm.s32 $0x1;
	s22 =	simm.s32 $0x2;
	s23 =	simm.s32 $0x1480  }
0x7: {  	s24 =	simm.s32 $0x3;
	s25 =	simm.s32 $0x4;
	s26 =	simm.s32 $0x0  }
0x8: {  	s6 =	sand.u32 $0x1, s0;
	s0 =	rddreg [dreg:$0x3];
	s7 =	smul.u32 $0x14000, s1  }
0x9: {  	[smem:$0x7FF] =	sst s3;
	s8 =	smul.u32 $0x50000, s1;
	s12 =	sadd.s32 $0x2000, s5  }
0xa: {  	s4 =	smul.u32 $0x140000, s6;
	_ =	strace $0x8000004D;
	s28 =	sshll.u32 s6, $0x4  }
0xb: {  	s6 =	ssub.s32 $0x2, s6;
	s29 =	sor.u32 s1, s28;
	s30 =	sshrl.u32 s8, $0x2  }
0xc: {  	s31 =	sshrl.u32 s6, $0x1;
	s7 =	sadd.s32 s7, s4;
	s4 =	sadd.s32 $0xC000, s5  }
0xd: {  	s10 =	smul.u32 $0x2800, s29;
	s15 =	ssub.s32 s6, s31;
	s7 =	sshrl.u32 s7, $0x3  }
0xe: {  	s15 =	smax.u32 s15, $0x1;
	s14 =	sadd.s32 s7, s5;
	s5 =	sadd.s32 s30, s2  }
0xf: {  	s16 =	sshrl.u32 s10, $0x3;
	s6 =	sadd.s32 $0x4000, s5;
	s7 =	sadd.s32 $0x8000, s5  }
0x10: {  	s8 =	sadd.s32 $0xC000, s5;
	s9 =	sadd.s32 $0x10000, s5;
	s10 =	sadd.s32 s12, s16  }
0x11: {  	s11 =	sadd.s32 s13, s16;
	s16 =	sadd.s32 $0x280, s16;
	s14 =	sadd.s32 $0x34000, s14  }
0x12: {  	v0 =	vimm.f32 $0.0e+00;
	s12 =	sadd.s32 s12, s16;
	s13 =	sadd.s32 s13, s16;
	s16 =	simm.s32 $0x2800  }
.LBB2_1:
0x13: {  	s28 =	simm.s32 $0x0;
	s29 =	simm.s32 $0x200  }
.LBB2_2:
0x14: {  	p0 =	sne.s32 s29, $0xFE00;
	[tilespmem:s28+$0x2870] =	vst v0  }
0x15: {  	[tilespmem:s28+$0x2800] =	vst v0  }
0x16: {  	[tilespmem:s28+$0x2810] =	vst v0  }
.Ltmp0:
0x17: {  	[tilespmem:s28+$0x2820] =	vst v0;
	(pc) =	sbr.rel @p0 .LBB2_2-.Ltmp0, $4  }
0x18: {  	[tilespmem:s28+$0x2830] =	vst v0  }
0x19: {  	[tilespmem:s28+$0x2840] =	vst v0  }
0x1a: {  	[tilespmem:s28+$0x2850] =	vst v0  }
0x1b: {  	[tilespmem:s28+$0x2860] =	vst v0;
	s28 =	sshra.s32 s29, $0x2;
	s29 =	sadd.s32 $0x200, s29  }
0x1c: {  	[tilespmem:s28+$0x2870] =	vst v0  }
0x1d: {  	[tilespmem:s28+$0x2800] =	vst v0  }
0x1e: {  	[tilespmem:s28+$0x2810] =	vst v0  }
0x1f: {  	[tilespmem:s28+$0x2820] =	vst v0  }
0x20: {  	[tilespmem:s28+$0x2830] =	vst v0  }
0x21: {  	[tilespmem:s28+$0x2840] =	vst v0  }
0x22: {  	[tilespmem:s28+$0x2850] =	vst v0  }
0x23: {  	[tilespmem:s28+$0x2860] =	vst v0  }
0x24: {  	[spmem:s5] =	stream.linear.scatter [tilespmem:s16], [sflag:$0x5], $0x4000, $0x38;
	[tilespmem:$0x1E800] =	vst v63  }
0x25: {  	_ =	swait.ge [sflag:s17], $0x4000  }
0x26: {  	[sflag:s17] =	ssyncset.done $0x0  }
0x27: {  	[sflag:s17] =	ssyncadd.s32 $0xFFFFC000  }
0x28: {  	[spmem:s6] =	stream.linear.scatter [tilespmem:s16], [sflag:$0x5], $0x4000, $0x38;
	[tilespmem:$0x1E800] =	vst v63  }
0x29: {  	_ =	swait.ge [sflag:s17], $0x4000  }
0x2a: {  	[sflag:s17] =	ssyncset.done $0x0  }
0x2b: {  	[sflag:s17] =	ssyncadd.s32 $0xFFFFC000  }
0x2c: {  	[spmem:s7] =	stream.linear.scatter [tilespmem:s16], [sflag:$0x5], $0x4000, $0x38;
	[tilespmem:$0x1E800] =	vst v63  }
0x2d: {  	_ =	swait.ge [sflag:s17], $0x4000  }
0x2e: {  	[sflag:s17] =	ssyncset.done $0x0  }
0x2f: {  	[sflag:s17] =	ssyncadd.s32 $0xFFFFC000  }
0x30: {  	[spmem:s8] =	stream.linear.scatter [tilespmem:s16], [sflag:$0x5], $0x4000, $0x38;
	[tilespmem:$0x1E800] =	vst v63  }
0x31: {  	_ =	swait.ge [sflag:s17], $0x4000  }
0x32: {  	[sflag:s17] =	ssyncset.done $0x0  }
0x33: {  	[sflag:s17] =	ssyncadd.s32 $0xFFFFC000  }
0x34: {  	[spmem:s9] =	stream.linear.scatter [tilespmem:s16], [sflag:$0x5], $0x4000, $0x38;
	[tilespmem:$0x1E800] =	vst v63  }
0x35: {  	_ =	swait.ge [sflag:s17], $0x4000  }
0x36: {  	[sflag:s17] =	ssyncset.done $0x0  }
0x37: {  	[sflag:s17] =	ssyncadd.s32 $0xFFFFC000  }
0x38: {  	[bflag:$0x0] =	sbarrier.arrive $0xFFFF  }
0x39: {  	[tilespmem:s3], [sflag:$0x5] =	stream.linear.gather [hbm4b:s10+s3], $0x1400, $0x38;
	[tilespmem:$0x1E800] =	vst v63  }
0x3a: {  	_ =	swait.ge [sflag:s17], $0x1400  }
0x3b: {  	[sflag:s17] =	ssyncset.done $0x0  }
0x3c: {  	[sflag:s17] =	ssyncadd.s32 $0xFFFFEC00  }
0x3d: {  	[tilespmem:s18], [sflag:$0x5] =	stream.linear.gather [hbm4b:s11+s3], $0x1400, $0x38;
	[tilespmem:$0x1E800] =	vst v63  }
0x3e: {  	_ =	swait.ge [sflag:s17], $0x1400  }
0x3f: {  	[sflag:s17] =	ssyncset.done $0x0  }
0x40: {  	[sflag:s17] =	ssyncadd.s32 $0xFFFFEC00  }
0x41: {  	[tilespmem:s16], [sflag:$0x1] =	stream.indirect.gather [hbm4b:s4+s19], $0x80, s3, s19, $0xb8;
	[tilespmem:$0x1E800] =	vst v63  }
0x42: {  	_ = 	snop  }
0x43: {  	[tilespmem:s20], [sflag:$0x2] =	stream.indirect.gather [hbm4b:s4+s19], $0x80, s19, s19, $0xb8;
	[tilespmem:$0x1E800] =	vst v63  }
0x44: {  	_ =	swait.ge [sflag:s21], $0x4000  }
0x45: {  	[sflag:s21] =	ssyncset.done $0x0  }
0x46: {  	[sflag:s21] =	ssyncadd.s32 $0xFFFFC000  }
0x47: {  	[spmem:s2] =	stream.indirect.scatter.add.f32 [tilespmem:s16], [sflag:$0x3], $0x80, s18, s19, $0xb8;
	[tilespmem:$0x1E800] =	vst v63  }
0x48: {  	_ =	swait.ge [sflag:s22], $0x4000  }
0x49: {  	[sflag:s22] =	ssyncset.done $0x0  }
0x4a: {  	[sflag:s22] =	ssyncadd.s32 $0xFFFFC000  }
0x4b: {  	[spmem:s2] =	stream.indirect.scatter.add.f32 [tilespmem:s20], [sflag:$0x4], $0x80, s23, s19, $0xb8;
	[tilespmem:$0x1E800] =	vst v63  }
0x4c: {  	_ =	swait.ge [sflag:s24], $0x4000  }
0x4d: {  	[sflag:s24] =	ssyncset.done $0x0  }
0x4e: {  	s28 =	simm.s32 $0x100;
	[sflag:s24] =	ssyncadd.s32 $0xFFFFC000  }
0x4f: {  	[tilespmem:s16], [sflag:$0x1] =	stream.indirect.gather [hbm4b:s4+s19], $0x80, s28, s19, $0xb8;
	[tilespmem:$0x1E800] =	vst v63  }
0x50: {  	_ =	swait.ge [sflag:s25], $0x4000  }
0x51: {  	[sflag:s25] =	ssyncset.done $0x0  }
0x52: {  	s28 =	simm.s32 $0x180;
	[sflag:s25] =	ssyncadd.s32 $0xFFFFC000  }
0x53: {  	[tilespmem:s20], [sflag:$0x2] =	stream.indirect.gather [hbm4b:s4+s19], $0x80, s28, s19, $0xb8;
	[tilespmem:$0x1E800] =	vst v63  }
0x54: {  	_ =	swait.ge [sflag:s21], $0x4000  }
0x55: {  	[sflag:s21] =	ssyncset.done $0x0  }
0x56: {  	s28 =	simm.s32 $0x1500;
	[sflag:s21] =	ssyncadd.s32 $0xFFFFC000  }
0x57: {  	[spmem:s2] =	stream.indirect.scatter.add.f32 [tilespmem:s16], [sflag:$0x3], $0x80, s28, s19, $0xb8;
	[tilespmem:$0x1E800] =	vst v63  }
0x58: {  	_ =	swait.ge [sflag:s22], $0x4000  }
0x59: {  	[sflag:s22] =	ssyncset.done $0x0  }
0x5a: {  	s29 =	simm.s32 $0x1580;
	s28 =	simm.s32 $0xFFFFB800;
	[sflag:s22] =	ssyncadd.s32 $0xFFFFC000  }
.LBB2_4:
0x5b: {  	[spmem:s2] =	stream.indirect.scatter.add.f32 [tilespmem:s20], [sflag:$0x4], $0x80, s29, s19, $0xb8;
	[tilespmem:$0x1E800] =	vst v63  }
0x5c: {  	s29 =	smov.u32 s28  }
0x5d: {  	p0 =	sne.s32 s28, $0xFFFFFC00;
	s28 =	sadd.s32 $0x400, s28;
	_ =	swait.ge [sflag:s24], $0x4000  }
0x5e: {  	s29 =	sshra.s32 s29, $0x2;
	[sflag:s24] =	ssyncset.done $0x0  }
0x5f: {  	s30 =	sadd.s32 $0x1400, s29;
	[sflag:s24] =	ssyncadd.s32 $0xFFFFC000  }
0x60: {  	[tilespmem:s16], [sflag:$0x1] =	stream.indirect.gather [hbm4b:s4+s19], $0x80, s30, s19, $0xb8;
	[tilespmem:$0x1E800] =	vst v63  }
0x61: {  	_ =	swait.ge [sflag:s25], $0x4000  }
0x62: {  	[sflag:s25] =	ssyncset.done $0x0  }
0x63: {  	s30 =	sadd.s32 $0x1480, s29;
	[sflag:s25] =	ssyncadd.s32 $0xFFFFC000  }
0x64: {  	[tilespmem:s20], [sflag:$0x2] =	stream.indirect.gather [hbm4b:s4+s19], $0x80, s30, s19, $0xb8;
	[tilespmem:$0x1E800] =	vst v63  }
0x65: {  	_ =	swait.ge [sflag:s21], $0x4000  }
0x66: {  	[sflag:s21] =	ssyncset.done $0x0  }
.Ltmp1:
0x67: {  	s30 =	sadd.s32 $0x2800, s29;
	[sflag:s21] =	ssyncadd.s32 $0xFFFFC000;
	(pc) =	sbr.rel @p0 .LBB2_4-.Ltmp1, $4  }
0x68: {  	[spmem:s2] =	stream.indirect.scatter.add.f32 [tilespmem:s16], [sflag:$0x3], $0x80, s30, s19, $0xb8;
	[tilespmem:$0x1E800] =	vst v63  }
0x69: {  	_ =	swait.ge [sflag:s22], $0x4000  }
0x6a: {  	[sflag:s22] =	ssyncset.done $0x0  }
0x6b: {  	s29 =	sadd.s32 $0x2880, s29;
	[sflag:s22] =	ssyncadd.s32 $0xFFFFC000  }
0x6c: {  	[spmem:s2] =	stream.indirect.scatter.add.f32 [tilespmem:s20], [sflag:$0x4], $0x80, s29, s19, $0xb8;
	[tilespmem:$0x1E800] =	vst v63  }
0x6d: {  	_ =	swait.ge [sflag:s24], $0x4000  }
0x6e: {  	[sflag:s24] =	ssyncset.done $0x0  }
0x6f: {  	[sflag:s24] =	ssyncadd.s32 $0xFFFFC000  }
0x70: {  	_ =	swait.ge [sflag:s25], $0x4000  }
0x71: {  	[sflag:s25] =	ssyncset.done $0x0  }
0x72: {  	[sflag:s25] =	ssyncadd.s32 $0xFFFFC000  }
0x73: {  	[tilespmem:s3], [sflag:$0x5] =	stream.linear.gather [hbm4b:s12+s3], $0x1400, $0x38;
	[tilespmem:$0x1E800] =	vst v63  }
0x74: {  	_ =	swait.ge [sflag:s17], $0x1400  }
0x75: {  	[sflag:s17] =	ssyncset.done $0x0  }
0x76: {  	[sflag:s17] =	ssyncadd.s32 $0xFFFFEC00  }
0x77: {  	[tilespmem:s18], [sflag:$0x5] =	stream.linear.gather [hbm4b:s13+s3], $0x1400, $0x38;
	[tilespmem:$0x1E800] =	vst v63  }
0x78: {  	_ =	swait.ge [sflag:s17], $0x1400  }
0x79: {  	[sflag:s17] =	ssyncset.done $0x0  }
0x7a: {  	[sflag:s17] =	ssyncadd.s32 $0xFFFFEC00  }
0x7b: {  	[tilespmem:s16], [sflag:$0x1] =	stream.indirect.gather [hbm4b:s4+s19], $0x80, s3, s19, $0xb8;
	[tilespmem:$0x1E800] =	vst v63  }
0x7c: {  	_ = 	snop  }
0x7d: {  	[tilespmem:s20], [sflag:$0x2] =	stream.indirect.gather [hbm4b:s4+s19], $0x80, s19, s19, $0xb8;
	[tilespmem:$0x1E800] =	vst v63  }
0x7e: {  	_ =	swait.ge [sflag:s21], $0x4000  }
0x7f: {  	[sflag:s21] =	ssyncset.done $0x0  }
0x80: {  	[sflag:s21] =	ssyncadd.s32 $0xFFFFC000  }
0x81: {  	[spmem:s2] =	stream.indirect.scatter.add.f32 [tilespmem:s16], [sflag:$0x3], $0x80, s18, s19, $0xb8;
	[tilespmem:$0x1E800] =	vst v63  }
0x82: {  	_ =	swait.ge [sflag:s22], $0x4000  }
0x83: {  	[sflag:s22] =	ssyncset.done $0x0  }
0x84: {  	[sflag:s22] =	ssyncadd.s32 $0xFFFFC000  }
0x85: {  	[spmem:s2] =	stream.indirect.scatter.add.f32 [tilespmem:s20], [sflag:$0x4], $0x80, s23, s19, $0xb8;
	[tilespmem:$0x1E800] =	vst v63  }
0x86: {  	_ =	swait.ge [sflag:s24], $0x4000  }
0x87: {  	[sflag:s24] =	ssyncset.done $0x0  }
0x88: {  	s28 =	simm.s32 $0x100;
	[sflag:s24] =	ssyncadd.s32 $0xFFFFC000  }
0x89: {  	[tilespmem:s16], [sflag:$0x1] =	stream.indirect.gather [hbm4b:s4+s19], $0x80, s28, s19, $0xb8;
	[tilespmem:$0x1E800] =	vst v63  }
0x8a: {  	_ =	swait.ge [sflag:s25], $0x4000  }
0x8b: {  	[sflag:s25] =	ssyncset.done $0x0  }
0x8c: {  	s28 =	simm.s32 $0x180;
	[sflag:s25] =	ssyncadd.s32 $0xFFFFC000  }
0x8d: {  	[tilespmem:s20], [sflag:$0x2] =	stream.indirect.gather [hbm4b:s4+s19], $0x80, s28, s19, $0xb8;
	[tilespmem:$0x1E800] =	vst v63  }
0x8e: {  	_ =	swait.ge [sflag:s21], $0x4000  }
0x8f: {  	[sflag:s21] =	ssyncset.done $0x0  }
0x90: {  	s28 =	simm.s32 $0x1500;
	[sflag:s21] =	ssyncadd.s32 $0xFFFFC000  }
0x91: {  	[spmem:s2] =	stream.indirect.scatter.add.f32 [tilespmem:s16], [sflag:$0x3], $0x80, s28, s19, $0xb8;
	[tilespmem:$0x1E800] =	vst v63  }
0x92: {  	_ =	swait.ge [sflag:s22], $0x4000  }
0x93: {  	[sflag:s22] =	ssyncset.done $0x0  }
0x94: {  	s29 =	simm.s32 $0x1580;
	s28 =	simm.s32 $0xFFFFB800;
	[sflag:s22] =	ssyncadd.s32 $0xFFFFC000  }
.LBB2_6:
0x95: {  	[spmem:s2] =	stream.indirect.scatter.add.f32 [tilespmem:s20], [sflag:$0x4], $0x80, s29, s19, $0xb8;
	[tilespmem:$0x1E800] =	vst v63  }
0x96: {  	s29 =	smov.u32 s28  }
0x97: {  	p0 =	sne.s32 s28, $0xFFFFFC00;
	s28 =	sadd.s32 $0x400, s28;
	_ =	swait.ge [sflag:s24], $0x4000  }
0x98: {  	s29 =	sshra.s32 s29, $0x2;
	[sflag:s24] =	ssyncset.done $0x0  }
0x99: {  	s30 =	sadd.s32 $0x1400, s29;
	[sflag:s24] =	ssyncadd.s32 $0xFFFFC000  }
0x9a: {  	[tilespmem:s16], [sflag:$0x1] =	stream.indirect.gather [hbm4b:s4+s19], $0x80, s30, s19, $0xb8;
	[tilespmem:$0x1E800] =	vst v63  }
0x9b: {  	_ =	swait.ge [sflag:s25], $0x4000  }
0x9c: {  	[sflag:s25] =	ssyncset.done $0x0  }
0x9d: {  	s30 =	sadd.s32 $0x1480, s29;
	[sflag:s25] =	ssyncadd.s32 $0xFFFFC000  }
0x9e: {  	[tilespmem:s20], [sflag:$0x2] =	stream.indirect.gather [hbm4b:s4+s19], $0x80, s30, s19, $0xb8;
	[tilespmem:$0x1E800] =	vst v63  }
0x9f: {  	_ =	swait.ge [sflag:s21], $0x4000  }
0xa0: {  	[sflag:s21] =	ssyncset.done $0x0  }
.Ltmp2:
0xa1: {  	s30 =	sadd.s32 $0x2800, s29;
	[sflag:s21] =	ssyncadd.s32 $0xFFFFC000;
	(pc) =	sbr.rel @p0 .LBB2_6-.Ltmp2, $4  }
0xa2: {  	[spmem:s2] =	stream.indirect.scatter.add.f32 [tilespmem:s16], [sflag:$0x3], $0x80, s30, s19, $0xb8;
	[tilespmem:$0x1E800] =	vst v63  }
0xa3: {  	_ =	swait.ge [sflag:s22], $0x4000  }
0xa4: {  	[sflag:s22] =	ssyncset.done $0x0  }
0xa5: {  	s29 =	sadd.s32 $0x2880, s29;
	[sflag:s22] =	ssyncadd.s32 $0xFFFFC000  }
0xa6: {  	[spmem:s2] =	stream.indirect.scatter.add.f32 [tilespmem:s20], [sflag:$0x4], $0x80, s29, s19, $0xb8;
	[tilespmem:$0x1E800] =	vst v63  }
0xa7: {  	_ =	swait.ge [sflag:s24], $0x4000  }
0xa8: {  	[sflag:s24] =	ssyncset.done $0x0  }
0xa9: {  	[sflag:s24] =	ssyncadd.s32 $0xFFFFC000  }
0xaa: {  	_ =	swait.ge [sflag:s25], $0x4000  }
0xab: {  	s28 =	sshll.u32 s1, $0x6;
	s26 =	sadd.s32 $0x1, s26;
	[sflag:s25] =	ssyncset.done $0x0  }
0xac: {  	s31 =	sshrl.u32 s5, $0x3;
	p0 =	sne.s32 s26, s15;
	[sflag:s25] =	ssyncadd.s32 $0xFFFFC000  }
.Ltmp3:
0xad: {  	s28 =	sor.u32 $0x1C05, s28;
	[bflag:$0x0] =	sbarrier.arrive $0xFFFF;
	(pc) =	sbr.rel @p0 .LBB2_1-.Ltmp3, $4  }
0xae: {  	[hbm:s14], [sflag:s28] =	dma.local [spmem:s31], $0x2800  }
0xaf: {  	_ =	swait.ge [sflag:s17], $0x2800  }
0xb0: {  	[sflag:s17] =	ssyncset.done $0x0  }
0xb1: {  	[sflag:s17] =	ssyncadd.s32 $0xFFFFD800  }
0xb2: {  	_ =	sfence.sel $0x180000  }
0xb3: {  	[bflag:$0x0] =	sbarrier.arrive $0xFFFF  }
0xb4: {  	p0 =	sne.s32 s1, $0x0;
	_ =	strace $0x9000004D  }
0xb5: {  	s0 =	sadd.s32 @!p0 $0x100000, s0;
	[bflag:$0x2] =	sbarrier.arrive $0xFFFF  }
0xb6: {  	[sflag:s0] =	ssyncadd.tile.s32 @!p0 $0x1;
	_ =	shalt  }
.Lfunc_end2:
_tile_overlayer_lowered:
.L_overlay_start_2:
0xb7: {  	(tag) =	ssettag $0x2  }
0xb8: {  	s0 =	rddreg [dreg:$0x0];
	s2 =	stileid.u32  }
0xb9: {  	s1 =	rddreg [dreg:$0x1];
	p0 =	sne.s32 s2, $0x0  }
0xba: {  	s3 =	rddreg [dreg:$0x2];
	[bflag:$0x3] =	sbarrier.arrive $0xFFFF;
	s2 =	simm.s32 @!p0 $0x1C05  }
0xbb: {  	[timem:s3], [sflag:s2] =	dma.local @!p0 [hbm:s0], s1  }
0xbc: {  	s0 =	simm.s32 @!p0 $0x5  }
0xbd: {  	_ =	swait.ge @!p0 [sflag:s0], s1  }
0xbe: {  	s1 =	ssub.s32 @!p0 $0x0, s1;
	[sflag:s0] =	ssyncset.done @!p0 $0x0  }
0xbf: {  	[sflag:s0] =	ssyncadd.s32 @!p0 s1  }
0xc0: {  	[bflag:$0x3] =	sbarrier.arrive $0xFFFF  }
0xc1: {  	_ =	shalt  }

// kernel: kernel.9.cloned.1.call-start
scs
__scs_entry_jumppad:
0x0: {  	(pc) =	sbr.rel $0x88, $3  }
0x1: {  	(tag) =	ssettag $0x0;
	lr =	simm.s32 $0x1  }
0x2: {  	[smem:$0x3F9B] =	sst lr;
	_ =	strace $0xD0000000  }
0x3: {  	_ = 	snop  }
0x4: {  	_ = 	snop  }
0x5: {  	_ = 	snop  }
0x6: {  	_ = 	snop  }
0x7: {  	_ = 	snop  }
__scs_overlays_trampoline_lowered:
0x8: {  	[smem:$0x3FAA] =	sst s0  }
0x9: {  	[smem:$0x3FAB] =	sst s1  }
0xa: {  	[smem:$0x3FAC] =	sst s2  }
0xb: {  	[smem:$0x3FAD] =	sst s3  }
0xc: {  	[smem:$0x3FAE] =	sst s4  }
0xd: {  	[smem:$0x3FAF] =	sst s5  }
0xe: {  	[smem:$0x3FB0] =	sst s6  }
0xf: {  	[smem:$0x3FB1] =	sst s7  }
0x10: {  	[smem:$0x3FB2] =	sst s8  }
0x11: {  	[smem:$0x3FB3] =	sst s9;
	s0 =	simm.s32 @!p0 $0x0  }
0x12: {  	s1 =	sld [smem:$0x3F99];
	s0 =	simm.s32 @p0 $0x1  }
0x13: {  	[smem:$0x3FB4] =	sst s0;
	s0 =	simm.s32 @!p1 $0x0  }
0x14: {  	s2 =	sld [smem:$0x3F98];
	s0 =	simm.s32 @p1 $0x1  }
0x15: {  	[smem:$0x3FB5] =	sst s0;
	s0 =	simm.s32 @!p2 $0x0  }
0x16: {  	s3 =	sld [smem:$0x3FDB];
	s0 =	simm.s32 @p2 $0x1  }
0x17: {  	s4 =	simm.s32 $0x1BF5;
	[smem:$0x3FB7] =	sst s0  }
0x18: {  	s0 =	sld [smem:$0x3F9A];
	_ =	swait.ge [sflag:s4], $0x0  }
0x19: {  	s7 =	sld [smem:$0x3F9B]  }
0x1a: {  	s8 =	sadd.s32 $0xFFFFE003, lr  }
0x1b: {  	s9 =	sadd.s32 $0xFFFFFEF7, lr;
	s5 =	simm.s32 $0xFFFFFFFF;
	p2 =	slt.u32 s8, $0xFFFFF086  }
0x1c: {  	p1 =	slt.u32 s9, $0xF7A;
	s5 =	simm.s32 @!p2 $0x0  }
0x1d: {  	s5 =	simm.s32 @p1 $0x1;
	p0 =	seq.s32 s7, s2  }
0x1e: {  	s7 =	smul.u32 @!p0 $0xF7A, s2;
	p2 =	seq.s32 @!p0 s5, $0x0  }
0x1f: {  	s9 =	smul.u32 $0xF7A, s1;
	s8 =	simm.s32 @!p0 $0x1BF5;
	p2 =	por !p2, p0  }
0x20: {  	[sflag:s8] =	ssyncset.s32 @!p0 $0xFFFFF086;
	s6 =	sadd.s32 @!p0 s3, s7;
	s7 =	simm.s32 @!p0 $0x108  }
0x21: {  	s3 =	sadd.s32 s3, s9;
	s6 =	sadd.s32 @!p0 $0x88, s6;
	s7 =	simm.s32 @p2 $0x1082  }
0x22: {  	[simem:s7], [sflag:s8] =	dma.local @!p0 [hbm:s6], $0xF7A  }
0x23: {  	s9 =	sor.u32 $0xD0000000, s2;
	s6 =	simm.s32 $0x108;
	_ =	swait.ge @!p0 [sflag:s8], $0x0  }
0x24: {  	s3 =	sadd.s32 $0x88, s3;
	s6 =	simm.s32 @!p1 $0x1082;
	[sflag:s4] =	ssyncset.s32 $0xFFFFF086  }
0x25: {  	[simem:s6], [sflag:s4] =	dma.local [hbm:s3], $0xF7A  }
0x26: {  	[smem:$0x3F9B] =	sst s1;
	(tag) =	ssettag s2;
	_ =	strace s9  }
0x27: {  	s1 =	sld [smem:$0x3FAB]  }
0x28: {  	s2 =	sld [smem:$0x3FAC]  }
0x29: {  	s4 =	sld [smem:$0x3FAE]  }
0x2a: {  	p0 =	seq.s32 s5, $0x0;
	s5 =	sld [smem:$0x3FAF]  }
0x2b: {  	s6 =	sld [smem:$0x3FB0]  }
0x2c: {  	s7 =	sld [smem:$0x3FB1]  }
0x2d: {  	s3 =	simm.s32 $0x108;
	s8 =	sld [smem:$0x3FB2]  }
0x2e: {  	s3 =	simm.s32 @!p0 $0x1082;
	s9 =	sld [smem:$0x3FB3]  }
0x2f: {  	lr =	sadd.s32 s0, s3;
	s0 =	sld [smem:$0x3FAA]  }
0x30: {  	s3 =	sld [smem:$0x3FAD]  }
0x31: {  	[smem:$0x3FB6] =	sst s10  }
0x32: {  	s10 =	sld [smem:$0x3FB4];
	_ =	sdelay $0x3  }
0x33: {  	p0 =	seq.s32 s10, $0x1;
	s10 =	sld [smem:$0x3FB6];
	_ =	sdelay $0x3  }
0x34: {  	[smem:$0x3FB6] =	sst s10  }
0x35: {  	s10 =	sld [smem:$0x3FB5];
	_ =	sdelay $0x3  }
0x36: {  	p1 =	seq.s32 s10, $0x1;
	s10 =	sld [smem:$0x3FB6];
	_ =	sdelay $0x3  }
0x37: {  	[smem:$0x3FB6] =	sst s10  }
0x38: {  	s10 =	sld [smem:$0x3FB7]  }
0x39: {  	_ = 	snop;
	(pc) =	sbr.ind lr, $3  }
0x3a: {  	_ = 	snop  }
0x3b: {  	_ = 	snop  }
0x3c: {  	p2 =	seq.s32 s10, $0x1;
	s10 =	sld [smem:$0x3FB6]  }
0x3d: {  	_ =	shalt  }
0x3e: {  	_ =	shalt  }
0x3f: {  	_ =	shalt  }
0x40: {  	_ =	shalt  }
0x41: {  	_ =	shalt  }
0x42: {  	_ =	shalt  }
0x43: {  	_ =	shalt  }
0x44: {  	_ =	shalt  }
0x45: {  	_ =	shalt  }
0x46: {  	_ =	shalt  }
0x47: {  	_ =	shalt  }
0x48: {  	_ =	shalt  }
0x49: {  	_ =	shalt  }
0x4a: {  	_ =	shalt  }
0x4b: {  	_ =	shalt  }
0x4c: {  	_ =	shalt  }
0x4d: {  	_ =	shalt  }
0x4e: {  	_ =	shalt  }
0x4f: {  	_ =	shalt  }
0x50: {  	_ =	shalt  }
0x51: {  	_ =	shalt  }
0x52: {  	_ =	shalt  }
0x53: {  	_ =	shalt  }
0x54: {  	_ =	shalt  }
0x55: {  	_ =	shalt  }
0x56: {  	_ =	shalt  }
0x57: {  	_ =	shalt  }
0x58: {  	_ =	shalt  }
0x59: {  	_ =	shalt  }
0x5a: {  	_ =	shalt  }
0x5b: {  	_ =	shalt  }
0x5c: {  	_ =	shalt  }
0x5d: {  	_ =	shalt  }
0x5e: {  	_ =	shalt  }
0x5f: {  	_ =	shalt  }
0x60: {  	_ =	shalt  }
0x61: {  	_ =	shalt  }
0x62: {  	_ =	shalt  }
0x63: {  	_ =	shalt  }
0x64: {  	_ =	shalt  }
0x65: {  	_ =	shalt  }
0x66: {  	_ =	shalt  }
0x67: {  	_ =	shalt  }
0x68: {  	_ =	shalt  }
0x69: {  	_ =	shalt  }
0x6a: {  	_ =	shalt  }
0x6b: {  	_ =	shalt  }
0x6c: {  	_ =	shalt  }
0x6d: {  	_ =	shalt  }
0x6e: {  	_ =	shalt  }
0x6f: {  	_ =	shalt  }
0x70: {  	_ =	shalt  }
0x71: {  	_ =	shalt  }
0x72: {  	_ =	shalt  }
0x73: {  	_ =	shalt  }
0x74: {  	_ =	shalt  }
0x75: {  	_ =	shalt  }
0x76: {  	_ =	shalt  }
0x77: {  	_ =	shalt  }
0x78: {  	_ =	shalt  }
0x79: {  	_ =	shalt  }
0x7a: {  	_ =	shalt  }
0x7b: {  	_ =	shalt  }
0x7c: {  	_ =	shalt  }
0x7d: {  	_ =	shalt  }
0x7e: {  	_ =	shalt  }
0x7f: {  	_ =	shalt  }
0x80: {  	_ =	shalt  }
0x81: {  	_ =	shalt  }
0x82: {  	_ =	shalt  }
0x83: {  	_ =	shalt  }
0x84: {  	_ =	shalt  }
0x85: {  	_ =	shalt  }
0x86: {  	_ =	shalt  }
0x87: {  	_ =	shalt  }
.Lfunc_end0:
.L_simem_size_0:
called_computation_lowered:
.L_overlay_start_0:
0x88: {  	s2 =	sld [smem:$0x3FD9]  }
0x89: {  	s3 =	sld [smem:$0x3FFE];
	_ =	sdelay $0x1  }
0x8a: {  	s1 =	srdreg.scid  }
0x8b: {  	s0 =	sand.u32 $0x1, s1  }
0x8c: {  	s17 =	sshll.u32 s0, $0xA;
	s2 =	sadd.s32 s3, s2  }
0x8d: {  	s2 =	sadd.s32 s2, s17  }
0x8e: {  	[smem:$0x3FC2] =	sst s2  }
0x8f: {  	_ = 	snop  }
0x90: {  	s2 =	sld [smem:$0x3FD0];
	(tm) =	ssettm $0x1  }
0x91: {  	s18 =	sld [smem:$0x3FFB];
	_ =	sdelay $0x3  }
0x92: {  	_ =	strace s18  }
0x93: {  	s3 =	sld [smem:$0x3FFC];
	_ =	sdelay $0x3  }
0x94: {  	_ =	strace s3  }
0x95: {  	s3 =	sld [smem:$0x3FFD];
	_ =	sdelay $0x3  }
0x96: {  	_ =	strace s3  }
0x97: {  	_ =	strace $0x8FFFFFFF  }
0x98: {  	s19 =	sld [smem:$0x3FDB];
	_ =	sdelay $0x1  }
0x99: {  	s4 =	simm.s32 $_scs_section_size  }
0x9a: {  	s5 =	simm.s32 $_size__tile_overlayer_lowered;
	s6 =	simm.s32 $_tile_overlayer_lowered  }
0x9b: {  	s22 =	simm.s32 $0x1BFF;
	s21 =	sshll.u32 s6, $0x1;
	s3 =	sadd.s32 s4, s19  }
0x9c: {  	s7 =	simm.s32 $0x0;
	s20 =	sshll.u32 s5, $0x1;
	s5 =	sadd.s32 s21, s3  }
0x9d: {  	[timem:s7], [sflag:s22] =	dma.local [hbm:s5], s20  }
0x9e: {  	_ =	swait.ge [sflag:s22], s20  }
0x9f: {  	s4 =	ssub.s32 $0x0, s20;
	[sflag:s22] =	ssyncset.done $0x0  }
0xa0: {  	[sflag:s22] =	ssyncadd.s32 s4;
	_ =	sdelay $0x1  }
0xa1: {  	s23 =	simm.s32 $0x1B8B  }
0xa2: {  	_ =	swait.ge [sflag:s23], $0x1  }
0xa3: {  	[sflag:s23] =	ssyncset.done $0x0  }
0xa4: {  	s25 =	simm.s32 $0x1B8E;
	s24 =	sld [smem:$0x3FFE];
	[sflag:s23] =	ssyncadd.s32 $0xFFFFFFFF  }
0xa5: {  	s26 =	simm.s32 $execute0_lowered;
	[smem:$0x3FD2] =	sst s25  }
0xa6: {  	s5 =	sshll.u32 s26, $0x1;
	_ =	strace $0x80000046;
	[dreg:$0x1] =	wrdreg $0xFFFFFFFF  }
0xa7: {  	s28 =	simm.s32 $_size_execute0_lowered;
	s3 =	sadd.s32 s3, s5;
	[dreg:$0x0] =	wrdreg $0x0  }
0xa8: {  	s5 =	sshll.u32 s28, $0x1;
	[dreg:$0x2] =	wrdreg s3  }
0xa9: {  	[dreg:$0x3] =	wrdreg s5  }
0xaa: {  	[dreg:$0x4] =	wrdreg $0xC0  }
0xab: {  	_ =	task [dreg:s7], $0x5FFFF  }
0xac: {  	[dreg:$0x1] =	wrdreg $0xFFFFFFFF  }
0xad: {  	[dreg:$0x0] =	wrdreg $0x60  }
0xae: {  	[dreg:$0x2] =	wrdreg s2  }
0xaf: {  	[dreg:$0x3] =	wrdreg s24  }
0xb0: {  	[dreg:$0x4] =	wrdreg $0x68000  }
0xb1: {  	[dreg:$0x5] =	wrdreg $0x9  }
0xb2: {  	_ =	task.clear_ibuf [dreg:s7], $0x6FFFF;
	_ =	strace $0x90000046  }
0xb3: {  	s29 =	simm.s32 $0x9;
	_ =	strace $0x80000048  }
0xb4: {  	_ =	swait.ge [sflag:s29], $0x1  }
0xb5: {  	[sflag:s29] =	ssyncadd.s32 $0xFFFFFFFF  }
0xb6: {  	_ =	strace $0x90000048  }
0xb7: {  	_ =	sfence  }
0xb8: {  	s30 =	sld [smem:$0x0];
	_ =	sdelay $0x2  }
0xb9: {  	s31 =	sshll.u32 s1, $0xD;
	s1 =	sshrl.u32 s1, $0x2  }
0xba: {  	s3 =	sand.u32 $0x4000, s31;
	s1 =	sadd.s32 s1, s30  }
0xbb: {  	s0 =	sor.u32 s3, s0;
	s1 =	sshll.u32 s1, $0x11  }
0xbc: {  	s0 =	sor.u32 s1, s0  }
0xbd: {  	s0 =	sadd.s32 $0x8F2B, s0  }
0xbe: {  	[sflag:s0] =	ssyncadd.remote.s32 $0x1  }
0xbf: {  	_ =	sfence.sel $0xFFFF  }
0xc0: {  	[dreg:$0x0] =	wrdreg $0xFFFFFFFF;
	(pc) =	sbr.abs _section_cstart, $3  }
0xc1: {  	[dreg:$0x1] =	wrdreg $0xFFFFFFFF  }
0xc2: {  	_ =	task.clear_ibuf [dreg:s7], $0x2FFFF;
	_ =	strace $0x9FFFFFFF  }
0xc3: {  	(tm) =	ssettm $0x7FFFFFFF  }
tec
execute0_lowered:
.L_overlay_start_1:
0x0: {  	(tag) =	ssettag $0x1  }
0x1: {  	s4 =	rddreg [dreg:$0x0]  }
0x2: {  	s5 =	rddreg [dreg:$0x1]  }
0x3: {  	s1 =	rddreg [dreg:$0x2];
	s2 =	srdreg.scid  }
0x4: {  	s0 =	rddreg [dreg:$0x3];
	s3 =	simm.s32 $0x0;
	s12 =	simm.s32 $0x3  }
0x5: {  	s13 =	simm.s32 $0x2800;
	s14 =	simm.s32 $0x80;
	s15 =	simm.s32 $0x1  }
0x6: {  	s16 =	simm.s32 $0x2;
	s6 =	sand.u32 $0x1, s2;
	s2 =	stileid.u32  }
0x7: {  	s19 =	simm.s32 $0x0;
	[smem:$0x7FF] =	sst s3;
	s7 =	smul.u32 $0x140000, s6  }
0x8: {  	s8 =	smul.u32 $0x14000, s2;
	_ =	strace $0x80000047;
	s9 =	sshll.u32 s6, $0x4  }
0x9: {  	s29 =	smul.u32 $0x50000, s2;
	s6 =	ssub.s32 $0x2, s6;
	s17 =	sshll.u32 s2, $0x6  }
0xa: {  	s28 =	sor.u32 s2, s9;
	s30 =	sshrl.u32 s6, $0x1;
	s17 =	sor.u32 $0x1C03, s17  }
0xb: {  	s7 =	sadd.s32 s8, s7;
	s8 =	smul.u32 $0x500, s28;
	s11 =	ssub.s32 s6, s30  }
0xc: {  	s31 =	sshrl.u32 s29, $0x2;
	s7 =	sshrl.u32 s7, $0x3;
	s11 =	smax.u32 s11, $0x1  }
0xd: {  	s10 =	sadd.s32 s7, s5;
	s4 =	sadd.s32 s4, s8;
	s5 =	sadd.s32 s31, s1  }
0xe: {  	s6 =	sadd.s32 $0x4000, s5;
	s7 =	sadd.s32 $0x8000, s5;
	s8 =	sadd.s32 $0xC000, s5  }
0xf: {  	v0 =	vimm.f32 $0.0e+00;
	v1 =	vimm.f32 $1.000000000e+00;
	s9 =	sadd.s32 $0x10000, s5;
	s10 =	sadd.s32 $0xC000, s10;
	s18 =	sshrl.u32 s5, $0x3  }
.LBB2_1:
0x10: {  	[tilespmem:s3], [sflag:$0x3] =	stream.linear.gather [hbm4b:s4+s3], $0x2800, $0x38;
	[tilespmem:$0x1A800] =	vst v63  }
0x11: {  	_ =	swait.ge [sflag:s12], $0x2800  }
0x12: {  	[sflag:s12] =	ssyncset.done $0x0  }
0x13: {  	s20 =	simm.s32 $0x0;
	s21 =	simm.s32 $0x200;
	[sflag:s12] =	ssyncadd.s32 $0xFFFFD800  }
.LBB2_2:
0x14: {  	p0 =	sne.s32 s21, $0xFE00;
	[tilespmem:s20+$0x2870] =	vst v0  }
0x15: {  	[tilespmem:s20+$0x2800] =	vst v0  }
0x16: {  	[tilespmem:s20+$0x2810] =	vst v0  }
.Ltmp0:
0x17: {  	[tilespmem:s20+$0x2820] =	vst v0;
	(pc) =	sbr.rel @p0 .LBB2_2-.Ltmp0, $4  }
0x18: {  	[tilespmem:s20+$0x2830] =	vst v0  }
0x19: {  	[tilespmem:s20+$0x2840] =	vst v0  }
0x1a: {  	[tilespmem:s20+$0x2850] =	vst v0  }
0x1b: {  	[tilespmem:s20+$0x2860] =	vst v0;
	s20 =	sshra.s32 s21, $0x2;
	s21 =	sadd.s32 $0x200, s21  }
0x1c: {  	[tilespmem:s20+$0x2870] =	vst v0  }
0x1d: {  	[tilespmem:s20+$0x2800] =	vst v0  }
0x1e: {  	[tilespmem:s20+$0x2810] =	vst v0  }
0x1f: {  	[tilespmem:s20+$0x2820] =	vst v0  }
0x20: {  	[tilespmem:s20+$0x2830] =	vst v0  }
0x21: {  	[tilespmem:s20+$0x2840] =	vst v0  }
0x22: {  	[tilespmem:s20+$0x2850] =	vst v0  }
0x23: {  	[tilespmem:s20+$0x2860] =	vst v0  }
0x24: {  	[spmem:s5] =	stream.linear.scatter [tilespmem:s13], [sflag:$0x3], $0x4000, $0x38;
	[tilespmem:$0x1A800] =	vst v63  }
0x25: {  	_ =	swait.ge [sflag:s12], $0x4000  }
0x26: {  	[sflag:s12] =	ssyncset.done $0x0  }
0x27: {  	[sflag:s12] =	ssyncadd.s32 $0xFFFFC000  }
0x28: {  	[spmem:s6] =	stream.linear.scatter [tilespmem:s13], [sflag:$0x3], $0x4000, $0x38;
	[tilespmem:$0x1A800] =	vst v63  }
0x29: {  	_ =	swait.ge [sflag:s12], $0x4000  }
0x2a: {  	[sflag:s12] =	ssyncset.done $0x0  }
0x2b: {  	[sflag:s12] =	ssyncadd.s32 $0xFFFFC000  }
0x2c: {  	[spmem:s7] =	stream.linear.scatter [tilespmem:s13], [sflag:$0x3], $0x4000, $0x38;
	[tilespmem:$0x1A800] =	vst v63  }
0x2d: {  	_ =	swait.ge [sflag:s12], $0x4000  }
0x2e: {  	[sflag:s12] =	ssyncset.done $0x0  }
0x2f: {  	[sflag:s12] =	ssyncadd.s32 $0xFFFFC000  }
0x30: {  	[spmem:s8] =	stream.linear.scatter [tilespmem:s13], [sflag:$0x3], $0x4000, $0x38;
	[tilespmem:$0x1A800] =	vst v63  }
0x31: {  	_ =	swait.ge [sflag:s12], $0x4000  }
0x32: {  	[sflag:s12] =	ssyncset.done $0x0  }
0x33: {  	[sflag:s12] =	ssyncadd.s32 $0xFFFFC000  }
0x34: {  	[spmem:s9] =	stream.linear.scatter [tilespmem:s13], [sflag:$0x3], $0x4000, $0x38;
	[tilespmem:$0x1A800] =	vst v63  }
0x35: {  	_ =	swait.ge [sflag:s12], $0x4000  }
0x36: {  	[sflag:s12] =	ssyncset.done $0x0  }
0x37: {  	[sflag:s12] =	ssyncadd.s32 $0xFFFFC000  }
0x38: {  	s20 =	simm.s32 $0x0;
	s21 =	simm.s32 $0x200;
	[bflag:$0x0] =	sbarrier.arrive $0xFFFF  }
.LBB2_4:
0x39: {  	p0 =	sne.s32 s21, $0xFE00;
	[tilespmem:s20+$0x2870] =	vst v1  }
0x3a: {  	[tilespmem:s20+$0x2800] =	vst v1  }
0x3b: {  	[tilespmem:s20+$0x2810] =	vst v1  }
.Ltmp1:
0x3c: {  	[tilespmem:s20+$0x2820] =	vst v1;
	(pc) =	sbr.rel @p0 .LBB2_4-.Ltmp1, $4  }
0x3d: {  	[tilespmem:s20+$0x2830] =	vst v1  }
0x3e: {  	[tilespmem:s20+$0x2840] =	vst v1  }
0x3f: {  	[tilespmem:s20+$0x2850] =	vst v1  }
0x40: {  	[tilespmem:s20+$0x2860] =	vst v1;
	s20 =	sshra.s32 s21, $0x2;
	s21 =	sadd.s32 $0x200, s21  }
0x41: {  	[tilespmem:s20+$0x2870] =	vst v1  }
0x42: {  	[tilespmem:s20+$0x2800] =	vst v1  }
0x43: {  	[tilespmem:s20+$0x2810] =	vst v1  }
0x44: {  	[tilespmem:s20+$0x2820] =	vst v1  }
0x45: {  	[tilespmem:s20+$0x2830] =	vst v1  }
0x46: {  	[tilespmem:s20+$0x2840] =	vst v1  }
0x47: {  	[tilespmem:s20+$0x2850] =	vst v1  }
0x48: {  	[tilespmem:s20+$0x2860] =	vst v1;
	s30 =	simm.s32 $0x0  }
0x49: {  	[spmem:s1] =	stream.indirect.scatter.add.f32 [tilespmem:s13], [sflag:$0x1], $0x80, s30, s14, $0xb8;
	[tilespmem:$0x1A800] =	vst v63  }
0x4a: {  	s31 =	simm.s32 $0x80  }
0x4b: {  	[spmem:s1] =	stream.indirect.scatter.add.f32 [tilespmem:s13], [sflag:$0x2], $0x80, s31, s14, $0xb8;
	[tilespmem:$0x1A800] =	vst v63  }
0x4c: {  	_ =	swait.ge [sflag:s15], $0x4000  }
0x4d: {  	[sflag:s15] =	ssyncset.done $0x0  }
0x4e: {  	[sflag:s15] =	ssyncadd.s32 $0xFFFFC000  }
0x4f: {  	_ =	swait.ge [sflag:s16], $0x4000  }
0x50: {  	s20 =	simm.s32 $0x400;
	s21 =	simm.s32 $0x800;
	[sflag:s16] =	ssyncset.done $0x0  }
.LBB2_6:
0x51: {  	s22 =	sshra.s32 s20, $0x2  }
0x52: {  	[sflag:s16] =	ssyncadd.s32 $0xFFFFC000;
	s20 =	smov.u32 s21;
	s23 =	sadd.s32 $0x400, s21  }
0x53: {  	[spmem:s1] =	stream.indirect.scatter.add.f32 [tilespmem:s13], [sflag:$0x1], $0x80, s22, s14, $0xb8;
	[tilespmem:$0x1A800] =	vst v63  }
0x54: {  	p0 =	sne.s32 s21, $0x9C00;
	s21 =	sadd.s32 $0x80, s22  }
0x55: {  	[spmem:s1] =	stream.indirect.scatter.add.f32 [tilespmem:s13], [sflag:$0x2], $0x80, s21, s14, $0xb8;
	[tilespmem:$0x1A800] =	vst v63  }
.Ltmp2:
0x56: {  	_ =	swait.ge [sflag:s15], $0x4000;
	(pc) =	sbr.rel @p0 .LBB2_6-.Ltmp2, $4  }
0x57: {  	[sflag:s15] =	ssyncset.done $0x0  }
0x58: {  	[sflag:s15] =	ssyncadd.s32 $0xFFFFC000  }
0x59: {  	_ =	swait.ge [sflag:s16], $0x4000  }
0x5a: {  	s21 =	smov.u32 s23;
	[sflag:s16] =	ssyncset.done $0x0  }
0x5b: {  	s20 =	sshra.s32 s20, $0x2;
	[sflag:s16] =	ssyncadd.s32 $0xFFFFC000  }
0x5c: {  	[spmem:s1] =	stream.indirect.scatter.add.f32 [tilespmem:s13], [sflag:$0x1], $0x80, s20, s14, $0xb8;
	[tilespmem:$0x1A800] =	vst v63  }
0x5d: {  	s20 =	sadd.s32 $0x80, s20  }
0x5e: {  	[spmem:s1] =	stream.indirect.scatter.add.f32 [tilespmem:s13], [sflag:$0x2], $0x80, s20, s14, $0xb8;
	[tilespmem:$0x1A800] =	vst v63  }
0x5f: {  	_ =	swait.ge [sflag:s15], $0x4000  }
0x60: {  	[sflag:s15] =	ssyncset.done $0x0  }
0x61: {  	[sflag:s15] =	ssyncadd.s32 $0xFFFFC000  }
0x62: {  	_ =	swait.ge [sflag:s16], $0x4000  }
0x63: {  	s19 =	sadd.s32 $0x1, s19;
	[sflag:s16] =	ssyncset.done $0x0  }
0x64: {  	p0 =	sne.s32 s19, s11;
	[sflag:s16] =	ssyncadd.s32 $0xFFFFC000  }
.Ltmp3:
0x65: {  	[bflag:$0x0] =	sbarrier.arrive $0xFFFF;
	(pc) =	sbr.rel @p0 .LBB2_1-.Ltmp3, $4  }
0x66: {  	[hbm:s10], [sflag:s17] =	dma.local [spmem:s18], $0x2800  }
0x67: {  	_ =	swait.ge [sflag:s12], $0x2800  }
0x68: {  	[sflag:s12] =	ssyncset.done $0x0  }
0x69: {  	[sflag:s12] =	ssyncadd.s32 $0xFFFFD800  }
0x6a: {  	_ =	sfence.sel $0x180000  }
0x6b: {  	[bflag:$0x0] =	sbarrier.arrive $0xFFFF  }
0x6c: {  	p0 =	sne.s32 s2, $0x0;
	_ =	strace $0x90000047  }
0x6d: {  	s0 =	sadd.s32 @!p0 $0x100000, s0;
	[bflag:$0x2] =	sbarrier.arrive $0xFFFF  }
0x6e: {  	[sflag:s0] =	ssyncadd.tile.s32 @!p0 $0x1;
	_ =	shalt  }
.Lfunc_end2:
_tile_overlayer_lowered:
.L_overlay_start_2:
0x6f: {  	(tag) =	ssettag $0x2  }
0x70: {  	s0 =	rddreg [dreg:$0x0];
	s2 =	stileid.u32  }
0x71: {  	s1 =	rddreg [dreg:$0x1];
	p0 =	sne.s32 s2, $0x0  }
0x72: {  	s3 =	rddreg [dreg:$0x2];
	[bflag:$0x3] =	sbarrier.arrive $0xFFFF;
	s2 =	simm.s32 @!p0 $0x1C03  }
0x73: {  	[timem:s3], [sflag:s2] =	dma.local @!p0 [hbm:s0], s1  }
0x74: {  	s0 =	simm.s32 @!p0 $0x3  }
0x75: {  	_ =	swait.ge @!p0 [sflag:s0], s1  }
0x76: {  	s1 =	ssub.s32 @!p0 $0x0, s1;
	[sflag:s0] =	ssyncset.done @!p0 $0x0  }
0x77: {  	[sflag:s0] =	ssyncadd.s32 @!p0 s1  }
0x78: {  	[bflag:$0x3] =	sbarrier.arrive $0xFFFF  }
0x79: {  	_ =	shalt  }

</sc_bundles>
